<compile_context>
chip_gen: v7x
topology: tpu7x:2x2x1
jax: 0.10.2.dev20260603
libtpu: 0.0.44.dev20260713+nightly
codegen_flags: <defaults>
</compile_context>

<pallas_src>
import functools

import numpy as np
import jax
import jax.numpy as jnp
from jax import lax
from jax.experimental import pallas as pl
from jax.experimental.pallas import tpu as pltpu
from jax.experimental.pallas import tpu_sc as plsc

_TOPK = 0.2
_LANES = 16
_UNROLL = 8


def _make_sc_kernel(n_rows, n_cols, k):
    info = plsc.get_sparse_core_info()
    nc, ns = info.num_cores, info.num_subcores
    n_workers = nc * ns
    assert n_rows % n_workers == 0
    rows_per_w = n_rows // n_workers
    assert (n_cols // _LANES) % _UNROLL == 0

    mesh = plsc.VectorSubcoreMesh(core_axis_name="c", subcore_axis_name="s")

    @functools.partial(
        pl.kernel,
        out_type=jax.ShapeDtypeStruct((n_rows, n_cols), jnp.float32),
        mesh=mesh,
        compiler_params=pltpu.CompilerParams(needs_layout_passes=False),
        scratch_types=[
            pltpu.VMEM((n_cols,), jnp.float32),
            pltpu.VMEM((n_cols,), jnp.float32),
            pltpu.VMEM((n_cols,), jnp.int32),
            pltpu.VMEM((256 * _LANES,), jnp.int32),
            pltpu.SemaphoreType.DMA,
            pltpu.SemaphoreType.DMA,
        ],
    )
    def sc_kernel(x_hbm, out_hbm, xb0, xb1, ubuf, bins, insem, outsem):
        wid = lax.axis_index("s") * nc + lax.axis_index("c")
        lanes = lax.broadcasted_iota(jnp.int32, (_LANES,), 0)
        ones = jnp.ones((_LANES,), jnp.int32)
        base_row = wid * rows_per_w

        def binsum(b):
            return jnp.sum(bins[pl.ds(b * _LANES, _LANES)])

        def pick_bin(k_cur):
            def cond(c):
                b, acc = c
                return acc + binsum(b) < k_cur

            def body(c):
                b, acc = c
                return b - 1, acc + binsum(b)

            b_sel, acc = lax.while_loop(
                cond, body, (jnp.int32(255), jnp.int32(0)))
            return b_sel, k_cur - acc

        def zero_bins():
            @plsc.parallel_loop(0, 256 * _LANES, _LANES, unroll=_UNROLL)
            def _(off):
                bins[pl.ds(off, _LANES)] = jnp.zeros((_LANES,), jnp.int32)

        bufs = [xb0, xb1]
        pltpu.async_copy(x_hbm.at[base_row], xb0, insem)

        for r in range(rows_per_w):
            row = bufs[r % 2]
            pltpu.make_async_copy(x_hbm.at[base_row + r], row, insem).wait()
            if r + 1 < rows_per_w:
                if r >= 1:
                    pltpu.make_async_copy(
                        bufs[(r + 1) % 2],
                        out_hbm.at[base_row + r - 1], outsem).wait()
                pltpu.async_copy(x_hbm.at[base_row + r + 1],
                                 bufs[(r + 1) % 2], insem)

            zero_bins()

            @plsc.parallel_loop(0, n_cols, _LANES, unroll=_UNROLL)
            def _(off):
                b = plsc.bitcast(row[pl.ds(off, _LANES)], jnp.int32)
                s = lax.shift_right_arithmetic(b, 31)
                u = lax.bitwise_xor(
                    b, lax.bitwise_and(s, jnp.int32(0x7FFFFFFF)))
                ubuf[pl.ds(off, _LANES)] = u
                byte = lax.shift_right_arithmetic(u, 24) + 128
                idx = lax.bitwise_or(lax.shift_left(byte, 4), lanes)
                plsc.addupdate_scatter(bins, [idx], ones)

            b0, k1 = pick_bin(jnp.int32(k))
            p1 = b0 - 128

            def masked_scan(prefix, shift_match, shift_byte):
                zero_bins()

                @plsc.parallel_loop(0, n_cols, _LANES, unroll=_UNROLL)
                def _(off):
                    u = ubuf[pl.ds(off, _LANES)]
                    m = lax.shift_right_arithmetic(u, shift_match) == prefix
                    byte = lax.bitwise_and(
                        lax.shift_right_arithmetic(u, shift_byte),
                        jnp.int32(0xFF))
                    idx = lax.bitwise_or(lax.shift_left(byte, 4), lanes)
                    plsc.addupdate_scatter(bins, [idx], ones, mask=m)

            masked_scan(p1, 24, 16)
            b1, k2 = pick_bin(k1)
            p2 = lax.bitwise_or(lax.shift_left(p1, 8), b1)
            masked_scan(p2, 16, 8)
            b2, k3 = pick_bin(k2)
            p3 = lax.bitwise_or(lax.shift_left(p2, 8), b2)
            masked_scan(p3, 8, 0)
            b3, _ = pick_bin(k3)
            ut = lax.bitwise_or(lax.shift_left(p3, 8), b3)

            @plsc.parallel_loop(0, n_cols, _LANES, unroll=_UNROLL)
            def _(off):
                v = row[pl.ds(off, _LANES)]
                u = ubuf[pl.ds(off, _LANES)]
                y = jnp.where(u >= ut, jnp.float32(1.0) - v, v)
                row[pl.ds(off, _LANES)] = y

            pltpu.async_copy(row, out_hbm.at[base_row + r], outsem)

        pltpu.make_async_copy(
            bufs[(rows_per_w - 1) % 2],
            out_hbm.at[base_row + rows_per_w - 1], outsem).wait()
        pltpu.make_async_copy(
            bufs[rows_per_w % 2],
            out_hbm.at[base_row + rows_per_w - 2], outsem).wait()

    return sc_kernel


def kernel(Attention_map):
    B, C, H, W = Attention_map.shape
    L = C * H * W
    K = int(np.clip(int(L * _TOPK), 1, C))
    x = Attention_map.reshape(B, L)
    sc = _make_sc_kernel(B, L, K)
    y = sc(x)
    return y.reshape(B, C, H, W)

# --- scband reference (transcript-rebuilt; emitter-appended) ---
"""Pipeline reference for scband-scatt-block-3195455668599 (READ-ONLY COPY).

The authoritative reference and input builder live on the scoring server;
editing this copy changes nothing except your own understanding.
"""

import jax, jax.numpy as jnp
import numpy as np

TOPK = 0.2

def setup_inputs(seed: int = 0) -> dict:
    key = jax.random.key(seed)
    Attention_map = jax.random.normal(key, (128, 32768, 1, 1), dtype=jnp.float32)
    return {"Attention_map": Attention_map}

def reference(Attention_map):
    # Faithful translation of SCAttBlock.forward:
    # for each Map [C,H,W] in the batch:
    #   flatten, K = clip(int(len*topk), 1, C), take top-K flat indices,
    #   then Map[index] = 1 - Map[index]  (indexing along channel dim 0).
    # With H=W=1 the flat indices coincide with channel indices (this is the
    # only configuration under which the original torch code runs in-bounds).
    B, C, H, W = Attention_map.shape
    L = C * H * W
    K = int(np.clip(int(L * TOPK), 1, C))
    flat = Attention_map.reshape(B, L)
    _, idx = jax.lax.top_k(flat, K)  # [B, K]

    def per_map(m, ind):
        # m: [C, H, W], ind: [K] indexing dim 0
        sel = m[ind]
        return m.at[ind].set(1.0 - sel)

    new_map = jax.vmap(per_map)(Attention_map, idx)
    return new_map

if __name__ == "__main__":
    import jax
    _d = setup_inputs()
    print(jax.jit(kernel)(*tuple(_d.values())))

</pallas_src>

<mosaic_0001>
#map = affine_map<(d0, d1) -> (0, 0)>
module attributes {stable_mosaic.version = 14 : i64} {
  func.func @sc_kernel(%arg0: i32, %arg1: i32, %arg2: memref<128x32768xf32, #tpu.memory_space<hbm>>, %arg3: memref<128x32768xf32, #tpu.memory_space<hbm>>, %arg4: memref<32768xf32, #tpu.memory_space<vmem>>, %arg5: memref<32768xf32, #tpu.memory_space<vmem>>, %arg6: memref<32768xi32, #tpu.memory_space<vmem>>, %arg7: memref<4096xi32, #tpu.memory_space<vmem>>, %arg8: memref<!tpu.dma_semaphore, #tpu.memory_space<semaphore_mem>>, %arg9: memref<!tpu.dma_semaphore, #tpu.memory_space<semaphore_mem>>) attributes {dimension_semantics = [#tpu.dimension_semantics<core_parallel>, #tpu.dimension_semantics<subcore_parallel>], iteration_bounds = array<i64: 2, 16>, scalar_prefetch = 0 : i64, scratch_operands = 6 : i64, tpu.core_type = #tpu.core_type<sc_vector_subcore>, window_params = [{transform_indices = #map}, {transform_indices = #map}]} {
    %mul3A = arith.constant 2 : i32
    %mul3A_0 = arith.muli %arg1, %mul3A : i32
    %add3A = arith.addi %mul3A_0, %arg0 : i32
    %iota3A = tpu.iota {dimensions = array<i32: 0>} : vector<16xi32>
    %broadcast_in_dim3A = arith.constant 1 : i32
    %broadcast_in_dim3A_1 = vector.broadcast %broadcast_in_dim3A : i32 to vector<16xi32>
    %mul3A_2 = arith.constant 4 : i32
    %mul3A_3 = arith.muli %add3A, %mul3A_2 : i32
    %dma_start3A = arith.constant 0 : i32
    %dma_start3A_4 = tpu.memref_slice %arg2[%mul3A_3, %dma_start3A] : memref<128x32768xf32, #tpu.memory_space<hbm>> -> memref<1x32768xf32, #tpu.memory_space<hbm>>
    %dma_start3A_5 = tpu.memref_squeeze %dma_start3A_4 : memref<1x32768xf32, #tpu.memory_space<hbm>> -> memref<32768xf32, #tpu.memory_space<hbm>>
    %dma_start3A_6 = arith.constant 0 : i32
    %dma_start3A_7 = tpu.memref_slice %arg2[%mul3A_3, %dma_start3A_6] : memref<128x32768xf32, #tpu.memory_space<hbm>> -> memref<1x32768xf32, #tpu.memory_space<hbm>>
    %dma_start3A_8 = tpu.memref_squeeze %dma_start3A_7 : memref<1x32768xf32, #tpu.memory_space<hbm>> -> memref<32768xf32, #tpu.memory_space<hbm>>
    tpu.enqueue_dma source(%dma_start3A_8 : memref<32768xf32, #tpu.memory_space<hbm>>) target(%arg4 : memref<32768xf32, #tpu.memory_space<vmem>>) target_semaphore(%arg8 : memref<!tpu.dma_semaphore, #tpu.memory_space<semaphore_mem>>)
    %add3A_9 = arith.constant 0 : i32
    %add3A_10 = arith.addi %mul3A_3, %add3A_9 : i32
    %dma_wait3A = arith.constant 0 : i32
    %dma_wait3A_11 = tpu.memref_slice %arg2[%add3A_10, %dma_wait3A] : memref<128x32768xf32, #tpu.memory_space<hbm>> -> memref<1x32768xf32, #tpu.memory_space<hbm>>
    %dma_wait3A_12 = tpu.memref_squeeze %dma_wait3A_11 : memref<1x32768xf32, #tpu.memory_space<hbm>> -> memref<32768xf32, #tpu.memory_space<hbm>>
    %dma_wait3A_13 = arith.constant 0 : i32
    %dma_wait3A_14 = tpu.memref_slice %arg2[%add3A_10, %dma_wait3A_13] : memref<128x32768xf32, #tpu.memory_space<hbm>> -> memref<1x32768xf32, #tpu.memory_space<hbm>>
    %dma_wait3A_15 = tpu.memref_squeeze %dma_wait3A_14 : memref<1x32768xf32, #tpu.memory_space<hbm>> -> memref<32768xf32, #tpu.memory_space<hbm>>
    tpu.wait_dma2 semaphore(%arg8 : memref<!tpu.dma_semaphore, #tpu.memory_space<semaphore_mem>>) src(%dma_wait3A_15 : memref<32768xf32, #tpu.memory_space<hbm>>) dst(%arg4 : memref<32768xf32, #tpu.memory_space<vmem>>)
    %add3A_16 = arith.constant 0 : i32
    %add3A_17 = arith.addi %mul3A_3, %add3A_16 : i32
    %add3A_18 = arith.constant 1 : i32
    %add3A_19 = arith.addi %add3A_17, %add3A_18 : i32
    %dma_start3A_20 = arith.constant 0 : i32
    %dma_start3A_21 = tpu.memref_slice %arg2[%add3A_19, %dma_start3A_20] : memref<128x32768xf32, #tpu.memory_space<hbm>> -> memref<1x32768xf32, #tpu.memory_space<hbm>>
    %dma_start3A_22 = tpu.memref_squeeze %dma_start3A_21 : memref<1x32768xf32, #tpu.memory_space<hbm>> -> memref<32768xf32, #tpu.memory_space<hbm>>
    %dma_start3A_23 = arith.constant 0 : i32
    %dma_start3A_24 = tpu.memref_slice %arg2[%add3A_19, %dma_start3A_23] : memref<128x32768xf32, #tpu.memory_space<hbm>> -> memref<1x32768xf32, #tpu.memory_space<hbm>>
    %dma_start3A_25 = tpu.memref_squeeze %dma_start3A_24 : memref<1x32768xf32, #tpu.memory_space<hbm>> -> memref<32768xf32, #tpu.memory_space<hbm>>
    tpu.enqueue_dma source(%dma_start3A_25 : memref<32768xf32, #tpu.memory_space<hbm>>) target(%arg5 : memref<32768xf32, #tpu.memory_space<vmem>>) target_semaphore(%arg8 : memref<!tpu.dma_semaphore, #tpu.memory_space<semaphore_mem>>)
    %parallel_loop3A = arith.constant 0 : i32
    %parallel_loop3A_26 = arith.constant 4096 : i32
    %parallel_loop3A_27 = arith.constant 16 : i32
    scf.for %parallel_loop3A_361 = %parallel_loop3A to %parallel_loop3A_26 step %parallel_loop3A_27  : i32 {
      %parallel_loop3A_362 = arith.constant 0 : i32
      %parallel_loop3A_363 = vector.broadcast %parallel_loop3A_362 : i32 to vector<16xi32>
      %parallel_loop3A_364 = arith.index_cast %parallel_loop3A_361 : i32 to index
      %parallel_loop3A_365 = tpu.vector_load %arg7[%parallel_loop3A_364] {strides = array<i32>} : memref<4096xi32, #tpu.memory_space<vmem>>, vector<16xi32>,
      tpu.vector_store %arg7[%parallel_loop3A_364], %parallel_loop3A_363 {strides = array<i32>} : memref<4096xi32, #tpu.memory_space<vmem>>, vector<16xi32>,
    } {sc.loop_unroll_factor = 8 : i64, sc.parallel_access}
    %parallel_loop3A_28 = arith.constant 0 : i32
    %parallel_loop3A_29 = arith.constant 32768 : i32
    %parallel_loop3A_30 = arith.constant 16 : i32
    scf.for %parallel_loop3A_361 = %parallel_loop3A_28 to %parallel_loop3A_29 step %parallel_loop3A_30  : i32 {
      %parallel_loop3A_362 = arith.index_cast %parallel_loop3A_361 : i32 to index
      %parallel_loop3A_363 = tpu.vector_load %arg4[%parallel_loop3A_362] {strides = array<i32>} : memref<32768xf32, #tpu.memory_space<vmem>>, vector<16xf32>,
      %parallel_loop3A_364 = vector.bitcast %parallel_loop3A_363 : vector<16xf32> to vector<16xi32>
      %parallel_loop3A_365 = arith.constant 31 : i32
      %parallel_loop3A_366 = vector.broadcast %parallel_loop3A_365 : i32 to vector<16xi32>
      %parallel_loop3A_367 = arith.shrsi %parallel_loop3A_364, %parallel_loop3A_366 : vector<16xi32>
      %parallel_loop3A_368 = arith.constant 2147483647 : i32
      %parallel_loop3A_369 = vector.broadcast %parallel_loop3A_368 : i32 to vector<16xi32>
      %parallel_loop3A_370 = arith.andi %parallel_loop3A_367, %parallel_loop3A_369 : vector<16xi32>
      %parallel_loop3A_371 = arith.xori %parallel_loop3A_364, %parallel_loop3A_370 : vector<16xi32>
      %parallel_loop3A_372 = arith.index_cast %parallel_loop3A_361 : i32 to index
      %parallel_loop3A_373 = tpu.vector_load %arg6[%parallel_loop3A_372] {strides = array<i32>} : memref<32768xi32, #tpu.memory_space<vmem>>, vector<16xi32>,
      tpu.vector_store %arg6[%parallel_loop3A_372], %parallel_loop3A_371 {strides = array<i32>} : memref<32768xi32, #tpu.memory_space<vmem>>, vector<16xi32>,
      %parallel_loop3A_374 = arith.constant 24 : i32
      %parallel_loop3A_375 = vector.broadcast %parallel_loop3A_374 : i32 to vector<16xi32>
      %parallel_loop3A_376 = arith.shrsi %parallel_loop3A_371, %parallel_loop3A_375 : vector<16xi32>
      %parallel_loop3A_377 = arith.constant 128 : i32
      %parallel_loop3A_378 = vector.broadcast %parallel_loop3A_377 : i32 to vector<16xi32>
      %parallel_loop3A_379 = arith.addi %parallel_loop3A_376, %parallel_loop3A_378 : vector<16xi32>
      %parallel_loop3A_380 = arith.constant 4 : i32
      %parallel_loop3A_381 = vector.broadcast %parallel_loop3A_380 : i32 to vector<16xi32>
      %parallel_loop3A_382 = arith.shli %parallel_loop3A_379, %parallel_loop3A_381 : vector<16xi32>
      %parallel_loop3A_383 = arith.ori %parallel_loop3A_382, %iota3A : vector<16xi32>
      tpu.vector_store_idx %arg7[%parallel_loop3A_383], %broadcast_in_dim3A_1 {add = true} : memref<4096xi32, #tpu.memory_space<vmem>>[vector<16xi32>], vector<16xi32>,
    } {sc.loop_unroll_factor = 8 : i64, sc.parallel_access}
    %while3A = arith.constant 6553 : i32
    %while3A_31 = arith.constant 255 : i32
    %while3A_32 = arith.constant 0 : i32
    %while3A_33:2 = scf.while (%while3A_361 = %while3A_31, %while3A_362 = %while3A_32) : (i32, i32) -> (i32, i32) {
      %mul3A_363 = arith.constant 16 : i32
      %mul3A_364 = arith.muli %while3A_361, %mul3A_363 : i32
      %get3A = arith.index_cast %mul3A_364 : i32 to index
      %get3A_365 = tpu.vector_load %arg7[%get3A] {strides = array<i32>} : memref<4096xi32, #tpu.memory_space<vmem>>, vector<16xi32>,
      %reduce_sum3A = arith.constant true
      %reduce_sum3A_366 = vector.broadcast %reduce_sum3A : i1 to vector<16xi1>
      %reduce_sum3A_367 = tpu.scan <sum>, %get3A_365 masked %reduce_sum3A_366 : vector<16xi32>, vector<16xi1> -> vector<16xi32>
      %reduce_sum3A_368 = vector.extract %reduce_sum3A_367[15] : i32 from vector<16xi32>
      %add3A_369 = arith.addi %while3A_362, %reduce_sum3A_368 : i32
      %lt3A = arith.cmpi slt, %add3A_369, %while3A : i32
      scf.condition(%lt3A) %while3A_361, %while3A_362 : i32, i32
    } do {
    ^bb0(%while3A_361: i32, %while3A_362: i32):
      %sub3A_363 = arith.constant 1 : i32
      %sub3A_364 = arith.subi %while3A_361, %sub3A_363 : i32
      %mul3A_365 = arith.constant 16 : i32
      %mul3A_366 = arith.muli %while3A_361, %mul3A_365 : i32
      %get3A = arith.index_cast %mul3A_366 : i32 to index
      %get3A_367 = tpu.vector_load %arg7[%get3A] {strides = array<i32>} : memref<4096xi32, #tpu.memory_space<vmem>>, vector<16xi32>,
      %reduce_sum3A = arith.constant true
      %reduce_sum3A_368 = vector.broadcast %reduce_sum3A : i1 to vector<16xi1>
      %reduce_sum3A_369 = tpu.scan <sum>, %get3A_367 masked %reduce_sum3A_368 : vector<16xi32>, vector<16xi1> -> vector<16xi32>
      %reduce_sum3A_370 = vector.extract %reduce_sum3A_369[15] : i32 from vector<16xi32>
      %add3A_371 = arith.addi %while3A_362, %reduce_sum3A_370 : i32
      scf.yield %sub3A_364, %add3A_371 : i32, i32
    }
    %sub3A = arith.constant 6553 : i32
    %sub3A_34 = arith.subi %sub3A, %while3A_33#1 : i32
    %sub3A_35 = arith.constant 128 : i32
    %sub3A_36 = arith.subi %while3A_33#0, %sub3A_35 : i32
    %parallel_loop3A_37 = arith.constant 0 : i32
    %parallel_loop3A_38 = arith.constant 4096 : i32
    %parallel_loop3A_39 = arith.constant 16 : i32
    scf.for %parallel_loop3A_361 = %parallel_loop3A_37 to %parallel_loop3A_38 step %parallel_loop3A_39  : i32 {
      %parallel_loop3A_362 = arith.constant 0 : i32
      %parallel_loop3A_363 = vector.broadcast %parallel_loop3A_362 : i32 to vector<16xi32>
      %parallel_loop3A_364 = arith.index_cast %parallel_loop3A_361 : i32 to index
      %parallel_loop3A_365 = tpu.vector_load %arg7[%parallel_loop3A_364] {strides = array<i32>} : memref<4096xi32, #tpu.memory_space<vmem>>, vector<16xi32>,
      tpu.vector_store %arg7[%parallel_loop3A_364], %parallel_loop3A_363 {strides = array<i32>} : memref<4096xi32, #tpu.memory_space<vmem>>, vector<16xi32>,
    } {sc.loop_unroll_factor = 8 : i64, sc.parallel_access}
    %parallel_loop3A_40 = arith.constant 0 : i32
    %parallel_loop3A_41 = arith.constant 32768 : i32
    %parallel_loop3A_42 = arith.constant 16 : i32
    scf.for %parallel_loop3A_361 = %parallel_loop3A_40 to %parallel_loop3A_41 step %parallel_loop3A_42  : i32 {
      %parallel_loop3A_362 = arith.index_cast %parallel_loop3A_361 : i32 to index
      %parallel_loop3A_363 = tpu.vector_load %arg6[%parallel_loop3A_362] {strides = array<i32>} : memref<32768xi32, #tpu.memory_space<vmem>>, vector<16xi32>,
      %parallel_loop3A_364 = arith.constant 24 : i32
      %parallel_loop3A_365 = vector.broadcast %parallel_loop3A_364 : i32 to vector<16xi32>
      %parallel_loop3A_366 = arith.shrsi %parallel_loop3A_363, %parallel_loop3A_365 : vector<16xi32>
      %parallel_loop3A_367 = vector.broadcast %sub3A_36 : i32 to vector<16xi32>
      %parallel_loop3A_368 = arith.cmpi eq, %parallel_loop3A_366, %parallel_loop3A_367 : vector<16xi32>
      %parallel_loop3A_369 = arith.constant 16 : i32
      %parallel_loop3A_370 = vector.broadcast %parallel_loop3A_369 : i32 to vector<16xi32>
      %parallel_loop3A_371 = arith.shrsi %parallel_loop3A_363, %parallel_loop3A_370 : vector<16xi32>
      %parallel_loop3A_372 = arith.constant 255 : i32
      %parallel_loop3A_373 = vector.broadcast %parallel_loop3A_372 : i32 to vector<16xi32>
      %parallel_loop3A_374 = arith.andi %parallel_loop3A_371, %parallel_loop3A_373 : vector<16xi32>
      %parallel_loop3A_375 = arith.constant 4 : i32
      %parallel_loop3A_376 = vector.broadcast %parallel_loop3A_375 : i32 to vector<16xi32>
      %parallel_loop3A_377 = arith.shli %parallel_loop3A_374, %parallel_loop3A_376 : vector<16xi32>
      %parallel_loop3A_378 = arith.ori %parallel_loop3A_377, %iota3A : vector<16xi32>
      tpu.vector_store_idx %arg7[%parallel_loop3A_378], %broadcast_in_dim3A_1 masked %parallel_loop3A_368 {add = true} : memref<4096xi32, #tpu.memory_space<vmem>>[vector<16xi32>], vector<16xi32>, vector<16xi1>
    } {sc.loop_unroll_factor = 8 : i64, sc.parallel_access}
    %while3A_43 = arith.constant 255 : i32
    %while3A_44 = arith.constant 0 : i32
    %while3A_45:2 = scf.while (%while3A_361 = %while3A_43, %while3A_362 = %while3A_44) : (i32, i32) -> (i32, i32) {
      %mul3A_363 = arith.constant 16 : i32
      %mul3A_364 = arith.muli %while3A_361, %mul3A_363 : i32
      %get3A = arith.index_cast %mul3A_364 : i32 to index
      %get3A_365 = tpu.vector_load %arg7[%get3A] {strides = array<i32>} : memref<4096xi32, #tpu.memory_space<vmem>>, vector<16xi32>,
      %reduce_sum3A = arith.constant true
      %reduce_sum3A_366 = vector.broadcast %reduce_sum3A : i1 to vector<16xi1>
      %reduce_sum3A_367 = tpu.scan <sum>, %get3A_365 masked %reduce_sum3A_366 : vector<16xi32>, vector<16xi1> -> vector<16xi32>
      %reduce_sum3A_368 = vector.extract %reduce_sum3A_367[15] : i32 from vector<16xi32>
      %add3A_369 = arith.addi %while3A_362, %reduce_sum3A_368 : i32
      %lt3A = arith.cmpi slt, %add3A_369, %sub3A_34 : i32
      scf.condition(%lt3A) %while3A_361, %while3A_362 : i32, i32
    } do {
    ^bb0(%while3A_361: i32, %while3A_362: i32):
      %sub3A_363 = arith.constant 1 : i32
      %sub3A_364 = arith.subi %while3A_361, %sub3A_363 : i32
      %mul3A_365 = arith.constant 16 : i32
      %mul3A_366 = arith.muli %while3A_361, %mul3A_365 : i32
      %get3A = arith.index_cast %mul3A_366 : i32 to index
      %get3A_367 = tpu.vector_load %arg7[%get3A] {strides = array<i32>} : memref<4096xi32, #tpu.memory_space<vmem>>, vector<16xi32>,
      %reduce_sum3A = arith.constant true
      %reduce_sum3A_368 = vector.broadcast %reduce_sum3A : i1 to vector<16xi1>
      %reduce_sum3A_369 = tpu.scan <sum>, %get3A_367 masked %reduce_sum3A_368 : vector<16xi32>, vector<16xi1> -> vector<16xi32>
      %reduce_sum3A_370 = vector.extract %reduce_sum3A_369[15] : i32 from vector<16xi32>
      %add3A_371 = arith.addi %while3A_362, %reduce_sum3A_370 : i32
      scf.yield %sub3A_364, %add3A_371 : i32, i32
    }
    %sub3A_46 = arith.subi %sub3A_34, %while3A_45#1 : i32
    %shift_left3A = arith.constant 8 : i32
    %shift_left3A_47 = arith.shli %sub3A_36, %shift_left3A : i32
    %or3A = arith.ori %shift_left3A_47, %while3A_45#0 : i32
    %parallel_loop3A_48 = arith.constant 0 : i32
    %parallel_loop3A_49 = arith.constant 4096 : i32
    %parallel_loop3A_50 = arith.constant 16 : i32
    scf.for %parallel_loop3A_361 = %parallel_loop3A_48 to %parallel_loop3A_49 step %parallel_loop3A_50  : i32 {
      %parallel_loop3A_362 = arith.constant 0 : i32
      %parallel_loop3A_363 = vector.broadcast %parallel_loop3A_362 : i32 to vector<16xi32>
      %parallel_loop3A_364 = arith.index_cast %parallel_loop3A_361 : i32 to index
      %parallel_loop3A_365 = tpu.vector_load %arg7[%parallel_loop3A_364] {strides = array<i32>} : memref<4096xi32, #tpu.memory_space<vmem>>, vector<16xi32>,
      tpu.vector_store %arg7[%parallel_loop3A_364], %parallel_loop3A_363 {strides = array<i32>} : memref<4096xi32, #tpu.memory_space<vmem>>, vector<16xi32>,
    } {sc.loop_unroll_factor = 8 : i64, sc.parallel_access}
    %parallel_loop3A_51 = arith.constant 0 : i32
    %parallel_loop3A_52 = arith.constant 32768 : i32
    %parallel_loop3A_53 = arith.constant 16 : i32
    scf.for %parallel_loop3A_361 = %parallel_loop3A_51 to %parallel_loop3A_52 step %parallel_loop3A_53  : i32 {
      %parallel_loop3A_362 = arith.index_cast %parallel_loop3A_361 : i32 to index
      %parallel_loop3A_363 = tpu.vector_load %arg6[%parallel_loop3A_362] {strides = array<i32>} : memref<32768xi32, #tpu.memory_space<vmem>>, vector<16xi32>,
      %parallel_loop3A_364 = arith.constant 16 : i32
      %parallel_loop3A_365 = vector.broadcast %parallel_loop3A_364 : i32 to vector<16xi32>
      %parallel_loop3A_366 = arith.shrsi %parallel_loop3A_363, %parallel_loop3A_365 : vector<16xi32>
      %parallel_loop3A_367 = vector.broadcast %or3A : i32 to vector<16xi32>
      %parallel_loop3A_368 = arith.cmpi eq, %parallel_loop3A_366, %parallel_loop3A_367 : vector<16xi32>
      %parallel_loop3A_369 = arith.constant 8 : i32
      %parallel_loop3A_370 = vector.broadcast %parallel_loop3A_369 : i32 to vector<16xi32>
      %parallel_loop3A_371 = arith.shrsi %parallel_loop3A_363, %parallel_loop3A_370 : vector<16xi32>
      %parallel_loop3A_372 = arith.constant 255 : i32
      %parallel_loop3A_373 = vector.broadcast %parallel_loop3A_372 : i32 to vector<16xi32>
      %parallel_loop3A_374 = arith.andi %parallel_loop3A_371, %parallel_loop3A_373 : vector<16xi32>
      %parallel_loop3A_375 = arith.constant 4 : i32
      %parallel_loop3A_376 = vector.broadcast %parallel_loop3A_375 : i32 to vector<16xi32>
      %parallel_loop3A_377 = arith.shli %parallel_loop3A_374, %parallel_loop3A_376 : vector<16xi32>
      %parallel_loop3A_378 = arith.ori %parallel_loop3A_377, %iota3A : vector<16xi32>
      tpu.vector_store_idx %arg7[%parallel_loop3A_378], %broadcast_in_dim3A_1 masked %parallel_loop3A_368 {add = true} : memref<4096xi32, #tpu.memory_space<vmem>>[vector<16xi32>], vector<16xi32>, vector<16xi1>
    } {sc.loop_unroll_factor = 8 : i64, sc.parallel_access}
    %while3A_54 = arith.constant 255 : i32
    %while3A_55 = arith.constant 0 : i32
    %while3A_56:2 = scf.while (%while3A_361 = %while3A_54, %while3A_362 = %while3A_55) : (i32, i32) -> (i32, i32) {
      %mul3A_363 = arith.constant 16 : i32
      %mul3A_364 = arith.muli %while3A_361, %mul3A_363 : i32
      %get3A = arith.index_cast %mul3A_364 : i32 to index
      %get3A_365 = tpu.vector_load %arg7[%get3A] {strides = array<i32>} : memref<4096xi32, #tpu.memory_space<vmem>>, vector<16xi32>,
      %reduce_sum3A = arith.constant true
      %reduce_sum3A_366 = vector.broadcast %reduce_sum3A : i1 to vector<16xi1>
      %reduce_sum3A_367 = tpu.scan <sum>, %get3A_365 masked %reduce_sum3A_366 : vector<16xi32>, vector<16xi1> -> vector<16xi32>
      %reduce_sum3A_368 = vector.extract %reduce_sum3A_367[15] : i32 from vector<16xi32>
      %add3A_369 = arith.addi %while3A_362, %reduce_sum3A_368 : i32
      %lt3A = arith.cmpi slt, %add3A_369, %sub3A_46 : i32
      scf.condition(%lt3A) %while3A_361, %while3A_362 : i32, i32
    } do {
    ^bb0(%while3A_361: i32, %while3A_362: i32):
      %sub3A_363 = arith.constant 1 : i32
      %sub3A_364 = arith.subi %while3A_361, %sub3A_363 : i32
      %mul3A_365 = arith.constant 16 : i32
      %mul3A_366 = arith.muli %while3A_361, %mul3A_365 : i32
      %get3A = arith.index_cast %mul3A_366 : i32 to index
      %get3A_367 = tpu.vector_load %arg7[%get3A] {strides = array<i32>} : memref<4096xi32, #tpu.memory_space<vmem>>, vector<16xi32>,
      %reduce_sum3A = arith.constant true
      %reduce_sum3A_368 = vector.broadcast %reduce_sum3A : i1 to vector<16xi1>
      %reduce_sum3A_369 = tpu.scan <sum>, %get3A_367 masked %reduce_sum3A_368 : vector<16xi32>, vector<16xi1> -> vector<16xi32>
      %reduce_sum3A_370 = vector.extract %reduce_sum3A_369[15] : i32 from vector<16xi32>
      %add3A_371 = arith.addi %while3A_362, %reduce_sum3A_370 : i32
      scf.yield %sub3A_364, %add3A_371 : i32, i32
    }
    %sub3A_57 = arith.subi %sub3A_46, %while3A_56#1 : i32
    %shift_left3A_58 = arith.constant 8 : i32
    %shift_left3A_59 = arith.shli %or3A, %shift_left3A_58 : i32
    %or3A_60 = arith.ori %shift_left3A_59, %while3A_56#0 : i32
    %parallel_loop3A_61 = arith.constant 0 : i32
    %parallel_loop3A_62 = arith.constant 4096 : i32
    %parallel_loop3A_63 = arith.constant 16 : i32
    scf.for %parallel_loop3A_361 = %parallel_loop3A_61 to %parallel_loop3A_62 step %parallel_loop3A_63  : i32 {
      %parallel_loop3A_362 = arith.constant 0 : i32
      %parallel_loop3A_363 = vector.broadcast %parallel_loop3A_362 : i32 to vector<16xi32>
      %parallel_loop3A_364 = arith.index_cast %parallel_loop3A_361 : i32 to index
      %parallel_loop3A_365 = tpu.vector_load %arg7[%parallel_loop3A_364] {strides = array<i32>} : memref<4096xi32, #tpu.memory_space<vmem>>, vector<16xi32>,
      tpu.vector_store %arg7[%parallel_loop3A_364], %parallel_loop3A_363 {strides = array<i32>} : memref<4096xi32, #tpu.memory_space<vmem>>, vector<16xi32>,
    } {sc.loop_unroll_factor = 8 : i64, sc.parallel_access}
    %parallel_loop3A_64 = arith.constant 0 : i32
    %parallel_loop3A_65 = arith.constant 32768 : i32
    %parallel_loop3A_66 = arith.constant 16 : i32
    scf.for %parallel_loop3A_361 = %parallel_loop3A_64 to %parallel_loop3A_65 step %parallel_loop3A_66  : i32 {
      %parallel_loop3A_362 = arith.index_cast %parallel_loop3A_361 : i32 to index
      %parallel_loop3A_363 = tpu.vector_load %arg6[%parallel_loop3A_362] {strides = array<i32>} : memref<32768xi32, #tpu.memory_space<vmem>>, vector<16xi32>,
      %parallel_loop3A_364 = arith.constant 8 : i32
      %parallel_loop3A_365 = vector.broadcast %parallel_loop3A_364 : i32 to vector<16xi32>
      %parallel_loop3A_366 = arith.shrsi %parallel_loop3A_363, %parallel_loop3A_365 : vector<16xi32>
      %parallel_loop3A_367 = vector.broadcast %or3A_60 : i32 to vector<16xi32>
      %parallel_loop3A_368 = arith.cmpi eq, %parallel_loop3A_366, %parallel_loop3A_367 : vector<16xi32>
      %parallel_loop3A_369 = arith.constant 0 : i32
      %parallel_loop3A_370 = vector.broadcast %parallel_loop3A_369 : i32 to vector<16xi32>
      %parallel_loop3A_371 = arith.shrsi %parallel_loop3A_363, %parallel_loop3A_370 : vector<16xi32>
      %parallel_loop3A_372 = arith.constant 255 : i32
      %parallel_loop3A_373 = vector.broadcast %parallel_loop3A_372 : i32 to vector<16xi32>
      %parallel_loop3A_374 = arith.andi %parallel_loop3A_371, %parallel_loop3A_373 : vector<16xi32>
      %parallel_loop3A_375 = arith.constant 4 : i32
      %parallel_loop3A_376 = vector.broadcast %parallel_loop3A_375 : i32 to vector<16xi32>
      %parallel_loop3A_377 = arith.shli %parallel_loop3A_374, %parallel_loop3A_376 : vector<16xi32>
      %parallel_loop3A_378 = arith.ori %parallel_loop3A_377, %iota3A : vector<16xi32>
      tpu.vector_store_idx %arg7[%parallel_loop3A_378], %broadcast_in_dim3A_1 masked %parallel_loop3A_368 {add = true} : memref<4096xi32, #tpu.memory_space<vmem>>[vector<16xi32>], vector<16xi32>, vector<16xi1>
    } {sc.loop_unroll_factor = 8 : i64, sc.parallel_access}
    %while3A_67 = arith.constant 255 : i32
    %while3A_68 = arith.constant 0 : i32
    %while3A_69:2 = scf.while (%while3A_361 = %while3A_67, %while3A_362 = %while3A_68) : (i32, i32) -> (i32, i32) {
      %mul3A_363 = arith.constant 16 : i32
      %mul3A_364 = arith.muli %while3A_361, %mul3A_363 : i32
      %get3A = arith.index_cast %mul3A_364 : i32 to index
      %get3A_365 = tpu.vector_load %arg7[%get3A] {strides = array<i32>} : memref<4096xi32, #tpu.memory_space<vmem>>, vector<16xi32>,
      %reduce_sum3A = arith.constant true
      %reduce_sum3A_366 = vector.broadcast %reduce_sum3A : i1 to vector<16xi1>
      %reduce_sum3A_367 = tpu.scan <sum>, %get3A_365 masked %reduce_sum3A_366 : vector<16xi32>, vector<16xi1> -> vector<16xi32>
      %reduce_sum3A_368 = vector.extract %reduce_sum3A_367[15] : i32 from vector<16xi32>
      %add3A_369 = arith.addi %while3A_362, %reduce_sum3A_368 : i32
      %lt3A = arith.cmpi slt, %add3A_369, %sub3A_57 : i32
      scf.condition(%lt3A) %while3A_361, %while3A_362 : i32, i32
    } do {
    ^bb0(%while3A_361: i32, %while3A_362: i32):
      %sub3A_363 = arith.constant 1 : i32
      %sub3A_364 = arith.subi %while3A_361, %sub3A_363 : i32
      %mul3A_365 = arith.constant 16 : i32
      %mul3A_366 = arith.muli %while3A_361, %mul3A_365 : i32
      %get3A = arith.index_cast %mul3A_366 : i32 to index
      %get3A_367 = tpu.vector_load %arg7[%get3A] {strides = array<i32>} : memref<4096xi32, #tpu.memory_space<vmem>>, vector<16xi32>,
      %reduce_sum3A = arith.constant true
      %reduce_sum3A_368 = vector.broadcast %reduce_sum3A : i1 to vector<16xi1>
      %reduce_sum3A_369 = tpu.scan <sum>, %get3A_367 masked %reduce_sum3A_368 : vector<16xi32>, vector<16xi1> -> vector<16xi32>
      %reduce_sum3A_370 = vector.extract %reduce_sum3A_369[15] : i32 from vector<16xi32>
      %add3A_371 = arith.addi %while3A_362, %reduce_sum3A_370 : i32
      scf.yield %sub3A_364, %add3A_371 : i32, i32
    }
    %sub3A_70 = arith.subi %sub3A_57, %while3A_69#1 : i32
    %shift_left3A_71 = arith.constant 8 : i32
    %shift_left3A_72 = arith.shli %or3A_60, %shift_left3A_71 : i32
    %or3A_73 = arith.ori %shift_left3A_72, %while3A_69#0 : i32
    %parallel_loop3A_74 = arith.constant 0 : i32
    %parallel_loop3A_75 = arith.constant 32768 : i32
    %parallel_loop3A_76 = arith.constant 16 : i32
    scf.for %parallel_loop3A_361 = %parallel_loop3A_74 to %parallel_loop3A_75 step %parallel_loop3A_76  : i32 {
      %parallel_loop3A_362 = arith.index_cast %parallel_loop3A_361 : i32 to index
      %parallel_loop3A_363 = tpu.vector_load %arg4[%parallel_loop3A_362] {strides = array<i32>} : memref<32768xf32, #tpu.memory_space<vmem>>, vector<16xf32>,
      %parallel_loop3A_364 = arith.index_cast %parallel_loop3A_361 : i32 to index
      %parallel_loop3A_365 = tpu.vector_load %arg6[%parallel_loop3A_364] {strides = array<i32>} : memref<32768xi32, #tpu.memory_space<vmem>>, vector<16xi32>,
      %parallel_loop3A_366 = vector.broadcast %or3A_73 : i32 to vector<16xi32>
      %parallel_loop3A_367 = arith.cmpi sge, %parallel_loop3A_365, %parallel_loop3A_366 : vector<16xi32>
      %parallel_loop3A_368 = arith.constant 1.000000e+00 : f32
      %parallel_loop3A_369 = vector.broadcast %parallel_loop3A_368 : f32 to vector<16xf32>
      %parallel_loop3A_370 = arith.subf %parallel_loop3A_369, %parallel_loop3A_363 : vector<16xf32>
      %parallel_loop3A_371 = arith.select %parallel_loop3A_367, %parallel_loop3A_370, %parallel_loop3A_363 : vector<16xi1>, vector<16xf32>
      %parallel_loop3A_372 = arith.index_cast %parallel_loop3A_361 : i32 to index
      %parallel_loop3A_373 = tpu.vector_load %arg4[%parallel_loop3A_372] {strides = array<i32>} : memref<32768xf32, #tpu.memory_space<vmem>>, vector<16xf32>,
      tpu.vector_store %arg4[%parallel_loop3A_372], %parallel_loop3A_371 {strides = array<i32>} : memref<32768xf32, #tpu.memory_space<vmem>>, vector<16xf32>,
    } {sc.loop_unroll_factor = 8 : i64, sc.parallel_access}
    %add3A_77 = arith.constant 0 : i32
    %add3A_78 = arith.addi %mul3A_3, %add3A_77 : i32
    %dma_start3A_79 = arith.constant 0 : i32
    %dma_start3A_80 = tpu.memref_slice %arg3[%add3A_78, %dma_start3A_79] : memref<128x32768xf32, #tpu.memory_space<hbm>> -> memref<1x32768xf32, #tpu.memory_space<hbm>>
    %dma_start3A_81 = tpu.memref_squeeze %dma_start3A_80 : memref<1x32768xf32, #tpu.memory_space<hbm>> -> memref<32768xf32, #tpu.memory_space<hbm>>
    %dma_start3A_82 = arith.constant 0 : i32
    %dma_start3A_83 = tpu.memref_slice %arg3[%add3A_78, %dma_start3A_82] : memref<128x32768xf32, #tpu.memory_space<hbm>> -> memref<1x32768xf32, #tpu.memory_space<hbm>>
    %dma_start3A_84 = tpu.memref_squeeze %dma_start3A_83 : memref<1x32768xf32, #tpu.memory_space<hbm>> -> memref<32768xf32, #tpu.memory_space<hbm>>
    tpu.enqueue_dma source(%arg4 : memref<32768xf32, #tpu.memory_space<vmem>>) target(%dma_start3A_84 : memref<32768xf32, #tpu.memory_space<hbm>>) target_semaphore(%arg9 : memref<!tpu.dma_semaphore, #tpu.memory_space<semaphore_mem>>)
    %add3A_85 = arith.constant 1 : i32
    %add3A_86 = arith.addi %mul3A_3, %add3A_85 : i32
    %dma_wait3A_87 = arith.constant 0 : i32
    %dma_wait3A_88 = tpu.memref_slice %arg2[%add3A_86, %dma_wait3A_87] : memref<128x32768xf32, #tpu.memory_space<hbm>> -> memref<1x32768xf32, #tpu.memory_space<hbm>>
    %dma_wait3A_89 = tpu.memref_squeeze %dma_wait3A_88 : memref<1x32768xf32, #tpu.memory_space<hbm>> -> memref<32768xf32, #tpu.memory_space<hbm>>
    %dma_wait3A_90 = arith.constant 0 : i32
    %dma_wait3A_91 = tpu.memref_slice %arg2[%add3A_86, %dma_wait3A_90] : memref<128x32768xf32, #tpu.memory_space<hbm>> -> memref<1x32768xf32, #tpu.memory_space<hbm>>
    %dma_wait3A_92 = tpu.memref_squeeze %dma_wait3A_91 : memref<1x32768xf32, #tpu.memory_space<hbm>> -> memref<32768xf32, #tpu.memory_space<hbm>>
    tpu.wait_dma2 semaphore(%arg8 : memref<!tpu.dma_semaphore, #tpu.memory_space<semaphore_mem>>) src(%dma_wait3A_92 : memref<32768xf32, #tpu.memory_space<hbm>>) dst(%arg5 : memref<32768xf32, #tpu.memory_space<vmem>>)
    %add3A_93 = arith.constant 1 : i32
    %add3A_94 = arith.addi %mul3A_3, %add3A_93 : i32
    %sub3A_95 = arith.constant 1 : i32
    %sub3A_96 = arith.subi %add3A_94, %sub3A_95 : i32
    %dma_wait3A_97 = arith.constant 0 : i32
    %dma_wait3A_98 = tpu.memref_slice %arg3[%sub3A_96, %dma_wait3A_97] : memref<128x32768xf32, #tpu.memory_space<hbm>> -> memref<1x32768xf32, #tpu.memory_space<hbm>>
    %dma_wait3A_99 = tpu.memref_squeeze %dma_wait3A_98 : memref<1x32768xf32, #tpu.memory_space<hbm>> -> memref<32768xf32, #tpu.memory_space<hbm>>
    %dma_wait3A_100 = arith.constant 0 : i32
    %dma_wait3A_101 = tpu.memref_slice %arg3[%sub3A_96, %dma_wait3A_100] : memref<128x32768xf32, #tpu.memory_space<hbm>> -> memref<1x32768xf32, #tpu.memory_space<hbm>>
    %dma_wait3A_102 = tpu.memref_squeeze %dma_wait3A_101 : memref<1x32768xf32, #tpu.memory_space<hbm>> -> memref<32768xf32, #tpu.memory_space<hbm>>
    tpu.wait_dma2 semaphore(%arg9 : memref<!tpu.dma_semaphore, #tpu.memory_space<semaphore_mem>>) src(%arg4 : memref<32768xf32, #tpu.memory_space<vmem>>) dst(%dma_wait3A_102 : memref<32768xf32, #tpu.memory_space<hbm>>)
    %add3A_103 = arith.constant 1 : i32
    %add3A_104 = arith.addi %mul3A_3, %add3A_103 : i32
    %add3A_105 = arith.constant 1 : i32
    %add3A_106 = arith.addi %add3A_104, %add3A_105 : i32
    %dma_start3A_107 = arith.constant 0 : i32
    %dma_start3A_108 = tpu.memref_slice %arg2[%add3A_106, %dma_start3A_107] : memref<128x32768xf32, #tpu.memory_space<hbm>> -> memref<1x32768xf32, #tpu.memory_space<hbm>>
    %dma_start3A_109 = tpu.memref_squeeze %dma_start3A_108 : memref<1x32768xf32, #tpu.memory_space<hbm>> -> memref<32768xf32, #tpu.memory_space<hbm>>
    %dma_start3A_110 = arith.constant 0 : i32
    %dma_start3A_111 = tpu.memref_slice %arg2[%add3A_106, %dma_start3A_110] : memref<128x32768xf32, #tpu.memory_space<hbm>> -> memref<1x32768xf32, #tpu.memory_space<hbm>>
    %dma_start3A_112 = tpu.memref_squeeze %dma_start3A_111 : memref<1x32768xf32, #tpu.memory_space<hbm>> -> memref<32768xf32, #tpu.memory_space<hbm>>
    tpu.enqueue_dma source(%dma_start3A_112 : memref<32768xf32, #tpu.memory_space<hbm>>) target(%arg4 : memref<32768xf32, #tpu.memory_space<vmem>>) target_semaphore(%arg8 : memref<!tpu.dma_semaphore, #tpu.memory_space<semaphore_mem>>)
    %parallel_loop3A_113 = arith.constant 0 : i32
    %parallel_loop3A_114 = arith.constant 4096 : i32
    %parallel_loop3A_115 = arith.constant 16 : i32
    scf.for %parallel_loop3A_361 = %parallel_loop3A_113 to %parallel_loop3A_114 step %parallel_loop3A_115  : i32 {
      %parallel_loop3A_362 = arith.constant 0 : i32
      %parallel_loop3A_363 = vector.broadcast %parallel_loop3A_362 : i32 to vector<16xi32>
      %parallel_loop3A_364 = arith.index_cast %parallel_loop3A_361 : i32 to index
      %parallel_loop3A_365 = tpu.vector_load %arg7[%parallel_loop3A_364] {strides = array<i32>} : memref<4096xi32, #tpu.memory_space<vmem>>, vector<16xi32>,
      tpu.vector_store %arg7[%parallel_loop3A_364], %parallel_loop3A_363 {strides = array<i32>} : memref<4096xi32, #tpu.memory_space<vmem>>, vector<16xi32>,
    } {sc.loop_unroll_factor = 8 : i64, sc.parallel_access}
    %parallel_loop3A_116 = arith.constant 0 : i32
    %parallel_loop3A_117 = arith.constant 32768 : i32
    %parallel_loop3A_118 = arith.constant 16 : i32
    scf.for %parallel_loop3A_361 = %parallel_loop3A_116 to %parallel_loop3A_117 step %parallel_loop3A_118  : i32 {
      %parallel_loop3A_362 = arith.index_cast %parallel_loop3A_361 : i32 to index
      %parallel_loop3A_363 = tpu.vector_load %arg5[%parallel_loop3A_362] {strides = array<i32>} : memref<32768xf32, #tpu.memory_space<vmem>>, vector<16xf32>,
      %parallel_loop3A_364 = vector.bitcast %parallel_loop3A_363 : vector<16xf32> to vector<16xi32>
      %parallel_loop3A_365 = arith.constant 31 : i32
      %parallel_loop3A_366 = vector.broadcast %parallel_loop3A_365 : i32 to vector<16xi32>
      %parallel_loop3A_367 = arith.shrsi %parallel_loop3A_364, %parallel_loop3A_366 : vector<16xi32>
      %parallel_loop3A_368 = arith.constant 2147483647 : i32
      %parallel_loop3A_369 = vector.broadcast %parallel_loop3A_368 : i32 to vector<16xi32>
      %parallel_loop3A_370 = arith.andi %parallel_loop3A_367, %parallel_loop3A_369 : vector<16xi32>
      %parallel_loop3A_371 = arith.xori %parallel_loop3A_364, %parallel_loop3A_370 : vector<16xi32>
      %parallel_loop3A_372 = arith.index_cast %parallel_loop3A_361 : i32 to index
      %parallel_loop3A_373 = tpu.vector_load %arg6[%parallel_loop3A_372] {strides = array<i32>} : memref<32768xi32, #tpu.memory_space<vmem>>, vector<16xi32>,
      tpu.vector_store %arg6[%parallel_loop3A_372], %parallel_loop3A_371 {strides = array<i32>} : memref<32768xi32, #tpu.memory_space<vmem>>, vector<16xi32>,
      %parallel_loop3A_374 = arith.constant 24 : i32
      %parallel_loop3A_375 = vector.broadcast %parallel_loop3A_374 : i32 to vector<16xi32>
      %parallel_loop3A_376 = arith.shrsi %parallel_loop3A_371, %parallel_loop3A_375 : vector<16xi32>
      %parallel_loop3A_377 = arith.constant 128 : i32
      %parallel_loop3A_378 = vector.broadcast %parallel_loop3A_377 : i32 to vector<16xi32>
      %parallel_loop3A_379 = arith.addi %parallel_loop3A_376, %parallel_loop3A_378 : vector<16xi32>
      %parallel_loop3A_380 = arith.constant 4 : i32
      %parallel_loop3A_381 = vector.broadcast %parallel_loop3A_380 : i32 to vector<16xi32>
      %parallel_loop3A_382 = arith.shli %parallel_loop3A_379, %parallel_loop3A_381 : vector<16xi32>
      %parallel_loop3A_383 = arith.ori %parallel_loop3A_382, %iota3A : vector<16xi32>
      tpu.vector_store_idx %arg7[%parallel_loop3A_383], %broadcast_in_dim3A_1 {add = true} : memref<4096xi32, #tpu.memory_space<vmem>>[vector<16xi32>], vector<16xi32>,
    } {sc.loop_unroll_factor = 8 : i64, sc.parallel_access}
    %while3A_119 = arith.constant 6553 : i32
    %while3A_120 = arith.constant 255 : i32
    %while3A_121 = arith.constant 0 : i32
    %while3A_122:2 = scf.while (%while3A_361 = %while3A_120, %while3A_362 = %while3A_121) : (i32, i32) -> (i32, i32) {
      %mul3A_363 = arith.constant 16 : i32
      %mul3A_364 = arith.muli %while3A_361, %mul3A_363 : i32
      %get3A = arith.index_cast %mul3A_364 : i32 to index
      %get3A_365 = tpu.vector_load %arg7[%get3A] {strides = array<i32>} : memref<4096xi32, #tpu.memory_space<vmem>>, vector<16xi32>,
      %reduce_sum3A = arith.constant true
      %reduce_sum3A_366 = vector.broadcast %reduce_sum3A : i1 to vector<16xi1>
      %reduce_sum3A_367 = tpu.scan <sum>, %get3A_365 masked %reduce_sum3A_366 : vector<16xi32>, vector<16xi1> -> vector<16xi32>
      %reduce_sum3A_368 = vector.extract %reduce_sum3A_367[15] : i32 from vector<16xi32>
      %add3A_369 = arith.addi %while3A_362, %reduce_sum3A_368 : i32
      %lt3A = arith.cmpi slt, %add3A_369, %while3A_119 : i32
      scf.condition(%lt3A) %while3A_361, %while3A_362 : i32, i32
    } do {
    ^bb0(%while3A_361: i32, %while3A_362: i32):
      %sub3A_363 = arith.constant 1 : i32
      %sub3A_364 = arith.subi %while3A_361, %sub3A_363 : i32
      %mul3A_365 = arith.constant 16 : i32
      %mul3A_366 = arith.muli %while3A_361, %mul3A_365 : i32
      %get3A = arith.index_cast %mul3A_366 : i32 to index
      %get3A_367 = tpu.vector_load %arg7[%get3A] {strides = array<i32>} : memref<4096xi32, #tpu.memory_space<vmem>>, vector<16xi32>,
      %reduce_sum3A = arith.constant true
      %reduce_sum3A_368 = vector.broadcast %reduce_sum3A : i1 to vector<16xi1>
      %reduce_sum3A_369 = tpu.scan <sum>, %get3A_367 masked %reduce_sum3A_368 : vector<16xi32>, vector<16xi1> -> vector<16xi32>
      %reduce_sum3A_370 = vector.extract %reduce_sum3A_369[15] : i32 from vector<16xi32>
      %add3A_371 = arith.addi %while3A_362, %reduce_sum3A_370 : i32
      scf.yield %sub3A_364, %add3A_371 : i32, i32
    }
    %sub3A_123 = arith.constant 6553 : i32
    %sub3A_124 = arith.subi %sub3A_123, %while3A_122#1 : i32
    %sub3A_125 = arith.constant 128 : i32
    %sub3A_126 = arith.subi %while3A_122#0, %sub3A_125 : i32
    %parallel_loop3A_127 = arith.constant 0 : i32
    %parallel_loop3A_128 = arith.constant 4096 : i32
    %parallel_loop3A_129 = arith.constant 16 : i32
    scf.for %parallel_loop3A_361 = %parallel_loop3A_127 to %parallel_loop3A_128 step %parallel_loop3A_129  : i32 {
      %parallel_loop3A_362 = arith.constant 0 : i32
      %parallel_loop3A_363 = vector.broadcast %parallel_loop3A_362 : i32 to vector<16xi32>
      %parallel_loop3A_364 = arith.index_cast %parallel_loop3A_361 : i32 to index
      %parallel_loop3A_365 = tpu.vector_load %arg7[%parallel_loop3A_364] {strides = array<i32>} : memref<4096xi32, #tpu.memory_space<vmem>>, vector<16xi32>,
      tpu.vector_store %arg7[%parallel_loop3A_364], %parallel_loop3A_363 {strides = array<i32>} : memref<4096xi32, #tpu.memory_space<vmem>>, vector<16xi32>,
    } {sc.loop_unroll_factor = 8 : i64, sc.parallel_access}
    %parallel_loop3A_130 = arith.constant 0 : i32
    %parallel_loop3A_131 = arith.constant 32768 : i32
    %parallel_loop3A_132 = arith.constant 16 : i32
    scf.for %parallel_loop3A_361 = %parallel_loop3A_130 to %parallel_loop3A_131 step %parallel_loop3A_132  : i32 {
      %parallel_loop3A_362 = arith.index_cast %parallel_loop3A_361 : i32 to index
      %parallel_loop3A_363 = tpu.vector_load %arg6[%parallel_loop3A_362] {strides = array<i32>} : memref<32768xi32, #tpu.memory_space<vmem>>, vector<16xi32>,
      %parallel_loop3A_364 = arith.constant 24 : i32
      %parallel_loop3A_365 = vector.broadcast %parallel_loop3A_364 : i32 to vector<16xi32>
      %parallel_loop3A_366 = arith.shrsi %parallel_loop3A_363, %parallel_loop3A_365 : vector<16xi32>
      %parallel_loop3A_367 = vector.broadcast %sub3A_126 : i32 to vector<16xi32>
      %parallel_loop3A_368 = arith.cmpi eq, %parallel_loop3A_366, %parallel_loop3A_367 : vector<16xi32>
      %parallel_loop3A_369 = arith.constant 16 : i32
      %parallel_loop3A_370 = vector.broadcast %parallel_loop3A_369 : i32 to vector<16xi32>
      %parallel_loop3A_371 = arith.shrsi %parallel_loop3A_363, %parallel_loop3A_370 : vector<16xi32>
      %parallel_loop3A_372 = arith.constant 255 : i32
      %parallel_loop3A_373 = vector.broadcast %parallel_loop3A_372 : i32 to vector<16xi32>
      %parallel_loop3A_374 = arith.andi %parallel_loop3A_371, %parallel_loop3A_373 : vector<16xi32>
      %parallel_loop3A_375 = arith.constant 4 : i32
      %parallel_loop3A_376 = vector.broadcast %parallel_loop3A_375 : i32 to vector<16xi32>
      %parallel_loop3A_377 = arith.shli %parallel_loop3A_374, %parallel_loop3A_376 : vector<16xi32>
      %parallel_loop3A_378 = arith.ori %parallel_loop3A_377, %iota3A : vector<16xi32>
      tpu.vector_store_idx %arg7[%parallel_loop3A_378], %broadcast_in_dim3A_1 masked %parallel_loop3A_368 {add = true} : memref<4096xi32, #tpu.memory_space<vmem>>[vector<16xi32>], vector<16xi32>, vector<16xi1>
    } {sc.loop_unroll_factor = 8 : i64, sc.parallel_access}
    %while3A_133 = arith.constant 255 : i32
    %while3A_134 = arith.constant 0 : i32
    %while3A_135:2 = scf.while (%while3A_361 = %while3A_133, %while3A_362 = %while3A_134) : (i32, i32) -> (i32, i32) {
      %mul3A_363 = arith.constant 16 : i32
      %mul3A_364 = arith.muli %while3A_361, %mul3A_363 : i32
      %get3A = arith.index_cast %mul3A_364 : i32 to index
      %get3A_365 = tpu.vector_load %arg7[%get3A] {strides = array<i32>} : memref<4096xi32, #tpu.memory_space<vmem>>, vector<16xi32>,
      %reduce_sum3A = arith.constant true
      %reduce_sum3A_366 = vector.broadcast %reduce_sum3A : i1 to vector<16xi1>
      %reduce_sum3A_367 = tpu.scan <sum>, %get3A_365 masked %reduce_sum3A_366 : vector<16xi32>, vector<16xi1> -> vector<16xi32>
      %reduce_sum3A_368 = vector.extract %reduce_sum3A_367[15] : i32 from vector<16xi32>
      %add3A_369 = arith.addi %while3A_362, %reduce_sum3A_368 : i32
      %lt3A = arith.cmpi slt, %add3A_369, %sub3A_124 : i32
      scf.condition(%lt3A) %while3A_361, %while3A_362 : i32, i32
    } do {
    ^bb0(%while3A_361: i32, %while3A_362: i32):
      %sub3A_363 = arith.constant 1 : i32
      %sub3A_364 = arith.subi %while3A_361, %sub3A_363 : i32
      %mul3A_365 = arith.constant 16 : i32
      %mul3A_366 = arith.muli %while3A_361, %mul3A_365 : i32
      %get3A = arith.index_cast %mul3A_366 : i32 to index
      %get3A_367 = tpu.vector_load %arg7[%get3A] {strides = array<i32>} : memref<4096xi32, #tpu.memory_space<vmem>>, vector<16xi32>,
      %reduce_sum3A = arith.constant true
      %reduce_sum3A_368 = vector.broadcast %reduce_sum3A : i1 to vector<16xi1>
      %reduce_sum3A_369 = tpu.scan <sum>, %get3A_367 masked %reduce_sum3A_368 : vector<16xi32>, vector<16xi1> -> vector<16xi32>
      %reduce_sum3A_370 = vector.extract %reduce_sum3A_369[15] : i32 from vector<16xi32>
      %add3A_371 = arith.addi %while3A_362, %reduce_sum3A_370 : i32
      scf.yield %sub3A_364, %add3A_371 : i32, i32
    }
    %sub3A_136 = arith.subi %sub3A_124, %while3A_135#1 : i32
    %shift_left3A_137 = arith.constant 8 : i32
    %shift_left3A_138 = arith.shli %sub3A_126, %shift_left3A_137 : i32
    %or3A_139 = arith.ori %shift_left3A_138, %while3A_135#0 : i32
    %parallel_loop3A_140 = arith.constant 0 : i32
    %parallel_loop3A_141 = arith.constant 4096 : i32
    %parallel_loop3A_142 = arith.constant 16 : i32
    scf.for %parallel_loop3A_361 = %parallel_loop3A_140 to %parallel_loop3A_141 step %parallel_loop3A_142  : i32 {
      %parallel_loop3A_362 = arith.constant 0 : i32
      %parallel_loop3A_363 = vector.broadcast %parallel_loop3A_362 : i32 to vector<16xi32>
      %parallel_loop3A_364 = arith.index_cast %parallel_loop3A_361 : i32 to index
      %parallel_loop3A_365 = tpu.vector_load %arg7[%parallel_loop3A_364] {strides = array<i32>} : memref<4096xi32, #tpu.memory_space<vmem>>, vector<16xi32>,
      tpu.vector_store %arg7[%parallel_loop3A_364], %parallel_loop3A_363 {strides = array<i32>} : memref<4096xi32, #tpu.memory_space<vmem>>, vector<16xi32>,
    } {sc.loop_unroll_factor = 8 : i64, sc.parallel_access}
    %parallel_loop3A_143 = arith.constant 0 : i32
    %parallel_loop3A_144 = arith.constant 32768 : i32
    %parallel_loop3A_145 = arith.constant 16 : i32
    scf.for %parallel_loop3A_361 = %parallel_loop3A_143 to %parallel_loop3A_144 step %parallel_loop3A_145  : i32 {
      %parallel_loop3A_362 = arith.index_cast %parallel_loop3A_361 : i32 to index
      %parallel_loop3A_363 = tpu.vector_load %arg6[%parallel_loop3A_362] {strides = array<i32>} : memref<32768xi32, #tpu.memory_space<vmem>>, vector<16xi32>,
      %parallel_loop3A_364 = arith.constant 16 : i32
      %parallel_loop3A_365 = vector.broadcast %parallel_loop3A_364 : i32 to vector<16xi32>
      %parallel_loop3A_366 = arith.shrsi %parallel_loop3A_363, %parallel_loop3A_365 : vector<16xi32>
      %parallel_loop3A_367 = vector.broadcast %or3A_139 : i32 to vector<16xi32>
      %parallel_loop3A_368 = arith.cmpi eq, %parallel_loop3A_366, %parallel_loop3A_367 : vector<16xi32>
      %parallel_loop3A_369 = arith.constant 8 : i32
      %parallel_loop3A_370 = vector.broadcast %parallel_loop3A_369 : i32 to vector<16xi32>
      %parallel_loop3A_371 = arith.shrsi %parallel_loop3A_363, %parallel_loop3A_370 : vector<16xi32>
      %parallel_loop3A_372 = arith.constant 255 : i32
      %parallel_loop3A_373 = vector.broadcast %parallel_loop3A_372 : i32 to vector<16xi32>
      %parallel_loop3A_374 = arith.andi %parallel_loop3A_371, %parallel_loop3A_373 : vector<16xi32>
      %parallel_loop3A_375 = arith.constant 4 : i32
      %parallel_loop3A_376 = vector.broadcast %parallel_loop3A_375 : i32 to vector<16xi32>
      %parallel_loop3A_377 = arith.shli %parallel_loop3A_374, %parallel_loop3A_376 : vector<16xi32>
      %parallel_loop3A_378 = arith.ori %parallel_loop3A_377, %iota3A : vector<16xi32>
      tpu.vector_store_idx %arg7[%parallel_loop3A_378], %broadcast_in_dim3A_1 masked %parallel_loop3A_368 {add = true} : memref<4096xi32, #tpu.memory_space<vmem>>[vector<16xi32>], vector<16xi32>, vector<16xi1>
    } {sc.loop_unroll_factor = 8 : i64, sc.parallel_access}
    %while3A_146 = arith.constant 255 : i32
    %while3A_147 = arith.constant 0 : i32
    %while3A_148:2 = scf.while (%while3A_361 = %while3A_146, %while3A_362 = %while3A_147) : (i32, i32) -> (i32, i32) {
      %mul3A_363 = arith.constant 16 : i32
      %mul3A_364 = arith.muli %while3A_361, %mul3A_363 : i32
      %get3A = arith.index_cast %mul3A_364 : i32 to index
      %get3A_365 = tpu.vector_load %arg7[%get3A] {strides = array<i32>} : memref<4096xi32, #tpu.memory_space<vmem>>, vector<16xi32>,
      %reduce_sum3A = arith.constant true
      %reduce_sum3A_366 = vector.broadcast %reduce_sum3A : i1 to vector<16xi1>
      %reduce_sum3A_367 = tpu.scan <sum>, %get3A_365 masked %reduce_sum3A_366 : vector<16xi32>, vector<16xi1> -> vector<16xi32>
      %reduce_sum3A_368 = vector.extract %reduce_sum3A_367[15] : i32 from vector<16xi32>
      %add3A_369 = arith.addi %while3A_362, %reduce_sum3A_368 : i32
      %lt3A = arith.cmpi slt, %add3A_369, %sub3A_136 : i32
      scf.condition(%lt3A) %while3A_361, %while3A_362 : i32, i32
    } do {
    ^bb0(%while3A_361: i32, %while3A_362: i32):
      %sub3A_363 = arith.constant 1 : i32
      %sub3A_364 = arith.subi %while3A_361, %sub3A_363 : i32
      %mul3A_365 = arith.constant 16 : i32
      %mul3A_366 = arith.muli %while3A_361, %mul3A_365 : i32
      %get3A = arith.index_cast %mul3A_366 : i32 to index
      %get3A_367 = tpu.vector_load %arg7[%get3A] {strides = array<i32>} : memref<4096xi32, #tpu.memory_space<vmem>>, vector<16xi32>,
      %reduce_sum3A = arith.constant true
      %reduce_sum3A_368 = vector.broadcast %reduce_sum3A : i1 to vector<16xi1>
      %reduce_sum3A_369 = tpu.scan <sum>, %get3A_367 masked %reduce_sum3A_368 : vector<16xi32>, vector<16xi1> -> vector<16xi32>
      %reduce_sum3A_370 = vector.extract %reduce_sum3A_369[15] : i32 from vector<16xi32>
      %add3A_371 = arith.addi %while3A_362, %reduce_sum3A_370 : i32
      scf.yield %sub3A_364, %add3A_371 : i32, i32
    }
    %sub3A_149 = arith.subi %sub3A_136, %while3A_148#1 : i32
    %shift_left3A_150 = arith.constant 8 : i32
    %shift_left3A_151 = arith.shli %or3A_139, %shift_left3A_150 : i32
    %or3A_152 = arith.ori %shift_left3A_151, %while3A_148#0 : i32
    %parallel_loop3A_153 = arith.constant 0 : i32
    %parallel_loop3A_154 = arith.constant 4096 : i32
    %parallel_loop3A_155 = arith.constant 16 : i32
    scf.for %parallel_loop3A_361 = %parallel_loop3A_153 to %parallel_loop3A_154 step %parallel_loop3A_155  : i32 {
      %parallel_loop3A_362 = arith.constant 0 : i32
      %parallel_loop3A_363 = vector.broadcast %parallel_loop3A_362 : i32 to vector<16xi32>
      %parallel_loop3A_364 = arith.index_cast %parallel_loop3A_361 : i32 to index
      %parallel_loop3A_365 = tpu.vector_load %arg7[%parallel_loop3A_364] {strides = array<i32>} : memref<4096xi32, #tpu.memory_space<vmem>>, vector<16xi32>,
      tpu.vector_store %arg7[%parallel_loop3A_364], %parallel_loop3A_363 {strides = array<i32>} : memref<4096xi32, #tpu.memory_space<vmem>>, vector<16xi32>,
    } {sc.loop_unroll_factor = 8 : i64, sc.parallel_access}
    %parallel_loop3A_156 = arith.constant 0 : i32
    %parallel_loop3A_157 = arith.constant 32768 : i32
    %parallel_loop3A_158 = arith.constant 16 : i32
    scf.for %parallel_loop3A_361 = %parallel_loop3A_156 to %parallel_loop3A_157 step %parallel_loop3A_158  : i32 {
      %parallel_loop3A_362 = arith.index_cast %parallel_loop3A_361 : i32 to index
      %parallel_loop3A_363 = tpu.vector_load %arg6[%parallel_loop3A_362] {strides = array<i32>} : memref<32768xi32, #tpu.memory_space<vmem>>, vector<16xi32>,
      %parallel_loop3A_364 = arith.constant 8 : i32
      %parallel_loop3A_365 = vector.broadcast %parallel_loop3A_364 : i32 to vector<16xi32>
      %parallel_loop3A_366 = arith.shrsi %parallel_loop3A_363, %parallel_loop3A_365 : vector<16xi32>
      %parallel_loop3A_367 = vector.broadcast %or3A_152 : i32 to vector<16xi32>
      %parallel_loop3A_368 = arith.cmpi eq, %parallel_loop3A_366, %parallel_loop3A_367 : vector<16xi32>
      %parallel_loop3A_369 = arith.constant 0 : i32
      %parallel_loop3A_370 = vector.broadcast %parallel_loop3A_369 : i32 to vector<16xi32>
      %parallel_loop3A_371 = arith.shrsi %parallel_loop3A_363, %parallel_loop3A_370 : vector<16xi32>
      %parallel_loop3A_372 = arith.constant 255 : i32
      %parallel_loop3A_373 = vector.broadcast %parallel_loop3A_372 : i32 to vector<16xi32>
      %parallel_loop3A_374 = arith.andi %parallel_loop3A_371, %parallel_loop3A_373 : vector<16xi32>
      %parallel_loop3A_375 = arith.constant 4 : i32
      %parallel_loop3A_376 = vector.broadcast %parallel_loop3A_375 : i32 to vector<16xi32>
      %parallel_loop3A_377 = arith.shli %parallel_loop3A_374, %parallel_loop3A_376 : vector<16xi32>
      %parallel_loop3A_378 = arith.ori %parallel_loop3A_377, %iota3A : vector<16xi32>
      tpu.vector_store_idx %arg7[%parallel_loop3A_378], %broadcast_in_dim3A_1 masked %parallel_loop3A_368 {add = true} : memref<4096xi32, #tpu.memory_space<vmem>>[vector<16xi32>], vector<16xi32>, vector<16xi1>
    } {sc.loop_unroll_factor = 8 : i64, sc.parallel_access}
    %while3A_159 = arith.constant 255 : i32
    %while3A_160 = arith.constant 0 : i32
    %while3A_161:2 = scf.while (%while3A_361 = %while3A_159, %while3A_362 = %while3A_160) : (i32, i32) -> (i32, i32) {
      %mul3A_363 = arith.constant 16 : i32
      %mul3A_364 = arith.muli %while3A_361, %mul3A_363 : i32
      %get3A = arith.index_cast %mul3A_364 : i32 to index
      %get3A_365 = tpu.vector_load %arg7[%get3A] {strides = array<i32>} : memref<4096xi32, #tpu.memory_space<vmem>>, vector<16xi32>,
      %reduce_sum3A = arith.constant true
      %reduce_sum3A_366 = vector.broadcast %reduce_sum3A : i1 to vector<16xi1>
      %reduce_sum3A_367 = tpu.scan <sum>, %get3A_365 masked %reduce_sum3A_366 : vector<16xi32>, vector<16xi1> -> vector<16xi32>
      %reduce_sum3A_368 = vector.extract %reduce_sum3A_367[15] : i32 from vector<16xi32>
      %add3A_369 = arith.addi %while3A_362, %reduce_sum3A_368 : i32
      %lt3A = arith.cmpi slt, %add3A_369, %sub3A_149 : i32
      scf.condition(%lt3A) %while3A_361, %while3A_362 : i32, i32
    } do {
    ^bb0(%while3A_361: i32, %while3A_362: i32):
      %sub3A_363 = arith.constant 1 : i32
      %sub3A_364 = arith.subi %while3A_361, %sub3A_363 : i32
      %mul3A_365 = arith.constant 16 : i32
      %mul3A_366 = arith.muli %while3A_361, %mul3A_365 : i32
      %get3A = arith.index_cast %mul3A_366 : i32 to index
      %get3A_367 = tpu.vector_load %arg7[%get3A] {strides = array<i32>} : memref<4096xi32, #tpu.memory_space<vmem>>, vector<16xi32>,
      %reduce_sum3A = arith.constant true
      %reduce_sum3A_368 = vector.broadcast %reduce_sum3A : i1 to vector<16xi1>
      %reduce_sum3A_369 = tpu.scan <sum>, %get3A_367 masked %reduce_sum3A_368 : vector<16xi32>, vector<16xi1> -> vector<16xi32>
      %reduce_sum3A_370 = vector.extract %reduce_sum3A_369[15] : i32 from vector<16xi32>
      %add3A_371 = arith.addi %while3A_362, %reduce_sum3A_370 : i32
      scf.yield %sub3A_364, %add3A_371 : i32, i32
    }
    %sub3A_162 = arith.subi %sub3A_149, %while3A_161#1 : i32
    %shift_left3A_163 = arith.constant 8 : i32
    %shift_left3A_164 = arith.shli %or3A_152, %shift_left3A_163 : i32
    %or3A_165 = arith.ori %shift_left3A_164, %while3A_161#0 : i32
    %parallel_loop3A_166 = arith.constant 0 : i32
    %parallel_loop3A_167 = arith.constant 32768 : i32
    %parallel_loop3A_168 = arith.constant 16 : i32
    scf.for %parallel_loop3A_361 = %parallel_loop3A_166 to %parallel_loop3A_167 step %parallel_loop3A_168  : i32 {
      %parallel_loop3A_362 = arith.index_cast %parallel_loop3A_361 : i32 to index
      %parallel_loop3A_363 = tpu.vector_load %arg5[%parallel_loop3A_362] {strides = array<i32>} : memref<32768xf32, #tpu.memory_space<vmem>>, vector<16xf32>,
      %parallel_loop3A_364 = arith.index_cast %parallel_loop3A_361 : i32 to index
      %parallel_loop3A_365 = tpu.vector_load %arg6[%parallel_loop3A_364] {strides = array<i32>} : memref<32768xi32, #tpu.memory_space<vmem>>, vector<16xi32>,
      %parallel_loop3A_366 = vector.broadcast %or3A_165 : i32 to vector<16xi32>
      %parallel_loop3A_367 = arith.cmpi sge, %parallel_loop3A_365, %parallel_loop3A_366 : vector<16xi32>
      %parallel_loop3A_368 = arith.constant 1.000000e+00 : f32
      %parallel_loop3A_369 = vector.broadcast %parallel_loop3A_368 : f32 to vector<16xf32>
      %parallel_loop3A_370 = arith.subf %parallel_loop3A_369, %parallel_loop3A_363 : vector<16xf32>
      %parallel_loop3A_371 = arith.select %parallel_loop3A_367, %parallel_loop3A_370, %parallel_loop3A_363 : vector<16xi1>, vector<16xf32>
      %parallel_loop3A_372 = arith.index_cast %parallel_loop3A_361 : i32 to index
      %parallel_loop3A_373 = tpu.vector_load %arg5[%parallel_loop3A_372] {strides = array<i32>} : memref<32768xf32, #tpu.memory_space<vmem>>, vector<16xf32>,
      tpu.vector_store %arg5[%parallel_loop3A_372], %parallel_loop3A_371 {strides = array<i32>} : memref<32768xf32, #tpu.memory_space<vmem>>, vector<16xf32>,
    } {sc.loop_unroll_factor = 8 : i64, sc.parallel_access}
    %add3A_169 = arith.constant 1 : i32
    %add3A_170 = arith.addi %mul3A_3, %add3A_169 : i32
    %dma_start3A_171 = arith.constant 0 : i32
    %dma_start3A_172 = tpu.memref_slice %arg3[%add3A_170, %dma_start3A_171] : memref<128x32768xf32, #tpu.memory_space<hbm>> -> memref<1x32768xf32, #tpu.memory_space<hbm>>
    %dma_start3A_173 = tpu.memref_squeeze %dma_start3A_172 : memref<1x32768xf32, #tpu.memory_space<hbm>> -> memref<32768xf32, #tpu.memory_space<hbm>>
    %dma_start3A_174 = arith.constant 0 : i32
    %dma_start3A_175 = tpu.memref_slice %arg3[%add3A_170, %dma_start3A_174] : memref<128x32768xf32, #tpu.memory_space<hbm>> -> memref<1x32768xf32, #tpu.memory_space<hbm>>
    %dma_start3A_176 = tpu.memref_squeeze %dma_start3A_175 : memref<1x32768xf32, #tpu.memory_space<hbm>> -> memref<32768xf32, #tpu.memory_space<hbm>>
    tpu.enqueue_dma source(%arg5 : memref<32768xf32, #tpu.memory_space<vmem>>) target(%dma_start3A_176 : memref<32768xf32, #tpu.memory_space<hbm>>) target_semaphore(%arg9 : memref<!tpu.dma_semaphore, #tpu.memory_space<semaphore_mem>>)
    %add3A_177 = arith.constant 2 : i32
    %add3A_178 = arith.addi %mul3A_3, %add3A_177 : i32
    %dma_wait3A_179 = arith.constant 0 : i32
    %dma_wait3A_180 = tpu.memref_slice %arg2[%add3A_178, %dma_wait3A_179] : memref<128x32768xf32, #tpu.memory_space<hbm>> -> memref<1x32768xf32, #tpu.memory_space<hbm>>
    %dma_wait3A_181 = tpu.memref_squeeze %dma_wait3A_180 : memref<1x32768xf32, #tpu.memory_space<hbm>> -> memref<32768xf32, #tpu.memory_space<hbm>>
    %dma_wait3A_182 = arith.constant 0 : i32
    %dma_wait3A_183 = tpu.memref_slice %arg2[%add3A_178, %dma_wait3A_182] : memref<128x32768xf32, #tpu.memory_space<hbm>> -> memref<1x32768xf32, #tpu.memory_space<hbm>>
    %dma_wait3A_184 = tpu.memref_squeeze %dma_wait3A_183 : memref<1x32768xf32, #tpu.memory_space<hbm>> -> memref<32768xf32, #tpu.memory_space<hbm>>
    tpu.wait_dma2 semaphore(%arg8 : memref<!tpu.dma_semaphore, #tpu.memory_space<semaphore_mem>>) src(%dma_wait3A_184 : memref<32768xf32, #tpu.memory_space<hbm>>) dst(%arg4 : memref<32768xf32, #tpu.memory_space<vmem>>)
    %add3A_185 = arith.constant 2 : i32
    %add3A_186 = arith.addi %mul3A_3, %add3A_185 : i32
    %sub3A_187 = arith.constant 1 : i32
    %sub3A_188 = arith.subi %add3A_186, %sub3A_187 : i32
    %dma_wait3A_189 = arith.constant 0 : i32
    %dma_wait3A_190 = tpu.memref_slice %arg3[%sub3A_188, %dma_wait3A_189] : memref<128x32768xf32, #tpu.memory_space<hbm>> -> memref<1x32768xf32, #tpu.memory_space<hbm>>
    %dma_wait3A_191 = tpu.memref_squeeze %dma_wait3A_190 : memref<1x32768xf32, #tpu.memory_space<hbm>> -> memref<32768xf32, #tpu.memory_space<hbm>>
    %dma_wait3A_192 = arith.constant 0 : i32
    %dma_wait3A_193 = tpu.memref_slice %arg3[%sub3A_188, %dma_wait3A_192] : memref<128x32768xf32, #tpu.memory_space<hbm>> -> memref<1x32768xf32, #tpu.memory_space<hbm>>
    %dma_wait3A_194 = tpu.memref_squeeze %dma_wait3A_193 : memref<1x32768xf32, #tpu.memory_space<hbm>> -> memref<32768xf32, #tpu.memory_space<hbm>>
    tpu.wait_dma2 semaphore(%arg9 : memref<!tpu.dma_semaphore, #tpu.memory_space<semaphore_mem>>) src(%arg5 : memref<32768xf32, #tpu.memory_space<vmem>>) dst(%dma_wait3A_194 : memref<32768xf32, #tpu.memory_space<hbm>>)
    %add3A_195 = arith.constant 2 : i32
    %add3A_196 = arith.addi %mul3A_3, %add3A_195 : i32
    %add3A_197 = arith.constant 1 : i32
    %add3A_198 = arith.addi %add3A_196, %add3A_197 : i32
    %dma_start3A_199 = arith.constant 0 : i32
    %dma_start3A_200 = tpu.memref_slice %arg2[%add3A_198, %dma_start3A_199] : memref<128x32768xf32, #tpu.memory_space<hbm>> -> memref<1x32768xf32, #tpu.memory_space<hbm>>
    %dma_start3A_201 = tpu.memref_squeeze %dma_start3A_200 : memref<1x32768xf32, #tpu.memory_space<hbm>> -> memref<32768xf32, #tpu.memory_space<hbm>>
    %dma_start3A_202 = arith.constant 0 : i32
    %dma_start3A_203 = tpu.memref_slice %arg2[%add3A_198, %dma_start3A_202] : memref<128x32768xf32, #tpu.memory_space<hbm>> -> memref<1x32768xf32, #tpu.memory_space<hbm>>
    %dma_start3A_204 = tpu.memref_squeeze %dma_start3A_203 : memref<1x32768xf32, #tpu.memory_space<hbm>> -> memref<32768xf32, #tpu.memory_space<hbm>>
    tpu.enqueue_dma source(%dma_start3A_204 : memref<32768xf32, #tpu.memory_space<hbm>>) target(%arg5 : memref<32768xf32, #tpu.memory_space<vmem>>) target_semaphore(%arg8 : memref<!tpu.dma_semaphore, #tpu.memory_space<semaphore_mem>>)
    %parallel_loop3A_205 = arith.constant 0 : i32
    %parallel_loop3A_206 = arith.constant 4096 : i32
    %parallel_loop3A_207 = arith.constant 16 : i32
    scf.for %parallel_loop3A_361 = %parallel_loop3A_205 to %parallel_loop3A_206 step %parallel_loop3A_207  : i32 {
      %parallel_loop3A_362 = arith.constant 0 : i32
      %parallel_loop3A_363 = vector.broadcast %parallel_loop3A_362 : i32 to vector<16xi32>
      %parallel_loop3A_364 = arith.index_cast %parallel_loop3A_361 : i32 to index
      %parallel_loop3A_365 = tpu.vector_load %arg7[%parallel_loop3A_364] {strides = array<i32>} : memref<4096xi32, #tpu.memory_space<vmem>>, vector<16xi32>,
      tpu.vector_store %arg7[%parallel_loop3A_364], %parallel_loop3A_363 {strides = array<i32>} : memref<4096xi32, #tpu.memory_space<vmem>>, vector<16xi32>,
    } {sc.loop_unroll_factor = 8 : i64, sc.parallel_access}
    %parallel_loop3A_208 = arith.constant 0 : i32
    %parallel_loop3A_209 = arith.constant 32768 : i32
    %parallel_loop3A_210 = arith.constant 16 : i32
    scf.for %parallel_loop3A_361 = %parallel_loop3A_208 to %parallel_loop3A_209 step %parallel_loop3A_210  : i32 {
      %parallel_loop3A_362 = arith.index_cast %parallel_loop3A_361 : i32 to index
      %parallel_loop3A_363 = tpu.vector_load %arg4[%parallel_loop3A_362] {strides = array<i32>} : memref<32768xf32, #tpu.memory_space<vmem>>, vector<16xf32>,
      %parallel_loop3A_364 = vector.bitcast %parallel_loop3A_363 : vector<16xf32> to vector<16xi32>
      %parallel_loop3A_365 = arith.constant 31 : i32
      %parallel_loop3A_366 = vector.broadcast %parallel_loop3A_365 : i32 to vector<16xi32>
      %parallel_loop3A_367 = arith.shrsi %parallel_loop3A_364, %parallel_loop3A_366 : vector<16xi32>
      %parallel_loop3A_368 = arith.constant 2147483647 : i32
      %parallel_loop3A_369 = vector.broadcast %parallel_loop3A_368 : i32 to vector<16xi32>
      %parallel_loop3A_370 = arith.andi %parallel_loop3A_367, %parallel_loop3A_369 : vector<16xi32>
      %parallel_loop3A_371 = arith.xori %parallel_loop3A_364, %parallel_loop3A_370 : vector<16xi32>
      %parallel_loop3A_372 = arith.index_cast %parallel_loop3A_361 : i32 to index
      %parallel_loop3A_373 = tpu.vector_load %arg6[%parallel_loop3A_372] {strides = array<i32>} : memref<32768xi32, #tpu.memory_space<vmem>>, vector<16xi32>,
      tpu.vector_store %arg6[%parallel_loop3A_372], %parallel_loop3A_371 {strides = array<i32>} : memref<32768xi32, #tpu.memory_space<vmem>>, vector<16xi32>,
      %parallel_loop3A_374 = arith.constant 24 : i32
      %parallel_loop3A_375 = vector.broadcast %parallel_loop3A_374 : i32 to vector<16xi32>
      %parallel_loop3A_376 = arith.shrsi %parallel_loop3A_371, %parallel_loop3A_375 : vector<16xi32>
      %parallel_loop3A_377 = arith.constant 128 : i32
      %parallel_loop3A_378 = vector.broadcast %parallel_loop3A_377 : i32 to vector<16xi32>
      %parallel_loop3A_379 = arith.addi %parallel_loop3A_376, %parallel_loop3A_378 : vector<16xi32>
      %parallel_loop3A_380 = arith.constant 4 : i32
      %parallel_loop3A_381 = vector.broadcast %parallel_loop3A_380 : i32 to vector<16xi32>
      %parallel_loop3A_382 = arith.shli %parallel_loop3A_379, %parallel_loop3A_381 : vector<16xi32>
      %parallel_loop3A_383 = arith.ori %parallel_loop3A_382, %iota3A : vector<16xi32>
      tpu.vector_store_idx %arg7[%parallel_loop3A_383], %broadcast_in_dim3A_1 {add = true} : memref<4096xi32, #tpu.memory_space<vmem>>[vector<16xi32>], vector<16xi32>,
    } {sc.loop_unroll_factor = 8 : i64, sc.parallel_access}
    %while3A_211 = arith.constant 6553 : i32
    %while3A_212 = arith.constant 255 : i32
    %while3A_213 = arith.constant 0 : i32
    %while3A_214:2 = scf.while (%while3A_361 = %while3A_212, %while3A_362 = %while3A_213) : (i32, i32) -> (i32, i32) {
      %mul3A_363 = arith.constant 16 : i32
      %mul3A_364 = arith.muli %while3A_361, %mul3A_363 : i32
      %get3A = arith.index_cast %mul3A_364 : i32 to index
      %get3A_365 = tpu.vector_load %arg7[%get3A] {strides = array<i32>} : memref<4096xi32, #tpu.memory_space<vmem>>, vector<16xi32>,
      %reduce_sum3A = arith.constant true
      %reduce_sum3A_366 = vector.broadcast %reduce_sum3A : i1 to vector<16xi1>
      %reduce_sum3A_367 = tpu.scan <sum>, %get3A_365 masked %reduce_sum3A_366 : vector<16xi32>, vector<16xi1> -> vector<16xi32>
      %reduce_sum3A_368 = vector.extract %reduce_sum3A_367[15] : i32 from vector<16xi32>
      %add3A_369 = arith.addi %while3A_362, %reduce_sum3A_368 : i32
      %lt3A = arith.cmpi slt, %add3A_369, %while3A_211 : i32
      scf.condition(%lt3A) %while3A_361, %while3A_362 : i32, i32
    } do {
    ^bb0(%while3A_361: i32, %while3A_362: i32):
      %sub3A_363 = arith.constant 1 : i32
      %sub3A_364 = arith.subi %while3A_361, %sub3A_363 : i32
      %mul3A_365 = arith.constant 16 : i32
      %mul3A_366 = arith.muli %while3A_361, %mul3A_365 : i32
      %get3A = arith.index_cast %mul3A_366 : i32 to index
      %get3A_367 = tpu.vector_load %arg7[%get3A] {strides = array<i32>} : memref<4096xi32, #tpu.memory_space<vmem>>, vector<16xi32>,
      %reduce_sum3A = arith.constant true
      %reduce_sum3A_368 = vector.broadcast %reduce_sum3A : i1 to vector<16xi1>
      %reduce_sum3A_369 = tpu.scan <sum>, %get3A_367 masked %reduce_sum3A_368 : vector<16xi32>, vector<16xi1> -> vector<16xi32>
      %reduce_sum3A_370 = vector.extract %reduce_sum3A_369[15] : i32 from vector<16xi32>
      %add3A_371 = arith.addi %while3A_362, %reduce_sum3A_370 : i32
      scf.yield %sub3A_364, %add3A_371 : i32, i32
    }
    %sub3A_215 = arith.constant 6553 : i32
    %sub3A_216 = arith.subi %sub3A_215, %while3A_214#1 : i32
    %sub3A_217 = arith.constant 128 : i32
    %sub3A_218 = arith.subi %while3A_214#0, %sub3A_217 : i32
    %parallel_loop3A_219 = arith.constant 0 : i32
    %parallel_loop3A_220 = arith.constant 4096 : i32
    %parallel_loop3A_221 = arith.constant 16 : i32
    scf.for %parallel_loop3A_361 = %parallel_loop3A_219 to %parallel_loop3A_220 step %parallel_loop3A_221  : i32 {
      %parallel_loop3A_362 = arith.constant 0 : i32
      %parallel_loop3A_363 = vector.broadcast %parallel_loop3A_362 : i32 to vector<16xi32>
      %parallel_loop3A_364 = arith.index_cast %parallel_loop3A_361 : i32 to index
      %parallel_loop3A_365 = tpu.vector_load %arg7[%parallel_loop3A_364] {strides = array<i32>} : memref<4096xi32, #tpu.memory_space<vmem>>, vector<16xi32>,
      tpu.vector_store %arg7[%parallel_loop3A_364], %parallel_loop3A_363 {strides = array<i32>} : memref<4096xi32, #tpu.memory_space<vmem>>, vector<16xi32>,
    } {sc.loop_unroll_factor = 8 : i64, sc.parallel_access}
    %parallel_loop3A_222 = arith.constant 0 : i32
    %parallel_loop3A_223 = arith.constant 32768 : i32
    %parallel_loop3A_224 = arith.constant 16 : i32
    scf.for %parallel_loop3A_361 = %parallel_loop3A_222 to %parallel_loop3A_223 step %parallel_loop3A_224  : i32 {
      %parallel_loop3A_362 = arith.index_cast %parallel_loop3A_361 : i32 to index
      %parallel_loop3A_363 = tpu.vector_load %arg6[%parallel_loop3A_362] {strides = array<i32>} : memref<32768xi32, #tpu.memory_space<vmem>>, vector<16xi32>,
      %parallel_loop3A_364 = arith.constant 24 : i32
      %parallel_loop3A_365 = vector.broadcast %parallel_loop3A_364 : i32 to vector<16xi32>
      %parallel_loop3A_366 = arith.shrsi %parallel_loop3A_363, %parallel_loop3A_365 : vector<16xi32>
      %parallel_loop3A_367 = vector.broadcast %sub3A_218 : i32 to vector<16xi32>
      %parallel_loop3A_368 = arith.cmpi eq, %parallel_loop3A_366, %parallel_loop3A_367 : vector<16xi32>
      %parallel_loop3A_369 = arith.constant 16 : i32
      %parallel_loop3A_370 = vector.broadcast %parallel_loop3A_369 : i32 to vector<16xi32>
      %parallel_loop3A_371 = arith.shrsi %parallel_loop3A_363, %parallel_loop3A_370 : vector<16xi32>
      %parallel_loop3A_372 = arith.constant 255 : i32
      %parallel_loop3A_373 = vector.broadcast %parallel_loop3A_372 : i32 to vector<16xi32>
      %parallel_loop3A_374 = arith.andi %parallel_loop3A_371, %parallel_loop3A_373 : vector<16xi32>
      %parallel_loop3A_375 = arith.constant 4 : i32
      %parallel_loop3A_376 = vector.broadcast %parallel_loop3A_375 : i32 to vector<16xi32>
      %parallel_loop3A_377 = arith.shli %parallel_loop3A_374, %parallel_loop3A_376 : vector<16xi32>
      %parallel_loop3A_378 = arith.ori %parallel_loop3A_377, %iota3A : vector<16xi32>
      tpu.vector_store_idx %arg7[%parallel_loop3A_378], %broadcast_in_dim3A_1 masked %parallel_loop3A_368 {add = true} : memref<4096xi32, #tpu.memory_space<vmem>>[vector<16xi32>], vector<16xi32>, vector<16xi1>
    } {sc.loop_unroll_factor = 8 : i64, sc.parallel_access}
    %while3A_225 = arith.constant 255 : i32
    %while3A_226 = arith.constant 0 : i32
    %while3A_227:2 = scf.while (%while3A_361 = %while3A_225, %while3A_362 = %while3A_226) : (i32, i32) -> (i32, i32) {
      %mul3A_363 = arith.constant 16 : i32
      %mul3A_364 = arith.muli %while3A_361, %mul3A_363 : i32
      %get3A = arith.index_cast %mul3A_364 : i32 to index
      %get3A_365 = tpu.vector_load %arg7[%get3A] {strides = array<i32>} : memref<4096xi32, #tpu.memory_space<vmem>>, vector<16xi32>,
      %reduce_sum3A = arith.constant true
      %reduce_sum3A_366 = vector.broadcast %reduce_sum3A : i1 to vector<16xi1>
      %reduce_sum3A_367 = tpu.scan <sum>, %get3A_365 masked %reduce_sum3A_366 : vector<16xi32>, vector<16xi1> -> vector<16xi32>
      %reduce_sum3A_368 = vector.extract %reduce_sum3A_367[15] : i32 from vector<16xi32>
      %add3A_369 = arith.addi %while3A_362, %reduce_sum3A_368 : i32
      %lt3A = arith.cmpi slt, %add3A_369, %sub3A_216 : i32
      scf.condition(%lt3A) %while3A_361, %while3A_362 : i32, i32
    } do {
    ^bb0(%while3A_361: i32, %while3A_362: i32):
      %sub3A_363 = arith.constant 1 : i32
      %sub3A_364 = arith.subi %while3A_361, %sub3A_363 : i32
      %mul3A_365 = arith.constant 16 : i32
      %mul3A_366 = arith.muli %while3A_361, %mul3A_365 : i32
      %get3A = arith.index_cast %mul3A_366 : i32 to index
      %get3A_367 = tpu.vector_load %arg7[%get3A] {strides = array<i32>} : memref<4096xi32, #tpu.memory_space<vmem>>, vector<16xi32>,
      %reduce_sum3A = arith.constant true
      %reduce_sum3A_368 = vector.broadcast %reduce_sum3A : i1 to vector<16xi1>
      %reduce_sum3A_369 = tpu.scan <sum>, %get3A_367 masked %reduce_sum3A_368 : vector<16xi32>, vector<16xi1> -> vector<16xi32>
      %reduce_sum3A_370 = vector.extract %reduce_sum3A_369[15] : i32 from vector<16xi32>
      %add3A_371 = arith.addi %while3A_362, %reduce_sum3A_370 : i32
      scf.yield %sub3A_364, %add3A_371 : i32, i32
    }
    %sub3A_228 = arith.subi %sub3A_216, %while3A_227#1 : i32
    %shift_left3A_229 = arith.constant 8 : i32
    %shift_left3A_230 = arith.shli %sub3A_218, %shift_left3A_229 : i32
    %or3A_231 = arith.ori %shift_left3A_230, %while3A_227#0 : i32
    %parallel_loop3A_232 = arith.constant 0 : i32
    %parallel_loop3A_233 = arith.constant 4096 : i32
    %parallel_loop3A_234 = arith.constant 16 : i32
    scf.for %parallel_loop3A_361 = %parallel_loop3A_232 to %parallel_loop3A_233 step %parallel_loop3A_234  : i32 {
      %parallel_loop3A_362 = arith.constant 0 : i32
      %parallel_loop3A_363 = vector.broadcast %parallel_loop3A_362 : i32 to vector<16xi32>
      %parallel_loop3A_364 = arith.index_cast %parallel_loop3A_361 : i32 to index
      %parallel_loop3A_365 = tpu.vector_load %arg7[%parallel_loop3A_364] {strides = array<i32>} : memref<4096xi32, #tpu.memory_space<vmem>>, vector<16xi32>,
      tpu.vector_store %arg7[%parallel_loop3A_364], %parallel_loop3A_363 {strides = array<i32>} : memref<4096xi32, #tpu.memory_space<vmem>>, vector<16xi32>,
    } {sc.loop_unroll_factor = 8 : i64, sc.parallel_access}
    %parallel_loop3A_235 = arith.constant 0 : i32
    %parallel_loop3A_236 = arith.constant 32768 : i32
    %parallel_loop3A_237 = arith.constant 16 : i32
    scf.for %parallel_loop3A_361 = %parallel_loop3A_235 to %parallel_loop3A_236 step %parallel_loop3A_237  : i32 {
      %parallel_loop3A_362 = arith.index_cast %parallel_loop3A_361 : i32 to index
      %parallel_loop3A_363 = tpu.vector_load %arg6[%parallel_loop3A_362] {strides = array<i32>} : memref<32768xi32, #tpu.memory_space<vmem>>, vector<16xi32>,
      %parallel_loop3A_364 = arith.constant 16 : i32
      %parallel_loop3A_365 = vector.broadcast %parallel_loop3A_364 : i32 to vector<16xi32>
      %parallel_loop3A_366 = arith.shrsi %parallel_loop3A_363, %parallel_loop3A_365 : vector<16xi32>
      %parallel_loop3A_367 = vector.broadcast %or3A_231 : i32 to vector<16xi32>
      %parallel_loop3A_368 = arith.cmpi eq, %parallel_loop3A_366, %parallel_loop3A_367 : vector<16xi32>
      %parallel_loop3A_369 = arith.constant 8 : i32
      %parallel_loop3A_370 = vector.broadcast %parallel_loop3A_369 : i32 to vector<16xi32>
      %parallel_loop3A_371 = arith.shrsi %parallel_loop3A_363, %parallel_loop3A_370 : vector<16xi32>
      %parallel_loop3A_372 = arith.constant 255 : i32
      %parallel_loop3A_373 = vector.broadcast %parallel_loop3A_372 : i32 to vector<16xi32>
      %parallel_loop3A_374 = arith.andi %parallel_loop3A_371, %parallel_loop3A_373 : vector<16xi32>
      %parallel_loop3A_375 = arith.constant 4 : i32
      %parallel_loop3A_376 = vector.broadcast %parallel_loop3A_375 : i32 to vector<16xi32>
      %parallel_loop3A_377 = arith.shli %parallel_loop3A_374, %parallel_loop3A_376 : vector<16xi32>
      %parallel_loop3A_378 = arith.ori %parallel_loop3A_377, %iota3A : vector<16xi32>
      tpu.vector_store_idx %arg7[%parallel_loop3A_378], %broadcast_in_dim3A_1 masked %parallel_loop3A_368 {add = true} : memref<4096xi32, #tpu.memory_space<vmem>>[vector<16xi32>], vector<16xi32>, vector<16xi1>
    } {sc.loop_unroll_factor = 8 : i64, sc.parallel_access}
    %while3A_238 = arith.constant 255 : i32
    %while3A_239 = arith.constant 0 : i32
    %while3A_240:2 = scf.while (%while3A_361 = %while3A_238, %while3A_362 = %while3A_239) : (i32, i32) -> (i32, i32) {
      %mul3A_363 = arith.constant 16 : i32
      %mul3A_364 = arith.muli %while3A_361, %mul3A_363 : i32
      %get3A = arith.index_cast %mul3A_364 : i32 to index
      %get3A_365 = tpu.vector_load %arg7[%get3A] {strides = array<i32>} : memref<4096xi32, #tpu.memory_space<vmem>>, vector<16xi32>,
      %reduce_sum3A = arith.constant true
      %reduce_sum3A_366 = vector.broadcast %reduce_sum3A : i1 to vector<16xi1>
      %reduce_sum3A_367 = tpu.scan <sum>, %get3A_365 masked %reduce_sum3A_366 : vector<16xi32>, vector<16xi1> -> vector<16xi32>
      %reduce_sum3A_368 = vector.extract %reduce_sum3A_367[15] : i32 from vector<16xi32>
      %add3A_369 = arith.addi %while3A_362, %reduce_sum3A_368 : i32
      %lt3A = arith.cmpi slt, %add3A_369, %sub3A_228 : i32
      scf.condition(%lt3A) %while3A_361, %while3A_362 : i32, i32
    } do {
    ^bb0(%while3A_361: i32, %while3A_362: i32):
      %sub3A_363 = arith.constant 1 : i32
      %sub3A_364 = arith.subi %while3A_361, %sub3A_363 : i32
      %mul3A_365 = arith.constant 16 : i32
      %mul3A_366 = arith.muli %while3A_361, %mul3A_365 : i32
      %get3A = arith.index_cast %mul3A_366 : i32 to index
      %get3A_367 = tpu.vector_load %arg7[%get3A] {strides = array<i32>} : memref<4096xi32, #tpu.memory_space<vmem>>, vector<16xi32>,
      %reduce_sum3A = arith.constant true
      %reduce_sum3A_368 = vector.broadcast %reduce_sum3A : i1 to vector<16xi1>
      %reduce_sum3A_369 = tpu.scan <sum>, %get3A_367 masked %reduce_sum3A_368 : vector<16xi32>, vector<16xi1> -> vector<16xi32>
      %reduce_sum3A_370 = vector.extract %reduce_sum3A_369[15] : i32 from vector<16xi32>
      %add3A_371 = arith.addi %while3A_362, %reduce_sum3A_370 : i32
      scf.yield %sub3A_364, %add3A_371 : i32, i32
    }
    %sub3A_241 = arith.subi %sub3A_228, %while3A_240#1 : i32
    %shift_left3A_242 = arith.constant 8 : i32
    %shift_left3A_243 = arith.shli %or3A_231, %shift_left3A_242 : i32
    %or3A_244 = arith.ori %shift_left3A_243, %while3A_240#0 : i32
    %parallel_loop3A_245 = arith.constant 0 : i32
    %parallel_loop3A_246 = arith.constant 4096 : i32
    %parallel_loop3A_247 = arith.constant 16 : i32
    scf.for %parallel_loop3A_361 = %parallel_loop3A_245 to %parallel_loop3A_246 step %parallel_loop3A_247  : i32 {
      %parallel_loop3A_362 = arith.constant 0 : i32
      %parallel_loop3A_363 = vector.broadcast %parallel_loop3A_362 : i32 to vector<16xi32>
      %parallel_loop3A_364 = arith.index_cast %parallel_loop3A_361 : i32 to index
      %parallel_loop3A_365 = tpu.vector_load %arg7[%parallel_loop3A_364] {strides = array<i32>} : memref<4096xi32, #tpu.memory_space<vmem>>, vector<16xi32>,
      tpu.vector_store %arg7[%parallel_loop3A_364], %parallel_loop3A_363 {strides = array<i32>} : memref<4096xi32, #tpu.memory_space<vmem>>, vector<16xi32>,
    } {sc.loop_unroll_factor = 8 : i64, sc.parallel_access}
    %parallel_loop3A_248 = arith.constant 0 : i32
    %parallel_loop3A_249 = arith.constant 32768 : i32
    %parallel_loop3A_250 = arith.constant 16 : i32
    scf.for %parallel_loop3A_361 = %parallel_loop3A_248 to %parallel_loop3A_249 step %parallel_loop3A_250  : i32 {
      %parallel_loop3A_362 = arith.index_cast %parallel_loop3A_361 : i32 to index
      %parallel_loop3A_363 = tpu.vector_load %arg6[%parallel_loop3A_362] {strides = array<i32>} : memref<32768xi32, #tpu.memory_space<vmem>>, vector<16xi32>,
      %parallel_loop3A_364 = arith.constant 8 : i32
      %parallel_loop3A_365 = vector.broadcast %parallel_loop3A_364 : i32 to vector<16xi32>
      %parallel_loop3A_366 = arith.shrsi %parallel_loop3A_363, %parallel_loop3A_365 : vector<16xi32>
      %parallel_loop3A_367 = vector.broadcast %or3A_244 : i32 to vector<16xi32>
      %parallel_loop3A_368 = arith.cmpi eq, %parallel_loop3A_366, %parallel_loop3A_367 : vector<16xi32>
      %parallel_loop3A_369 = arith.constant 0 : i32
      %parallel_loop3A_370 = vector.broadcast %parallel_loop3A_369 : i32 to vector<16xi32>
      %parallel_loop3A_371 = arith.shrsi %parallel_loop3A_363, %parallel_loop3A_370 : vector<16xi32>
      %parallel_loop3A_372 = arith.constant 255 : i32
      %parallel_loop3A_373 = vector.broadcast %parallel_loop3A_372 : i32 to vector<16xi32>
      %parallel_loop3A_374 = arith.andi %parallel_loop3A_371, %parallel_loop3A_373 : vector<16xi32>
      %parallel_loop3A_375 = arith.constant 4 : i32
      %parallel_loop3A_376 = vector.broadcast %parallel_loop3A_375 : i32 to vector<16xi32>
      %parallel_loop3A_377 = arith.shli %parallel_loop3A_374, %parallel_loop3A_376 : vector<16xi32>
      %parallel_loop3A_378 = arith.ori %parallel_loop3A_377, %iota3A : vector<16xi32>
      tpu.vector_store_idx %arg7[%parallel_loop3A_378], %broadcast_in_dim3A_1 masked %parallel_loop3A_368 {add = true} : memref<4096xi32, #tpu.memory_space<vmem>>[vector<16xi32>], vector<16xi32>, vector<16xi1>
    } {sc.loop_unroll_factor = 8 : i64, sc.parallel_access}
    %while3A_251 = arith.constant 255 : i32
    %while3A_252 = arith.constant 0 : i32
    %while3A_253:2 = scf.while (%while3A_361 = %while3A_251, %while3A_362 = %while3A_252) : (i32, i32) -> (i32, i32) {
      %mul3A_363 = arith.constant 16 : i32
      %mul3A_364 = arith.muli %while3A_361, %mul3A_363 : i32
      %get3A = arith.index_cast %mul3A_364 : i32 to index
      %get3A_365 = tpu.vector_load %arg7[%get3A] {strides = array<i32>} : memref<4096xi32, #tpu.memory_space<vmem>>, vector<16xi32>,
      %reduce_sum3A = arith.constant true
      %reduce_sum3A_366 = vector.broadcast %reduce_sum3A : i1 to vector<16xi1>
      %reduce_sum3A_367 = tpu.scan <sum>, %get3A_365 masked %reduce_sum3A_366 : vector<16xi32>, vector<16xi1> -> vector<16xi32>
      %reduce_sum3A_368 = vector.extract %reduce_sum3A_367[15] : i32 from vector<16xi32>
      %add3A_369 = arith.addi %while3A_362, %reduce_sum3A_368 : i32
      %lt3A = arith.cmpi slt, %add3A_369, %sub3A_241 : i32
      scf.condition(%lt3A) %while3A_361, %while3A_362 : i32, i32
    } do {
    ^bb0(%while3A_361: i32, %while3A_362: i32):
      %sub3A_363 = arith.constant 1 : i32
      %sub3A_364 = arith.subi %while3A_361, %sub3A_363 : i32
      %mul3A_365 = arith.constant 16 : i32
      %mul3A_366 = arith.muli %while3A_361, %mul3A_365 : i32
      %get3A = arith.index_cast %mul3A_366 : i32 to index
      %get3A_367 = tpu.vector_load %arg7[%get3A] {strides = array<i32>} : memref<4096xi32, #tpu.memory_space<vmem>>, vector<16xi32>,
      %reduce_sum3A = arith.constant true
      %reduce_sum3A_368 = vector.broadcast %reduce_sum3A : i1 to vector<16xi1>
      %reduce_sum3A_369 = tpu.scan <sum>, %get3A_367 masked %reduce_sum3A_368 : vector<16xi32>, vector<16xi1> -> vector<16xi32>
      %reduce_sum3A_370 = vector.extract %reduce_sum3A_369[15] : i32 from vector<16xi32>
      %add3A_371 = arith.addi %while3A_362, %reduce_sum3A_370 : i32
      scf.yield %sub3A_364, %add3A_371 : i32, i32
    }
    %sub3A_254 = arith.subi %sub3A_241, %while3A_253#1 : i32
    %shift_left3A_255 = arith.constant 8 : i32
    %shift_left3A_256 = arith.shli %or3A_244, %shift_left3A_255 : i32
    %or3A_257 = arith.ori %shift_left3A_256, %while3A_253#0 : i32
    %parallel_loop3A_258 = arith.constant 0 : i32
    %parallel_loop3A_259 = arith.constant 32768 : i32
    %parallel_loop3A_260 = arith.constant 16 : i32
    scf.for %parallel_loop3A_361 = %parallel_loop3A_258 to %parallel_loop3A_259 step %parallel_loop3A_260  : i32 {
      %parallel_loop3A_362 = arith.index_cast %parallel_loop3A_361 : i32 to index
      %parallel_loop3A_363 = tpu.vector_load %arg4[%parallel_loop3A_362] {strides = array<i32>} : memref<32768xf32, #tpu.memory_space<vmem>>, vector<16xf32>,
      %parallel_loop3A_364 = arith.index_cast %parallel_loop3A_361 : i32 to index
      %parallel_loop3A_365 = tpu.vector_load %arg6[%parallel_loop3A_364] {strides = array<i32>} : memref<32768xi32, #tpu.memory_space<vmem>>, vector<16xi32>,
      %parallel_loop3A_366 = vector.broadcast %or3A_257 : i32 to vector<16xi32>
      %parallel_loop3A_367 = arith.cmpi sge, %parallel_loop3A_365, %parallel_loop3A_366 : vector<16xi32>
      %parallel_loop3A_368 = arith.constant 1.000000e+00 : f32
      %parallel_loop3A_369 = vector.broadcast %parallel_loop3A_368 : f32 to vector<16xf32>
      %parallel_loop3A_370 = arith.subf %parallel_loop3A_369, %parallel_loop3A_363 : vector<16xf32>
      %parallel_loop3A_371 = arith.select %parallel_loop3A_367, %parallel_loop3A_370, %parallel_loop3A_363 : vector<16xi1>, vector<16xf32>
      %parallel_loop3A_372 = arith.index_cast %parallel_loop3A_361 : i32 to index
      %parallel_loop3A_373 = tpu.vector_load %arg4[%parallel_loop3A_372] {strides = array<i32>} : memref<32768xf32, #tpu.memory_space<vmem>>, vector<16xf32>,
      tpu.vector_store %arg4[%parallel_loop3A_372], %parallel_loop3A_371 {strides = array<i32>} : memref<32768xf32, #tpu.memory_space<vmem>>, vector<16xf32>,
    } {sc.loop_unroll_factor = 8 : i64, sc.parallel_access}
    %add3A_261 = arith.constant 2 : i32
    %add3A_262 = arith.addi %mul3A_3, %add3A_261 : i32
    %dma_start3A_263 = arith.constant 0 : i32
    %dma_start3A_264 = tpu.memref_slice %arg3[%add3A_262, %dma_start3A_263] : memref<128x32768xf32, #tpu.memory_space<hbm>> -> memref<1x32768xf32, #tpu.memory_space<hbm>>
    %dma_start3A_265 = tpu.memref_squeeze %dma_start3A_264 : memref<1x32768xf32, #tpu.memory_space<hbm>> -> memref<32768xf32, #tpu.memory_space<hbm>>
    %dma_start3A_266 = arith.constant 0 : i32
    %dma_start3A_267 = tpu.memref_slice %arg3[%add3A_262, %dma_start3A_266] : memref<128x32768xf32, #tpu.memory_space<hbm>> -> memref<1x32768xf32, #tpu.memory_space<hbm>>
    %dma_start3A_268 = tpu.memref_squeeze %dma_start3A_267 : memref<1x32768xf32, #tpu.memory_space<hbm>> -> memref<32768xf32, #tpu.memory_space<hbm>>
    tpu.enqueue_dma source(%arg4 : memref<32768xf32, #tpu.memory_space<vmem>>) target(%dma_start3A_268 : memref<32768xf32, #tpu.memory_space<hbm>>) target_semaphore(%arg9 : memref<!tpu.dma_semaphore, #tpu.memory_space<semaphore_mem>>)
    %add3A_269 = arith.constant 3 : i32
    %add3A_270 = arith.addi %mul3A_3, %add3A_269 : i32
    %dma_wait3A_271 = arith.constant 0 : i32
    %dma_wait3A_272 = tpu.memref_slice %arg2[%add3A_270, %dma_wait3A_271] : memref<128x32768xf32, #tpu.memory_space<hbm>> -> memref<1x32768xf32, #tpu.memory_space<hbm>>
    %dma_wait3A_273 = tpu.memref_squeeze %dma_wait3A_272 : memref<1x32768xf32, #tpu.memory_space<hbm>> -> memref<32768xf32, #tpu.memory_space<hbm>>
    %dma_wait3A_274 = arith.constant 0 : i32
    %dma_wait3A_275 = tpu.memref_slice %arg2[%add3A_270, %dma_wait3A_274] : memref<128x32768xf32, #tpu.memory_space<hbm>> -> memref<1x32768xf32, #tpu.memory_space<hbm>>
    %dma_wait3A_276 = tpu.memref_squeeze %dma_wait3A_275 : memref<1x32768xf32, #tpu.memory_space<hbm>> -> memref<32768xf32, #tpu.memory_space<hbm>>
    tpu.wait_dma2 semaphore(%arg8 : memref<!tpu.dma_semaphore, #tpu.memory_space<semaphore_mem>>) src(%dma_wait3A_276 : memref<32768xf32, #tpu.memory_space<hbm>>) dst(%arg5 : memref<32768xf32, #tpu.memory_space<vmem>>)
    %parallel_loop3A_277 = arith.constant 0 : i32
    %parallel_loop3A_278 = arith.constant 4096 : i32
    %parallel_loop3A_279 = arith.constant 16 : i32
    scf.for %parallel_loop3A_361 = %parallel_loop3A_277 to %parallel_loop3A_278 step %parallel_loop3A_279  : i32 {
      %parallel_loop3A_362 = arith.constant 0 : i32
      %parallel_loop3A_363 = vector.broadcast %parallel_loop3A_362 : i32 to vector<16xi32>
      %parallel_loop3A_364 = arith.index_cast %parallel_loop3A_361 : i32 to index
      %parallel_loop3A_365 = tpu.vector_load %arg7[%parallel_loop3A_364] {strides = array<i32>} : memref<4096xi32, #tpu.memory_space<vmem>>, vector<16xi32>,
      tpu.vector_store %arg7[%parallel_loop3A_364], %parallel_loop3A_363 {strides = array<i32>} : memref<4096xi32, #tpu.memory_space<vmem>>, vector<16xi32>,
    } {sc.loop_unroll_factor = 8 : i64, sc.parallel_access}
    %parallel_loop3A_280 = arith.constant 0 : i32
    %parallel_loop3A_281 = arith.constant 32768 : i32
    %parallel_loop3A_282 = arith.constant 16 : i32
    scf.for %parallel_loop3A_361 = %parallel_loop3A_280 to %parallel_loop3A_281 step %parallel_loop3A_282  : i32 {
      %parallel_loop3A_362 = arith.index_cast %parallel_loop3A_361 : i32 to index
      %parallel_loop3A_363 = tpu.vector_load %arg5[%parallel_loop3A_362] {strides = array<i32>} : memref<32768xf32, #tpu.memory_space<vmem>>, vector<16xf32>,
      %parallel_loop3A_364 = vector.bitcast %parallel_loop3A_363 : vector<16xf32> to vector<16xi32>
      %parallel_loop3A_365 = arith.constant 31 : i32
      %parallel_loop3A_366 = vector.broadcast %parallel_loop3A_365 : i32 to vector<16xi32>
      %parallel_loop3A_367 = arith.shrsi %parallel_loop3A_364, %parallel_loop3A_366 : vector<16xi32>
      %parallel_loop3A_368 = arith.constant 2147483647 : i32
      %parallel_loop3A_369 = vector.broadcast %parallel_loop3A_368 : i32 to vector<16xi32>
      %parallel_loop3A_370 = arith.andi %parallel_loop3A_367, %parallel_loop3A_369 : vector<16xi32>
      %parallel_loop3A_371 = arith.xori %parallel_loop3A_364, %parallel_loop3A_370 : vector<16xi32>
      %parallel_loop3A_372 = arith.index_cast %parallel_loop3A_361 : i32 to index
      %parallel_loop3A_373 = tpu.vector_load %arg6[%parallel_loop3A_372] {strides = array<i32>} : memref<32768xi32, #tpu.memory_space<vmem>>, vector<16xi32>,
      tpu.vector_store %arg6[%parallel_loop3A_372], %parallel_loop3A_371 {strides = array<i32>} : memref<32768xi32, #tpu.memory_space<vmem>>, vector<16xi32>,
      %parallel_loop3A_374 = arith.constant 24 : i32
      %parallel_loop3A_375 = vector.broadcast %parallel_loop3A_374 : i32 to vector<16xi32>
      %parallel_loop3A_376 = arith.shrsi %parallel_loop3A_371, %parallel_loop3A_375 : vector<16xi32>
      %parallel_loop3A_377 = arith.constant 128 : i32
      %parallel_loop3A_378 = vector.broadcast %parallel_loop3A_377 : i32 to vector<16xi32>
      %parallel_loop3A_379 = arith.addi %parallel_loop3A_376, %parallel_loop3A_378 : vector<16xi32>
      %parallel_loop3A_380 = arith.constant 4 : i32
      %parallel_loop3A_381 = vector.broadcast %parallel_loop3A_380 : i32 to vector<16xi32>
      %parallel_loop3A_382 = arith.shli %parallel_loop3A_379, %parallel_loop3A_381 : vector<16xi32>
      %parallel_loop3A_383 = arith.ori %parallel_loop3A_382, %iota3A : vector<16xi32>
      tpu.vector_store_idx %arg7[%parallel_loop3A_383], %broadcast_in_dim3A_1 {add = true} : memref<4096xi32, #tpu.memory_space<vmem>>[vector<16xi32>], vector<16xi32>,
    } {sc.loop_unroll_factor = 8 : i64, sc.parallel_access}
    %while3A_283 = arith.constant 6553 : i32
    %while3A_284 = arith.constant 255 : i32
    %while3A_285 = arith.constant 0 : i32
    %while3A_286:2 = scf.while (%while3A_361 = %while3A_284, %while3A_362 = %while3A_285) : (i32, i32) -> (i32, i32) {
      %mul3A_363 = arith.constant 16 : i32
      %mul3A_364 = arith.muli %while3A_361, %mul3A_363 : i32
      %get3A = arith.index_cast %mul3A_364 : i32 to index
      %get3A_365 = tpu.vector_load %arg7[%get3A] {strides = array<i32>} : memref<4096xi32, #tpu.memory_space<vmem>>, vector<16xi32>,
      %reduce_sum3A = arith.constant true
      %reduce_sum3A_366 = vector.broadcast %reduce_sum3A : i1 to vector<16xi1>
      %reduce_sum3A_367 = tpu.scan <sum>, %get3A_365 masked %reduce_sum3A_366 : vector<16xi32>, vector<16xi1> -> vector<16xi32>
      %reduce_sum3A_368 = vector.extract %reduce_sum3A_367[15] : i32 from vector<16xi32>
      %add3A_369 = arith.addi %while3A_362, %reduce_sum3A_368 : i32
      %lt3A = arith.cmpi slt, %add3A_369, %while3A_283 : i32
      scf.condition(%lt3A) %while3A_361, %while3A_362 : i32, i32
    } do {
    ^bb0(%while3A_361: i32, %while3A_362: i32):
      %sub3A_363 = arith.constant 1 : i32
      %sub3A_364 = arith.subi %while3A_361, %sub3A_363 : i32
      %mul3A_365 = arith.constant 16 : i32
      %mul3A_366 = arith.muli %while3A_361, %mul3A_365 : i32
      %get3A = arith.index_cast %mul3A_366 : i32 to index
      %get3A_367 = tpu.vector_load %arg7[%get3A] {strides = array<i32>} : memref<4096xi32, #tpu.memory_space<vmem>>, vector<16xi32>,
      %reduce_sum3A = arith.constant true
      %reduce_sum3A_368 = vector.broadcast %reduce_sum3A : i1 to vector<16xi1>
      %reduce_sum3A_369 = tpu.scan <sum>, %get3A_367 masked %reduce_sum3A_368 : vector<16xi32>, vector<16xi1> -> vector<16xi32>
      %reduce_sum3A_370 = vector.extract %reduce_sum3A_369[15] : i32 from vector<16xi32>
      %add3A_371 = arith.addi %while3A_362, %reduce_sum3A_370 : i32
      scf.yield %sub3A_364, %add3A_371 : i32, i32
    }
    %sub3A_287 = arith.constant 6553 : i32
    %sub3A_288 = arith.subi %sub3A_287, %while3A_286#1 : i32
    %sub3A_289 = arith.constant 128 : i32
    %sub3A_290 = arith.subi %while3A_286#0, %sub3A_289 : i32
    %parallel_loop3A_291 = arith.constant 0 : i32
    %parallel_loop3A_292 = arith.constant 4096 : i32
    %parallel_loop3A_293 = arith.constant 16 : i32
    scf.for %parallel_loop3A_361 = %parallel_loop3A_291 to %parallel_loop3A_292 step %parallel_loop3A_293  : i32 {
      %parallel_loop3A_362 = arith.constant 0 : i32
      %parallel_loop3A_363 = vector.broadcast %parallel_loop3A_362 : i32 to vector<16xi32>
      %parallel_loop3A_364 = arith.index_cast %parallel_loop3A_361 : i32 to index
      %parallel_loop3A_365 = tpu.vector_load %arg7[%parallel_loop3A_364] {strides = array<i32>} : memref<4096xi32, #tpu.memory_space<vmem>>, vector<16xi32>,
      tpu.vector_store %arg7[%parallel_loop3A_364], %parallel_loop3A_363 {strides = array<i32>} : memref<4096xi32, #tpu.memory_space<vmem>>, vector<16xi32>,
    } {sc.loop_unroll_factor = 8 : i64, sc.parallel_access}
    %parallel_loop3A_294 = arith.constant 0 : i32
    %parallel_loop3A_295 = arith.constant 32768 : i32
    %parallel_loop3A_296 = arith.constant 16 : i32
    scf.for %parallel_loop3A_361 = %parallel_loop3A_294 to %parallel_loop3A_295 step %parallel_loop3A_296  : i32 {
      %parallel_loop3A_362 = arith.index_cast %parallel_loop3A_361 : i32 to index
      %parallel_loop3A_363 = tpu.vector_load %arg6[%parallel_loop3A_362] {strides = array<i32>} : memref<32768xi32, #tpu.memory_space<vmem>>, vector<16xi32>,
      %parallel_loop3A_364 = arith.constant 24 : i32
      %parallel_loop3A_365 = vector.broadcast %parallel_loop3A_364 : i32 to vector<16xi32>
      %parallel_loop3A_366 = arith.shrsi %parallel_loop3A_363, %parallel_loop3A_365 : vector<16xi32>
      %parallel_loop3A_367 = vector.broadcast %sub3A_290 : i32 to vector<16xi32>
      %parallel_loop3A_368 = arith.cmpi eq, %parallel_loop3A_366, %parallel_loop3A_367 : vector<16xi32>
      %parallel_loop3A_369 = arith.constant 16 : i32
      %parallel_loop3A_370 = vector.broadcast %parallel_loop3A_369 : i32 to vector<16xi32>
      %parallel_loop3A_371 = arith.shrsi %parallel_loop3A_363, %parallel_loop3A_370 : vector<16xi32>
      %parallel_loop3A_372 = arith.constant 255 : i32
      %parallel_loop3A_373 = vector.broadcast %parallel_loop3A_372 : i32 to vector<16xi32>
      %parallel_loop3A_374 = arith.andi %parallel_loop3A_371, %parallel_loop3A_373 : vector<16xi32>
      %parallel_loop3A_375 = arith.constant 4 : i32
      %parallel_loop3A_376 = vector.broadcast %parallel_loop3A_375 : i32 to vector<16xi32>
      %parallel_loop3A_377 = arith.shli %parallel_loop3A_374, %parallel_loop3A_376 : vector<16xi32>
      %parallel_loop3A_378 = arith.ori %parallel_loop3A_377, %iota3A : vector<16xi32>
      tpu.vector_store_idx %arg7[%parallel_loop3A_378], %broadcast_in_dim3A_1 masked %parallel_loop3A_368 {add = true} : memref<4096xi32, #tpu.memory_space<vmem>>[vector<16xi32>], vector<16xi32>, vector<16xi1>
    } {sc.loop_unroll_factor = 8 : i64, sc.parallel_access}
    %while3A_297 = arith.constant 255 : i32
    %while3A_298 = arith.constant 0 : i32
    %while3A_299:2 = scf.while (%while3A_361 = %while3A_297, %while3A_362 = %while3A_298) : (i32, i32) -> (i32, i32) {
      %mul3A_363 = arith.constant 16 : i32
      %mul3A_364 = arith.muli %while3A_361, %mul3A_363 : i32
      %get3A = arith.index_cast %mul3A_364 : i32 to index
      %get3A_365 = tpu.vector_load %arg7[%get3A] {strides = array<i32>} : memref<4096xi32, #tpu.memory_space<vmem>>, vector<16xi32>,
      %reduce_sum3A = arith.constant true
      %reduce_sum3A_366 = vector.broadcast %reduce_sum3A : i1 to vector<16xi1>
      %reduce_sum3A_367 = tpu.scan <sum>, %get3A_365 masked %reduce_sum3A_366 : vector<16xi32>, vector<16xi1> -> vector<16xi32>
      %reduce_sum3A_368 = vector.extract %reduce_sum3A_367[15] : i32 from vector<16xi32>
      %add3A_369 = arith.addi %while3A_362, %reduce_sum3A_368 : i32
      %lt3A = arith.cmpi slt, %add3A_369, %sub3A_288 : i32
      scf.condition(%lt3A) %while3A_361, %while3A_362 : i32, i32
    } do {
    ^bb0(%while3A_361: i32, %while3A_362: i32):
      %sub3A_363 = arith.constant 1 : i32
      %sub3A_364 = arith.subi %while3A_361, %sub3A_363 : i32
      %mul3A_365 = arith.constant 16 : i32
      %mul3A_366 = arith.muli %while3A_361, %mul3A_365 : i32
      %get3A = arith.index_cast %mul3A_366 : i32 to index
      %get3A_367 = tpu.vector_load %arg7[%get3A] {strides = array<i32>} : memref<4096xi32, #tpu.memory_space<vmem>>, vector<16xi32>,
      %reduce_sum3A = arith.constant true
      %reduce_sum3A_368 = vector.broadcast %reduce_sum3A : i1 to vector<16xi1>
      %reduce_sum3A_369 = tpu.scan <sum>, %get3A_367 masked %reduce_sum3A_368 : vector<16xi32>, vector<16xi1> -> vector<16xi32>
      %reduce_sum3A_370 = vector.extract %reduce_sum3A_369[15] : i32 from vector<16xi32>
      %add3A_371 = arith.addi %while3A_362, %reduce_sum3A_370 : i32
      scf.yield %sub3A_364, %add3A_371 : i32, i32
    }
    %sub3A_300 = arith.subi %sub3A_288, %while3A_299#1 : i32
    %shift_left3A_301 = arith.constant 8 : i32
    %shift_left3A_302 = arith.shli %sub3A_290, %shift_left3A_301 : i32
    %or3A_303 = arith.ori %shift_left3A_302, %while3A_299#0 : i32
    %parallel_loop3A_304 = arith.constant 0 : i32
    %parallel_loop3A_305 = arith.constant 4096 : i32
    %parallel_loop3A_306 = arith.constant 16 : i32
    scf.for %parallel_loop3A_361 = %parallel_loop3A_304 to %parallel_loop3A_305 step %parallel_loop3A_306  : i32 {
      %parallel_loop3A_362 = arith.constant 0 : i32
      %parallel_loop3A_363 = vector.broadcast %parallel_loop3A_362 : i32 to vector<16xi32>
      %parallel_loop3A_364 = arith.index_cast %parallel_loop3A_361 : i32 to index
      %parallel_loop3A_365 = tpu.vector_load %arg7[%parallel_loop3A_364] {strides = array<i32>} : memref<4096xi32, #tpu.memory_space<vmem>>, vector<16xi32>,
      tpu.vector_store %arg7[%parallel_loop3A_364], %parallel_loop3A_363 {strides = array<i32>} : memref<4096xi32, #tpu.memory_space<vmem>>, vector<16xi32>,
    } {sc.loop_unroll_factor = 8 : i64, sc.parallel_access}
    %parallel_loop3A_307 = arith.constant 0 : i32
    %parallel_loop3A_308 = arith.constant 32768 : i32
    %parallel_loop3A_309 = arith.constant 16 : i32
    scf.for %parallel_loop3A_361 = %parallel_loop3A_307 to %parallel_loop3A_308 step %parallel_loop3A_309  : i32 {
      %parallel_loop3A_362 = arith.index_cast %parallel_loop3A_361 : i32 to index
      %parallel_loop3A_363 = tpu.vector_load %arg6[%parallel_loop3A_362] {strides = array<i32>} : memref<32768xi32, #tpu.memory_space<vmem>>, vector<16xi32>,
      %parallel_loop3A_364 = arith.constant 16 : i32
      %parallel_loop3A_365 = vector.broadcast %parallel_loop3A_364 : i32 to vector<16xi32>
      %parallel_loop3A_366 = arith.shrsi %parallel_loop3A_363, %parallel_loop3A_365 : vector<16xi32>
      %parallel_loop3A_367 = vector.broadcast %or3A_303 : i32 to vector<16xi32>
      %parallel_loop3A_368 = arith.cmpi eq, %parallel_loop3A_366, %parallel_loop3A_367 : vector<16xi32>
      %parallel_loop3A_369 = arith.constant 8 : i32
      %parallel_loop3A_370 = vector.broadcast %parallel_loop3A_369 : i32 to vector<16xi32>
      %parallel_loop3A_371 = arith.shrsi %parallel_loop3A_363, %parallel_loop3A_370 : vector<16xi32>
      %parallel_loop3A_372 = arith.constant 255 : i32
      %parallel_loop3A_373 = vector.broadcast %parallel_loop3A_372 : i32 to vector<16xi32>
      %parallel_loop3A_374 = arith.andi %parallel_loop3A_371, %parallel_loop3A_373 : vector<16xi32>
      %parallel_loop3A_375 = arith.constant 4 : i32
      %parallel_loop3A_376 = vector.broadcast %parallel_loop3A_375 : i32 to vector<16xi32>
      %parallel_loop3A_377 = arith.shli %parallel_loop3A_374, %parallel_loop3A_376 : vector<16xi32>
      %parallel_loop3A_378 = arith.ori %parallel_loop3A_377, %iota3A : vector<16xi32>
      tpu.vector_store_idx %arg7[%parallel_loop3A_378], %broadcast_in_dim3A_1 masked %parallel_loop3A_368 {add = true} : memref<4096xi32, #tpu.memory_space<vmem>>[vector<16xi32>], vector<16xi32>, vector<16xi1>
    } {sc.loop_unroll_factor = 8 : i64, sc.parallel_access}
    %while3A_310 = arith.constant 255 : i32
    %while3A_311 = arith.constant 0 : i32
    %while3A_312:2 = scf.while (%while3A_361 = %while3A_310, %while3A_362 = %while3A_311) : (i32, i32) -> (i32, i32) {
      %mul3A_363 = arith.constant 16 : i32
      %mul3A_364 = arith.muli %while3A_361, %mul3A_363 : i32
      %get3A = arith.index_cast %mul3A_364 : i32 to index
      %get3A_365 = tpu.vector_load %arg7[%get3A] {strides = array<i32>} : memref<4096xi32, #tpu.memory_space<vmem>>, vector<16xi32>,
      %reduce_sum3A = arith.constant true
      %reduce_sum3A_366 = vector.broadcast %reduce_sum3A : i1 to vector<16xi1>
      %reduce_sum3A_367 = tpu.scan <sum>, %get3A_365 masked %reduce_sum3A_366 : vector<16xi32>, vector<16xi1> -> vector<16xi32>
      %reduce_sum3A_368 = vector.extract %reduce_sum3A_367[15] : i32 from vector<16xi32>
      %add3A_369 = arith.addi %while3A_362, %reduce_sum3A_368 : i32
      %lt3A = arith.cmpi slt, %add3A_369, %sub3A_300 : i32
      scf.condition(%lt3A) %while3A_361, %while3A_362 : i32, i32
    } do {
    ^bb0(%while3A_361: i32, %while3A_362: i32):
      %sub3A_363 = arith.constant 1 : i32
      %sub3A_364 = arith.subi %while3A_361, %sub3A_363 : i32
      %mul3A_365 = arith.constant 16 : i32
      %mul3A_366 = arith.muli %while3A_361, %mul3A_365 : i32
      %get3A = arith.index_cast %mul3A_366 : i32 to index
      %get3A_367 = tpu.vector_load %arg7[%get3A] {strides = array<i32>} : memref<4096xi32, #tpu.memory_space<vmem>>, vector<16xi32>,
      %reduce_sum3A = arith.constant true
      %reduce_sum3A_368 = vector.broadcast %reduce_sum3A : i1 to vector<16xi1>
      %reduce_sum3A_369 = tpu.scan <sum>, %get3A_367 masked %reduce_sum3A_368 : vector<16xi32>, vector<16xi1> -> vector<16xi32>
      %reduce_sum3A_370 = vector.extract %reduce_sum3A_369[15] : i32 from vector<16xi32>
      %add3A_371 = arith.addi %while3A_362, %reduce_sum3A_370 : i32
      scf.yield %sub3A_364, %add3A_371 : i32, i32
    }
    %sub3A_313 = arith.subi %sub3A_300, %while3A_312#1 : i32
    %shift_left3A_314 = arith.constant 8 : i32
    %shift_left3A_315 = arith.shli %or3A_303, %shift_left3A_314 : i32
    %or3A_316 = arith.ori %shift_left3A_315, %while3A_312#0 : i32
    %parallel_loop3A_317 = arith.constant 0 : i32
    %parallel_loop3A_318 = arith.constant 4096 : i32
    %parallel_loop3A_319 = arith.constant 16 : i32
    scf.for %parallel_loop3A_361 = %parallel_loop3A_317 to %parallel_loop3A_318 step %parallel_loop3A_319  : i32 {
      %parallel_loop3A_362 = arith.constant 0 : i32
      %parallel_loop3A_363 = vector.broadcast %parallel_loop3A_362 : i32 to vector<16xi32>
      %parallel_loop3A_364 = arith.index_cast %parallel_loop3A_361 : i32 to index
      %parallel_loop3A_365 = tpu.vector_load %arg7[%parallel_loop3A_364] {strides = array<i32>} : memref<4096xi32, #tpu.memory_space<vmem>>, vector<16xi32>,
      tpu.vector_store %arg7[%parallel_loop3A_364], %parallel_loop3A_363 {strides = array<i32>} : memref<4096xi32, #tpu.memory_space<vmem>>, vector<16xi32>,
    } {sc.loop_unroll_factor = 8 : i64, sc.parallel_access}
    %parallel_loop3A_320 = arith.constant 0 : i32
    %parallel_loop3A_321 = arith.constant 32768 : i32
    %parallel_loop3A_322 = arith.constant 16 : i32
    scf.for %parallel_loop3A_361 = %parallel_loop3A_320 to %parallel_loop3A_321 step %parallel_loop3A_322  : i32 {
      %parallel_loop3A_362 = arith.index_cast %parallel_loop3A_361 : i32 to index
      %parallel_loop3A_363 = tpu.vector_load %arg6[%parallel_loop3A_362] {strides = array<i32>} : memref<32768xi32, #tpu.memory_space<vmem>>, vector<16xi32>,
      %parallel_loop3A_364 = arith.constant 8 : i32
      %parallel_loop3A_365 = vector.broadcast %parallel_loop3A_364 : i32 to vector<16xi32>
      %parallel_loop3A_366 = arith.shrsi %parallel_loop3A_363, %parallel_loop3A_365 : vector<16xi32>
      %parallel_loop3A_367 = vector.broadcast %or3A_316 : i32 to vector<16xi32>
      %parallel_loop3A_368 = arith.cmpi eq, %parallel_loop3A_366, %parallel_loop3A_367 : vector<16xi32>
      %parallel_loop3A_369 = arith.constant 0 : i32
      %parallel_loop3A_370 = vector.broadcast %parallel_loop3A_369 : i32 to vector<16xi32>
      %parallel_loop3A_371 = arith.shrsi %parallel_loop3A_363, %parallel_loop3A_370 : vector<16xi32>
      %parallel_loop3A_372 = arith.constant 255 : i32
      %parallel_loop3A_373 = vector.broadcast %parallel_loop3A_372 : i32 to vector<16xi32>
      %parallel_loop3A_374 = arith.andi %parallel_loop3A_371, %parallel_loop3A_373 : vector<16xi32>
      %parallel_loop3A_375 = arith.constant 4 : i32
      %parallel_loop3A_376 = vector.broadcast %parallel_loop3A_375 : i32 to vector<16xi32>
      %parallel_loop3A_377 = arith.shli %parallel_loop3A_374, %parallel_loop3A_376 : vector<16xi32>
      %parallel_loop3A_378 = arith.ori %parallel_loop3A_377, %iota3A : vector<16xi32>
      tpu.vector_store_idx %arg7[%parallel_loop3A_378], %broadcast_in_dim3A_1 masked %parallel_loop3A_368 {add = true} : memref<4096xi32, #tpu.memory_space<vmem>>[vector<16xi32>], vector<16xi32>, vector<16xi1>
    } {sc.loop_unroll_factor = 8 : i64, sc.parallel_access}
    %while3A_323 = arith.constant 255 : i32
    %while3A_324 = arith.constant 0 : i32
    %while3A_325:2 = scf.while (%while3A_361 = %while3A_323, %while3A_362 = %while3A_324) : (i32, i32) -> (i32, i32) {
      %mul3A_363 = arith.constant 16 : i32
      %mul3A_364 = arith.muli %while3A_361, %mul3A_363 : i32
      %get3A = arith.index_cast %mul3A_364 : i32 to index
      %get3A_365 = tpu.vector_load %arg7[%get3A] {strides = array<i32>} : memref<4096xi32, #tpu.memory_space<vmem>>, vector<16xi32>,
      %reduce_sum3A = arith.constant true
      %reduce_sum3A_366 = vector.broadcast %reduce_sum3A : i1 to vector<16xi1>
      %reduce_sum3A_367 = tpu.scan <sum>, %get3A_365 masked %reduce_sum3A_366 : vector<16xi32>, vector<16xi1> -> vector<16xi32>
      %reduce_sum3A_368 = vector.extract %reduce_sum3A_367[15] : i32 from vector<16xi32>
      %add3A_369 = arith.addi %while3A_362, %reduce_sum3A_368 : i32
      %lt3A = arith.cmpi slt, %add3A_369, %sub3A_313 : i32
      scf.condition(%lt3A) %while3A_361, %while3A_362 : i32, i32
    } do {
    ^bb0(%while3A_361: i32, %while3A_362: i32):
      %sub3A_363 = arith.constant 1 : i32
      %sub3A_364 = arith.subi %while3A_361, %sub3A_363 : i32
      %mul3A_365 = arith.constant 16 : i32
      %mul3A_366 = arith.muli %while3A_361, %mul3A_365 : i32
      %get3A = arith.index_cast %mul3A_366 : i32 to index
      %get3A_367 = tpu.vector_load %arg7[%get3A] {strides = array<i32>} : memref<4096xi32, #tpu.memory_space<vmem>>, vector<16xi32>,
      %reduce_sum3A = arith.constant true
      %reduce_sum3A_368 = vector.broadcast %reduce_sum3A : i1 to vector<16xi1>
      %reduce_sum3A_369 = tpu.scan <sum>, %get3A_367 masked %reduce_sum3A_368 : vector<16xi32>, vector<16xi1> -> vector<16xi32>
      %reduce_sum3A_370 = vector.extract %reduce_sum3A_369[15] : i32 from vector<16xi32>
      %add3A_371 = arith.addi %while3A_362, %reduce_sum3A_370 : i32
      scf.yield %sub3A_364, %add3A_371 : i32, i32
    }
    %sub3A_326 = arith.subi %sub3A_313, %while3A_325#1 : i32
    %shift_left3A_327 = arith.constant 8 : i32
    %shift_left3A_328 = arith.shli %or3A_316, %shift_left3A_327 : i32
    %or3A_329 = arith.ori %shift_left3A_328, %while3A_325#0 : i32
    %parallel_loop3A_330 = arith.constant 0 : i32
    %parallel_loop3A_331 = arith.constant 32768 : i32
    %parallel_loop3A_332 = arith.constant 16 : i32
    scf.for %parallel_loop3A_361 = %parallel_loop3A_330 to %parallel_loop3A_331 step %parallel_loop3A_332  : i32 {
      %parallel_loop3A_362 = arith.index_cast %parallel_loop3A_361 : i32 to index
      %parallel_loop3A_363 = tpu.vector_load %arg5[%parallel_loop3A_362] {strides = array<i32>} : memref<32768xf32, #tpu.memory_space<vmem>>, vector<16xf32>,
      %parallel_loop3A_364 = arith.index_cast %parallel_loop3A_361 : i32 to index
      %parallel_loop3A_365 = tpu.vector_load %arg6[%parallel_loop3A_364] {strides = array<i32>} : memref<32768xi32, #tpu.memory_space<vmem>>, vector<16xi32>,
      %parallel_loop3A_366 = vector.broadcast %or3A_329 : i32 to vector<16xi32>
      %parallel_loop3A_367 = arith.cmpi sge, %parallel_loop3A_365, %parallel_loop3A_366 : vector<16xi32>
      %parallel_loop3A_368 = arith.constant 1.000000e+00 : f32
      %parallel_loop3A_369 = vector.broadcast %parallel_loop3A_368 : f32 to vector<16xf32>
      %parallel_loop3A_370 = arith.subf %parallel_loop3A_369, %parallel_loop3A_363 : vector<16xf32>
      %parallel_loop3A_371 = arith.select %parallel_loop3A_367, %parallel_loop3A_370, %parallel_loop3A_363 : vector<16xi1>, vector<16xf32>
      %parallel_loop3A_372 = arith.index_cast %parallel_loop3A_361 : i32 to index
      %parallel_loop3A_373 = tpu.vector_load %arg5[%parallel_loop3A_372] {strides = array<i32>} : memref<32768xf32, #tpu.memory_space<vmem>>, vector<16xf32>,
      tpu.vector_store %arg5[%parallel_loop3A_372], %parallel_loop3A_371 {strides = array<i32>} : memref<32768xf32, #tpu.memory_space<vmem>>, vector<16xf32>,
    } {sc.loop_unroll_factor = 8 : i64, sc.parallel_access}
    %add3A_333 = arith.constant 3 : i32
    %add3A_334 = arith.addi %mul3A_3, %add3A_333 : i32
    %dma_start3A_335 = arith.constant 0 : i32
    %dma_start3A_336 = tpu.memref_slice %arg3[%add3A_334, %dma_start3A_335] : memref<128x32768xf32, #tpu.memory_space<hbm>> -> memref<1x32768xf32, #tpu.memory_space<hbm>>
    %dma_start3A_337 = tpu.memref_squeeze %dma_start3A_336 : memref<1x32768xf32, #tpu.memory_space<hbm>> -> memref<32768xf32, #tpu.memory_space<hbm>>
    %dma_start3A_338 = arith.constant 0 : i32
    %dma_start3A_339 = tpu.memref_slice %arg3[%add3A_334, %dma_start3A_338] : memref<128x32768xf32, #tpu.memory_space<hbm>> -> memref<1x32768xf32, #tpu.memory_space<hbm>>
    %dma_start3A_340 = tpu.memref_squeeze %dma_start3A_339 : memref<1x32768xf32, #tpu.memory_space<hbm>> -> memref<32768xf32, #tpu.memory_space<hbm>>
    tpu.enqueue_dma source(%arg5 : memref<32768xf32, #tpu.memory_space<vmem>>) target(%dma_start3A_340 : memref<32768xf32, #tpu.memory_space<hbm>>) target_semaphore(%arg9 : memref<!tpu.dma_semaphore, #tpu.memory_space<semaphore_mem>>)
    %add3A_341 = arith.constant 4 : i32
    %add3A_342 = arith.addi %mul3A_3, %add3A_341 : i32
    %sub3A_343 = arith.constant 1 : i32
    %sub3A_344 = arith.subi %add3A_342, %sub3A_343 : i32
    %dma_wait3A_345 = arith.constant 0 : i32
    %dma_wait3A_346 = tpu.memref_slice %arg3[%sub3A_344, %dma_wait3A_345] : memref<128x32768xf32, #tpu.memory_space<hbm>> -> memref<1x32768xf32, #tpu.memory_space<hbm>>
    %dma_wait3A_347 = tpu.memref_squeeze %dma_wait3A_346 : memref<1x32768xf32, #tpu.memory_space<hbm>> -> memref<32768xf32, #tpu.memory_space<hbm>>
    %dma_wait3A_348 = arith.constant 0 : i32
    %dma_wait3A_349 = tpu.memref_slice %arg3[%sub3A_344, %dma_wait3A_348] : memref<128x32768xf32, #tpu.memory_space<hbm>> -> memref<1x32768xf32, #tpu.memory_space<hbm>>
    %dma_wait3A_350 = tpu.memref_squeeze %dma_wait3A_349 : memref<1x32768xf32, #tpu.memory_space<hbm>> -> memref<32768xf32, #tpu.memory_space<hbm>>
    tpu.wait_dma2 semaphore(%arg9 : memref<!tpu.dma_semaphore, #tpu.memory_space<semaphore_mem>>) src(%arg5 : memref<32768xf32, #tpu.memory_space<vmem>>) dst(%dma_wait3A_350 : memref<32768xf32, #tpu.memory_space<hbm>>)
    %add3A_351 = arith.constant 4 : i32
    %add3A_352 = arith.addi %mul3A_3, %add3A_351 : i32
    %sub3A_353 = arith.constant 2 : i32
    %sub3A_354 = arith.subi %add3A_352, %sub3A_353 : i32
    %dma_wait3A_355 = arith.constant 0 : i32
    %dma_wait3A_356 = tpu.memref_slice %arg3[%sub3A_354, %dma_wait3A_355] : memref<128x32768xf32, #tpu.memory_space<hbm>> -> memref<1x32768xf32, #tpu.memory_space<hbm>>
    %dma_wait3A_357 = tpu.memref_squeeze %dma_wait3A_356 : memref<1x32768xf32, #tpu.memory_space<hbm>> -> memref<32768xf32, #tpu.memory_space<hbm>>
    %dma_wait3A_358 = arith.constant 0 : i32
    %dma_wait3A_359 = tpu.memref_slice %arg3[%sub3A_354, %dma_wait3A_358] : memref<128x32768xf32, #tpu.memory_space<hbm>> -> memref<1x32768xf32, #tpu.memory_space<hbm>>
    %dma_wait3A_360 = tpu.memref_squeeze %dma_wait3A_359 : memref<1x32768xf32, #tpu.memory_space<hbm>> -> memref<32768xf32, #tpu.memory_space<hbm>>
    tpu.wait_dma2 semaphore(%arg9 : memref<!tpu.dma_semaphore, #tpu.memory_space<semaphore_mem>>) src(%arg4 : memref<32768xf32, #tpu.memory_space<vmem>>) dst(%dma_wait3A_360 : memref<32768xf32, #tpu.memory_space<hbm>>)
    return
  }
}

</mosaic_0001>

<sc_bundles>
// kernel: kernel.3.cloned.1.call-start
scs
__scs_entry_jumppad:
0x0: {  	(pc) =	sbr.rel $0x88, $3  }
0x1: {  	(tag) =	ssettag $0x0;
	lr =	simm.s32 $0x1  }
0x2: {  	[smem:$0x3FA0] =	sst lr;
	_ =	strace $0xD0000000  }
0x3: {  	_ = 	snop  }
0x4: {  	_ = 	snop  }
0x5: {  	_ = 	snop  }
0x6: {  	_ = 	snop  }
0x7: {  	_ = 	snop  }
__scs_overlays_trampoline_lowered:
0x8: {  	[smem:$0x3FAF] =	sst s0  }
0x9: {  	[smem:$0x3FB0] =	sst s1  }
0xa: {  	[smem:$0x3FB1] =	sst s2  }
0xb: {  	[smem:$0x3FB2] =	sst s3  }
0xc: {  	[smem:$0x3FB3] =	sst s4  }
0xd: {  	[smem:$0x3FB4] =	sst s5  }
0xe: {  	[smem:$0x3FB5] =	sst s6  }
0xf: {  	[smem:$0x3FB6] =	sst s7  }
0x10: {  	[smem:$0x3FB7] =	sst s8  }
0x11: {  	[smem:$0x3FB8] =	sst s9;
	s0 =	simm.s32 @!p0 $0x0  }
0x12: {  	s1 =	sld [smem:$0x3F9E];
	s0 =	simm.s32 @p0 $0x1  }
0x13: {  	[smem:$0x3FB9] =	sst s0;
	s0 =	simm.s32 @!p1 $0x0  }
0x14: {  	s2 =	sld [smem:$0x3F9D];
	s0 =	simm.s32 @p1 $0x1  }
0x15: {  	[smem:$0x3FBA] =	sst s0;
	s0 =	simm.s32 @!p2 $0x0  }
0x16: {  	s3 =	sld [smem:$0x3FDB];
	s0 =	simm.s32 @p2 $0x1  }
0x17: {  	s4 =	simm.s32 $0x1BF5;
	[smem:$0x3FBC] =	sst s0  }
0x18: {  	s0 =	sld [smem:$0x3F9F];
	_ =	swait.ge [sflag:s4], $0x0  }
0x19: {  	s7 =	sld [smem:$0x3FA0]  }
0x1a: {  	s8 =	sadd.s32 $0xFFFFE003, lr  }
0x1b: {  	s9 =	sadd.s32 $0xFFFFFEF7, lr;
	s5 =	simm.s32 $0xFFFFFFFF;
	p2 =	slt.u32 s8, $0xFFFFF086  }
0x1c: {  	p1 =	slt.u32 s9, $0xF7A;
	s5 =	simm.s32 @!p2 $0x0  }
0x1d: {  	s5 =	simm.s32 @p1 $0x1;
	p0 =	seq.s32 s7, s2  }
0x1e: {  	s7 =	smul.u32 @!p0 $0xF7A, s2;
	p2 =	seq.s32 @!p0 s5, $0x0  }
0x1f: {  	s9 =	smul.u32 $0xF7A, s1;
	s8 =	simm.s32 @!p0 $0x1BF5;
	p2 =	por !p2, p0  }
0x20: {  	[sflag:s8] =	ssyncset.s32 @!p0 $0xFFFFF086;
	s6 =	sadd.s32 @!p0 s3, s7;
	s7 =	simm.s32 @!p0 $0x108  }
0x21: {  	s3 =	sadd.s32 s3, s9;
	s6 =	sadd.s32 @!p0 $0x88, s6;
	s7 =	simm.s32 @p2 $0x1082  }
0x22: {  	[simem:s7], [sflag:s8] =	dma.local @!p0 [hbm:s6], $0xF7A  }
0x23: {  	s9 =	sor.u32 $0xD0000000, s2;
	s6 =	simm.s32 $0x108;
	_ =	swait.ge @!p0 [sflag:s8], $0x0  }
0x24: {  	s3 =	sadd.s32 $0x88, s3;
	s6 =	simm.s32 @!p1 $0x1082;
	[sflag:s4] =	ssyncset.s32 $0xFFFFF086  }
0x25: {  	[simem:s6], [sflag:s4] =	dma.local [hbm:s3], $0xF7A  }
0x26: {  	[smem:$0x3FA0] =	sst s1;
	(tag) =	ssettag s2;
	_ =	strace s9  }
0x27: {  	s1 =	sld [smem:$0x3FB0]  }
0x28: {  	s2 =	sld [smem:$0x3FB1]  }
0x29: {  	s4 =	sld [smem:$0x3FB3]  }
0x2a: {  	p0 =	seq.s32 s5, $0x0;
	s5 =	sld [smem:$0x3FB4]  }
0x2b: {  	s6 =	sld [smem:$0x3FB5]  }
0x2c: {  	s7 =	sld [smem:$0x3FB6]  }
0x2d: {  	s3 =	simm.s32 $0x108;
	s8 =	sld [smem:$0x3FB7]  }
0x2e: {  	s3 =	simm.s32 @!p0 $0x1082;
	s9 =	sld [smem:$0x3FB8]  }
0x2f: {  	lr =	sadd.s32 s0, s3;
	s0 =	sld [smem:$0x3FAF]  }
0x30: {  	s3 =	sld [smem:$0x3FB2]  }
0x31: {  	[smem:$0x3FBB] =	sst s10  }
0x32: {  	s10 =	sld [smem:$0x3FB9];
	_ =	sdelay $0x3  }
0x33: {  	p0 =	seq.s32 s10, $0x1;
	s10 =	sld [smem:$0x3FBB];
	_ =	sdelay $0x3  }
0x34: {  	[smem:$0x3FBB] =	sst s10  }
0x35: {  	s10 =	sld [smem:$0x3FBA];
	_ =	sdelay $0x3  }
0x36: {  	p1 =	seq.s32 s10, $0x1;
	s10 =	sld [smem:$0x3FBB];
	_ =	sdelay $0x3  }
0x37: {  	[smem:$0x3FBB] =	sst s10  }
0x38: {  	s10 =	sld [smem:$0x3FBC]  }
0x39: {  	_ = 	snop;
	(pc) =	sbr.ind lr, $3  }
0x3a: {  	_ = 	snop  }
0x3b: {  	_ = 	snop  }
0x3c: {  	p2 =	seq.s32 s10, $0x1;
	s10 =	sld [smem:$0x3FBB]  }
0x3d: {  	_ =	shalt  }
0x3e: {  	_ =	shalt  }
0x3f: {  	_ =	shalt  }
0x40: {  	_ =	shalt  }
0x41: {  	_ =	shalt  }
0x42: {  	_ =	shalt  }
0x43: {  	_ =	shalt  }
0x44: {  	_ =	shalt  }
0x45: {  	_ =	shalt  }
0x46: {  	_ =	shalt  }
0x47: {  	_ =	shalt  }
0x48: {  	_ =	shalt  }
0x49: {  	_ =	shalt  }
0x4a: {  	_ =	shalt  }
0x4b: {  	_ =	shalt  }
0x4c: {  	_ =	shalt  }
0x4d: {  	_ =	shalt  }
0x4e: {  	_ =	shalt  }
0x4f: {  	_ =	shalt  }
0x50: {  	_ =	shalt  }
0x51: {  	_ =	shalt  }
0x52: {  	_ =	shalt  }
0x53: {  	_ =	shalt  }
0x54: {  	_ =	shalt  }
0x55: {  	_ =	shalt  }
0x56: {  	_ =	shalt  }
0x57: {  	_ =	shalt  }
0x58: {  	_ =	shalt  }
0x59: {  	_ =	shalt  }
0x5a: {  	_ =	shalt  }
0x5b: {  	_ =	shalt  }
0x5c: {  	_ =	shalt  }
0x5d: {  	_ =	shalt  }
0x5e: {  	_ =	shalt  }
0x5f: {  	_ =	shalt  }
0x60: {  	_ =	shalt  }
0x61: {  	_ =	shalt  }
0x62: {  	_ =	shalt  }
0x63: {  	_ =	shalt  }
0x64: {  	_ =	shalt  }
0x65: {  	_ =	shalt  }
0x66: {  	_ =	shalt  }
0x67: {  	_ =	shalt  }
0x68: {  	_ =	shalt  }
0x69: {  	_ =	shalt  }
0x6a: {  	_ =	shalt  }
0x6b: {  	_ =	shalt  }
0x6c: {  	_ =	shalt  }
0x6d: {  	_ =	shalt  }
0x6e: {  	_ =	shalt  }
0x6f: {  	_ =	shalt  }
0x70: {  	_ =	shalt  }
0x71: {  	_ =	shalt  }
0x72: {  	_ =	shalt  }
0x73: {  	_ =	shalt  }
0x74: {  	_ =	shalt  }
0x75: {  	_ =	shalt  }
0x76: {  	_ =	shalt  }
0x77: {  	_ =	shalt  }
0x78: {  	_ =	shalt  }
0x79: {  	_ =	shalt  }
0x7a: {  	_ =	shalt  }
0x7b: {  	_ =	shalt  }
0x7c: {  	_ =	shalt  }
0x7d: {  	_ =	shalt  }
0x7e: {  	_ =	shalt  }
0x7f: {  	_ =	shalt  }
0x80: {  	_ =	shalt  }
0x81: {  	_ =	shalt  }
0x82: {  	_ =	shalt  }
0x83: {  	_ =	shalt  }
0x84: {  	_ =	shalt  }
0x85: {  	_ =	shalt  }
0x86: {  	_ =	shalt  }
0x87: {  	_ =	shalt  }
.Lfunc_end0:
.L_simem_size_0:
called_computation_lowered:
.L_overlay_start_0:
0x88: {  	s2 =	sld [smem:$0x3FD9]  }
0x89: {  	s3 =	sld [smem:$0x3FFE];
	_ =	sdelay $0x1  }
0x8a: {  	s1 =	srdreg.scid  }
0x8b: {  	s0 =	sand.u32 $0x1, s1  }
0x8c: {  	s17 =	sshll.u32 s0, $0xA;
	s2 =	sadd.s32 s3, s2  }
0x8d: {  	s2 =	sadd.s32 s2, s17  }
0x8e: {  	[smem:$0x3FC7] =	sst s2  }
0x8f: {  	_ = 	snop  }
0x90: {  	s2 =	sld [smem:$0x3FD0];
	(tm) =	ssettm $0x1  }
0x91: {  	s18 =	sld [smem:$0x3FFB];
	_ =	sdelay $0x3  }
0x92: {  	_ =	strace s18  }
0x93: {  	s3 =	sld [smem:$0x3FFC];
	_ =	sdelay $0x3  }
0x94: {  	_ =	strace s3  }
0x95: {  	s3 =	sld [smem:$0x3FFD];
	_ =	sdelay $0x3  }
0x96: {  	_ =	strace s3  }
0x97: {  	_ =	strace $0x8FFFFFFF  }
0x98: {  	s19 =	sld [smem:$0x3FDB];
	_ =	sdelay $0x1  }
0x99: {  	s4 =	simm.s32 $_scs_section_size  }
0x9a: {  	s5 =	simm.s32 $_size__tile_overlayer_lowered;
	s6 =	simm.s32 $_tile_overlayer_lowered  }
0x9b: {  	s22 =	simm.s32 $0x1BFF;
	s21 =	sshll.u32 s6, $0x1;
	s3 =	sadd.s32 s4, s19  }
0x9c: {  	s7 =	simm.s32 $0x0;
	s20 =	sshll.u32 s5, $0x1;
	s5 =	sadd.s32 s21, s3  }
0x9d: {  	[timem:s7], [sflag:s22] =	dma.local [hbm:s5], s20  }
0x9e: {  	_ =	swait.ge [sflag:s22], s20  }
0x9f: {  	s4 =	ssub.s32 $0x0, s20;
	[sflag:s22] =	ssyncset.done $0x0  }
0xa0: {  	[sflag:s22] =	ssyncadd.s32 s4;
	_ =	sdelay $0x1  }
0xa1: {  	s23 =	simm.s32 $0x1B8B  }
0xa2: {  	_ =	swait.ge [sflag:s23], $0x1  }
0xa3: {  	[sflag:s23] =	ssyncset.done $0x0  }
0xa4: {  	s25 =	simm.s32 $0x1B8E;
	s24 =	sld [smem:$0x3FFE];
	[sflag:s23] =	ssyncadd.s32 $0xFFFFFFFF  }
0xa5: {  	s26 =	simm.s32 $execute0_lowered;
	[smem:$0x3FD2] =	sst s25  }
0xa6: {  	s5 =	sshll.u32 s26, $0x1;
	_ =	strace $0x80000046;
	[dreg:$0x1] =	wrdreg $0xFFFFFFFF  }
0xa7: {  	s28 =	simm.s32 $_size_execute0_lowered;
	s3 =	sadd.s32 s3, s5;
	[dreg:$0x0] =	wrdreg $0x0  }
0xa8: {  	s5 =	sshll.u32 s28, $0x1;
	[dreg:$0x2] =	wrdreg s3  }
0xa9: {  	[dreg:$0x3] =	wrdreg s5  }
0xaa: {  	[dreg:$0x4] =	wrdreg $0xC0  }
0xab: {  	_ =	task [dreg:s7], $0x5FFFF  }
0xac: {  	[dreg:$0x1] =	wrdreg $0xFFFFFFFF  }
0xad: {  	[dreg:$0x0] =	wrdreg $0x60  }
0xae: {  	[dreg:$0x2] =	wrdreg s2  }
0xaf: {  	[dreg:$0x3] =	wrdreg s24  }
0xb0: {  	[dreg:$0x4] =	wrdreg $0x9  }
0xb1: {  	_ =	task.clear_ibuf [dreg:s7], $0x5FFFF;
	_ =	strace $0x90000046  }
0xb2: {  	s29 =	simm.s32 $0x9;
	_ =	strace $0x80000048  }
0xb3: {  	_ =	swait.ge [sflag:s29], $0x1  }
0xb4: {  	[sflag:s29] =	ssyncadd.s32 $0xFFFFFFFF  }
0xb5: {  	_ =	strace $0x90000048  }
0xb6: {  	_ =	sfence  }
0xb7: {  	s30 =	sld [smem:$0x0];
	_ =	sdelay $0x2  }
0xb8: {  	s31 =	sshll.u32 s1, $0xD;
	s1 =	sshrl.u32 s1, $0x2  }
0xb9: {  	s3 =	sand.u32 $0x4000, s31;
	s1 =	sadd.s32 s1, s30  }
0xba: {  	s0 =	sor.u32 s3, s0;
	s1 =	sshll.u32 s1, $0x11  }
0xbb: {  	s0 =	sor.u32 s1, s0  }
0xbc: {  	s0 =	sadd.s32 $0x8F2B, s0  }
0xbd: {  	[sflag:s0] =	ssyncadd.remote.s32 $0x1  }
0xbe: {  	_ =	sfence.sel $0xFFFF  }
0xbf: {  	[dreg:$0x0] =	wrdreg $0xFFFFFFFF;
	(pc) =	sbr.abs _section_cstart, $3  }
0xc0: {  	[dreg:$0x1] =	wrdreg $0xFFFFFFFF  }
0xc1: {  	_ =	task.clear_ibuf [dreg:s7], $0x2FFFF;
	_ =	strace $0x9FFFFFFF  }
0xc2: {  	(tm) =	ssettm $0x7FFFFFFF  }
0xc3: {  	_ =	shalt  }
tec
execute0_lowered:
.L_overlay_start_1:
0x0: {  	(tag) =	ssettag $0x1  }
0x1: {  	s8 =	rddreg [dreg:$0x0]  }
0x2: {  	s3 =	rddreg [dreg:$0x1]  }
0x3: {  	s0 =	rddreg [dreg:$0x2];
	s2 =	simm.s32 $0x0;
	s4 =	srdreg.scid  }
0x4: {  	s1 =	stileid.u32;
	s14 =	simm.s32 $0x1;
	s15 =	simm.s32 $0x8000  }
0x5: {  	s16 =	simm.s32 $0x18000;
	s17 =	simm.s32 $0x2;
	s18 =	simm.s32 $0x0  }
0x6: {  	[smem:$0x7FF] =	sst s2;
	s4 =	sand.u32 $0x1, s4;
	s6 =	sshll.u32 s1, $0xF  }
0x7: {  	s10 =	sadd.s32 $0x400, s3;
	s5 =	ssub.s32 $0x2, s4;
	s4 =	sshll.u32 s4, $0x6  }
0x8: {  	_ =	strace $0x80000047;
	s7 =	sshrl.u32 s5, $0x1;
	s9 =	sor.u32 s4, s6  }
0x9: {  	s11 =	ssub.s32 s5, s7;
	s31 =	sor.u32 $0x10, s9;
	s3 =	sadd.s32 s8, s9  }
0xa: {  	s12 =	sor.u32 $0x20, s9;
	s5 =	sadd.s32 s10, s9;
	s13 =	sor.u32 $0x30, s9  }
0xb: {  	s4 =	sadd.s32 s8, s31;
	s6 =	sadd.s32 s8, s12;
	s7 =	sadd.s32 s10, s31  }
0xc: {  	v0 =	vlaneseq.u32;
	s8 =	sadd.s32 s8, s13;
	s9 =	sadd.s32 s10, s12;
	s10 =	sadd.s32 s10, s13  }
0xd: {  	v1 =	vimm.s32 $0x0;
	v3 =	vimm.s32 $0x1;
	v2 =	vor.u32 $0x800, v0;
	s11 =	smax.u32 s11, $0x1;
	s12 =	simm.s32 $0x80;
	s13 =	simm.s32 $0x400  }
.LBB2_1:
0xe: {  	[tilespmem:s2], [sflag:$0x1] =	stream.strided.gather [hbm4b:s3+s12], $0x8000, s13, s12, $0x38;
	[tilespmem:$0x19000] =	vst v63  }
0xf: {  	_ =	swait.ge [sflag:s14], $0x8000  }
0x10: {  	[sflag:s14] =	ssyncset.done $0x0  }
0x11: {  	s21 =	simm.s32 $0x18040;
	[sflag:s14] =	ssyncadd.s32 $0xFFFF8000  }
0x12: {  	[tilespmem:s15], [sflag:$0x1] =	stream.strided.gather [hbm4b:s4+s12], $0x8000, s13, s12, $0x38;
	[tilespmem:$0x19000] =	vst v63  }
0x13: {  	[tilespmem:s21+$0xFFFFFFC0] =	vst v1  }
0x14: {  	[tilespmem:s21+$0x30] =	vst v1  }
0x15: {  	[tilespmem:s21+$0x20] =	vst v1  }
0x16: {  	[tilespmem:s21+$0x10] =	vst v1  }
0x17: {  	[tilespmem:s21+$0x0] =	vst v1  }
0x18: {  	[tilespmem:s21+$0xFFFFFFF0] =	vst v1  }
0x19: {  	s22 =	simm.s32 $0x0;
	s20 =	simm.s32 $0x10040;
	[tilespmem:s21+$0xFFFFFFE0] =	vst v1  }
.LBB2_2:
0x1a: {  	s22 =	sadd.s32 $0x80, s22;
	[tilespmem:s21+$0xFFFFFFD0] =	vst v1;
	s21 =	sadd.s32 $0x80, s21;
	s19 =	simm.s32 $0x40  }
0x1b: {  	[tilespmem:s21+$0xFFFFFFC0] =	vst v1;
	p0 =	slt.u32 s22, $0xF80  }
0x1c: {  	[tilespmem:s21+$0x30] =	vst v1  }
.Ltmp0:
0x1d: {  	[tilespmem:s21+$0x20] =	vst v1;
	(pc) =	sbr.rel @p0 .LBB2_2-.Ltmp0, $4  }
0x1e: {  	[tilespmem:s21+$0x10] =	vst v1  }
0x1f: {  	[tilespmem:s21+$0x0] =	vst v1  }
0x20: {  	[tilespmem:s21+$0xFFFFFFF0] =	vst v1  }
0x21: {  	[tilespmem:s21+$0xFFFFFFE0] =	vst v1  }
0x22: {  	[tilespmem:s21+$0xFFFFFFD0] =	vst v1  }
0x23: {  	v4 =	vld [tilespmem:s19+$0x10]  }
0x24: {  	v6 =	vld [tilespmem:s19+$0xFFFFFFE0]  }
0x25: {  	v7 =	vld [tilespmem:s19+$0xFFFFFFC0];
	_ =	sdelay $0x1  }
0x26: {  	v9 =	vld [tilespmem:s19+$0x0]  }
0x27: {  	v8 =	vshra.s32 v4, $0x1F  }
0x28: {  	v10 =	vshra.s32 v6, $0x1F;
	v8 =	vand.u32 $0x7FFFFFFF, v8  }
0x29: {  	v14 =	vld [tilespmem:s19+$0xFFFFFFD0];
	v10 =	vand.u32 $0x7FFFFFFF, v10;
	v13 =	vxor.u32 v4, v8;
	v8 =	vshra.s32 v7, $0x1F  }
0x2a: {  	v5 =	vld [tilespmem:s19+$0xFFFFFFF0];
	v4 =	vxor.u32 v6, v10;
	v10 =	vand.u32 $0x7FFFFFFF, v8  }
0x2b: {  	v11 =	vxor.u32 v7, v10;
	v7 =	vshra.s32 v9, $0x1F  }
0x2c: {  	v6 =	vshra.s32 v13, $0x14;
	v17 =	vand.u32 $0x7FFFFFFF, v7  }
0x2d: {  	[tilespmem:s20+$0x10] =	vst v13;
	v6 =	vand.u32 $0xFFFFFFF0, v6;
	v13 =	vxor.u32 v9, v17;
	v9 =	vld [tilespmem:s19+$0x20]  }
0x2e: {  	v10 =	vshra.s32 v11, $0x14;
	v12 =	vadd.s32 v2, v6  }
0x2f: {  	v15 =	vshra.s32 v14, $0x1F;
	v16 =	vshra.s32 v5, $0x1F;
	v7 =	vld [tilespmem:s19+$0x30];
	v6 =	vand.u32 $0xFFFFFFF0, v10  }
0x30: {  	s21 =	simm.s32 $0x18FF0;
	v8 =	vshra.s32 v4, $0x14;
	v10 =	vadd.s32 v2, v6;
	v6 =	vand.u32 $0x7FFFFFFF, v15  }
0x31: {  	s22 =	simm.s32 $0x0;
	s23 =	simm.s32 $0xC0;
	s24 =	simm.s32 $0x10040;
	v15 =	vshra.s32 v13, $0x14;
	v6 =	vxor.u32 v14, v6;
	v14 =	vand.u32 $0x7FFFFFFF, v16  }
.LBB2_4:
0x32: {  	v16 =	vld [tilespmem:s23+$0x10];
	s22 =	sadd.s32 $0x80, s22;
	[tilespmem:s20+$0xFFFFFFC0] =	vst v11;
	v8 =	vand.u32 $0xFFFFFFF0, v8;
	v11 =	vand.u32 $0xFFFFFFF0, v15;
	v15 =	vshra.s32 v9, $0x1F;
	s24 =	sadd.s32 $0x80, s24  }
0x33: {  	p0 =	slt.u32 s22, $0x7F80;
	v8 =	vadd.s32 v2, v8;
	v17 =	vadd.s32 v2, v11;
	[tilespmem:v12+s16+$0x0] =	vst.idx.add.s32.msk $0xffff, v3;
	v11 =	vand.u32 $0x7FFFFFFF, v15  }
0x34: {  	v14 =	vxor.u32 v5, v14;
	v12 =	vld [tilespmem:s23+$0xFFFFFFE0];
	[tilespmem:s20+$0x0] =	vst v13;
	v5 =	vxor.u32 v9, v11;
	v9 =	vshra.s32 v7, $0x1F  }
0x35: {  	[tilespmem:v10+s16+$0x0] =	vst.idx.add.s32.msk $0xffff, v3;
	v10 =	vshra.s32 v14, $0x14;
	v11 =	vshra.s32 v5, $0x14;
	v9 =	vand.u32 $0x7FFFFFFF, v9  }
0x36: {  	v15 =	vshra.s32 v6, $0x14;
	v13 =	vld [tilespmem:s23+$0xFFFFFFC0];
	v10 =	vand.u32 $0xFFFFFFF0, v10;
	[tilespmem:s20+$0x20] =	vst v5;
	v7 =	vxor.u32 v7, v9  }
0x37: {  	v5 =	vld [tilespmem:s23+$0xFFFFFFF0];
	v9 =	vshra.s32 v16, $0x1F;
	v10 =	vadd.s32 v2, v10;
	[tilespmem:s20+$0x30] =	vst v7;
	v7 =	vshra.s32 v7, $0x14  }
0x38: {  	v15 =	vand.u32 $0xFFFFFFF0, v15;
	v18 =	vld [tilespmem:s23+$0x0];
	v9 =	vand.u32 $0x7FFFFFFF, v9;
	[tilespmem:s20+$0xFFFFFFE0] =	vst v4;
	v19 =	vand.u32 $0xFFFFFFF0, v7  }
0x39: {  	v20 =	vld [tilespmem:s23+$0xFFFFFFD0];
	v4 =	vshra.s32 v12, $0x1F;
	v7 =	vxor.u32 v16, v9;
	[tilespmem:s20+$0xFFFFFFF0] =	vst v14;
	v9 =	vand.u32 $0xFFFFFFF0, v11  }
0x3a: {  	v4 =	vand.u32 $0x7FFFFFFF, v4;
	[tilespmem:s24+$0x10] =	vst v7;
	v14 =	vshra.s32 v7, $0x14;
	v7 =	vld [tilespmem:s23+$0x30];
	v16 =	vadd.s32 v2, v9  }
0x3b: {  	v15 =	vadd.s32 v2, v15;
	v9 =	vshra.s32 v13, $0x1F;
	v4 =	vxor.u32 v12, v4;
	[tilespmem:v8+s16+$0x0] =	vst.idx.add.s32.msk $0xffff, v3  }
0x3c: {  	v19 =	vadd.s32 v2, v19;
	v9 =	vand.u32 $0x7FFFFFFF, v9;
	v8 =	vshra.s32 v4, $0x14;
	[tilespmem:v10+s16+$0x0] =	vst.idx.add.s32.msk $0xffff, v3  }
.Ltmp1:
0x3d: {  	v12 =	vand.u32 $0xFFFFFFF0, v14;
	v11 =	vxor.u32 v13, v9;
	v10 =	vshra.s32 v18, $0x1F;
	v9 =	vld [tilespmem:s23+$0x20];
	[tilespmem:s20+$0xFFFFFFD0] =	vst v6;
	s20 =	smov.u32 s24;
	(pc) =	sbr.rel @p0 .LBB2_4-.Ltmp1, $4  }
0x3e: {  	v12 =	vadd.s32 v2, v12;
	v6 =	vshra.s32 v11, $0x14;
	v13 =	vshra.s32 v20, $0x1F;
	[tilespmem:v17+s16+$0x0] =	vst.idx.add.s32.msk $0xffff, v3  }
0x3f: {  	v14 =	vshra.s32 v5, $0x1F;
	v17 =	vand.u32 $0x7FFFFFFF, v10;
	v6 =	vand.u32 $0xFFFFFFF0, v6;
	[tilespmem:v16+s16+$0x0] =	vst.idx.add.s32.msk $0xffff, v3  }
0x40: {  	v10 =	vadd.s32 v2, v6;
	v6 =	vand.u32 $0x7FFFFFFF, v13;
	v13 =	vxor.u32 v18, v17;
	[tilespmem:v15+s16+$0x0] =	vst.idx.add.s32.msk $0xffff, v3  }
0x41: {  	s19 =	simm.s32 $0x8000;
	s25 =	simm.s32 $0x80;
	v14 =	vand.u32 $0x7FFFFFFF, v14;
	s23 =	sadd.s32 $0x80, s23;
	v6 =	vxor.u32 v20, v6;
	v15 =	vshra.s32 v13, $0x14;
	[tilespmem:v19+s16+$0x0] =	vst.idx.add.s32.msk $0xffff, v3  }
0x42: {  	_ =	sdelay $0x2  }
0x43: {  	[tilespmem:s20+$0xFFFFFFC0] =	vst v11  }
0x44: {  	v8 =	vand.u32 $0xFFFFFFF0, v8;
	v52 =	vshra.s32 v9, $0x1F;
	[tilespmem:v12+s16+$0x0] =	vst.idx.add.s32.msk $0xffff, v3  }
0x45: {  	v5 =	vxor.u32 v5, v14;
	[tilespmem:s20+$0x0] =	vst v13;
	v53 =	vshra.s32 v7, $0x1F;
	v60 =	vand.u32 $0xFFFFFFF0, v15  }
0x46: {  	v61 =	vshra.s32 v6, $0x14;
	[tilespmem:s20+$0xFFFFFFE0] =	vst v4;
	v8 =	vadd.s32 v2, v8;
	v11 =	vand.u32 $0x7FFFFFFF, v52  }
0x47: {  	[tilespmem:s20+$0xFFFFFFD0] =	vst v6;
	v54 =	vshra.s32 v5, $0x14;
	v56 =	vand.u32 $0x7FFFFFFF, v53;
	v62 =	vand.u32 $0xFFFFFFF0, v61  }
0x48: {  	[tilespmem:v10+s16+$0x0] =	vst.idx.add.s32.msk $0xffff, v3;
	v55 =	vxor.u32 v9, v11;
	v57 =	vand.u32 $0xFFFFFFF0, v54;
	v11 =	vadd.s32 v2, v60  }
0x49: {  	[tilespmem:s20+$0xFFFFFFF0] =	vst v5;
	v58 =	vxor.u32 v7, v56;
	v63 =	vadd.s32 v2, v62;
	v9 =	vshra.s32 v55, $0x14  }
0x4a: {  	[tilespmem:s20+$0x20] =	vst v55;
	v59 =	vadd.s32 v2, v57;
	v7 =	vshra.s32 v58, $0x14;
	v4 =	vand.u32 $0xFFFFFFF0, v9  }
0x4b: {  	[tilespmem:s20+$0x30] =	vst v58;
	v5 =	vand.u32 $0xFFFFFFF0, v7;
	v4 =	vadd.s32 v2, v4  }
0x4c: {  	v5 =	vadd.s32 v2, v5;
	[tilespmem:v8+s16+$0x0] =	vst.idx.add.s32.msk $0xffff, v3  }
0x4d: {  	[tilespmem:v11+s16+$0x0] =	vst.idx.add.s32.msk $0xffff, v3  }
0x4e: {  	[tilespmem:v63+s16+$0x0] =	vst.idx.add.s32.msk $0xffff, v3  }
0x4f: {  	[tilespmem:v59+s16+$0x0] =	vst.idx.add.s32.msk $0xffff, v3  }
0x50: {  	[tilespmem:v4+s16+$0x0] =	vst.idx.add.s32.msk $0xffff, v3  }
0x51: {  	s23 =	simm.s32 $0x0;
	[tilespmem:v5+s16+$0x0] =	vst.idx.add.s32.msk $0xffff, v3  }
.LBB2_6:
0x52: {  	v4 =	vld [tilespmem:s21+$0x0];
	_ =	sdelay $0x4  }
0x53: {  	(xrf0) =	vadd.scan.msk.s32 $0xffff, v4;
	_ =	sdelay $0x5  }
0x54: {  	v4, _, _ =	vpop (xrf0)  }
0x55: {  	(v2sf) =	vpush v4, $0xF;
	_ =	sdelay $0xe  }
0x56: {  	s22 =	spop (v2sf)  }
0x57: {  	s20 =	smov.u32 s23;
	s23 =	sadd.s32 s23, s22  }
0x58: {  	p0 =	slt.s32 s23, $0x1999  }
.Ltmp2:
0x59: {  	_ = 	snop;
	(pc) =	sbr.rel @p0 .LBB2_6-.Ltmp2, $3  }
0x5a: {  	_ =	sdelay $0x1  }
0x5b: {  	s19 =	sadd.s32 $0xFFFFFF00, s19;
	s25 =	sadd.s32 $0xFFFFFFFF, s25  }
0x5c: {  	s21 =	sadd.s32 $0xFFFFFFF0, s21;
	s24 =	simm.s32 $0xFFFFFF80;
	s22 =	simm.s32 $0x18040  }
0x5d: {  	[tilespmem:s22+$0xFFFFFFC0] =	vst v1  }
0x5e: {  	[tilespmem:s22+$0x30] =	vst v1  }
0x5f: {  	[tilespmem:s22+$0x20] =	vst v1  }
0x60: {  	[tilespmem:s22+$0x10] =	vst v1  }
0x61: {  	[tilespmem:s22+$0x0] =	vst v1  }
0x62: {  	[tilespmem:s22+$0xFFFFFFF0] =	vst v1  }
0x63: {  	s21 =	sadd.s32 $0x80, s24;
	[tilespmem:s22+$0xFFFFFFE0] =	vst v1  }
.LBB2_8:
0x64: {  	s21 =	sadd.s32 $0x80, s21;
	[tilespmem:s22+$0xFFFFFFD0] =	vst v1;
	s22 =	sadd.s32 $0x80, s22  }
0x65: {  	[tilespmem:s22+$0xFFFFFFC0] =	vst v1;
	p0 =	slt.u32 s21, $0xF80  }
0x66: {  	[tilespmem:s22+$0x30] =	vst v1  }
.Ltmp3:
0x67: {  	[tilespmem:s22+$0x20] =	vst v1;
	(pc) =	sbr.rel @p0 .LBB2_8-.Ltmp3, $4  }
0x68: {  	[tilespmem:s22+$0x10] =	vst v1  }
0x69: {  	[tilespmem:s22+$0x0] =	vst v1  }
0x6a: {  	[tilespmem:s22+$0xFFFFFFF0] =	vst v1  }
0x6b: {  	[tilespmem:s22+$0xFFFFFFE0] =	vst v1  }
0x6c: {  	[tilespmem:s22+$0xFFFFFFD0] =	vst v1;
	s21 =	simm.s32 $0x10040  }
0x6d: {  	v5 =	vld [tilespmem:s21+$0xFFFFFFC0]  }
0x6e: {  	v7 =	vld [tilespmem:s21+$0x30]  }
0x6f: {  	v6 =	vld [tilespmem:s21+$0xFFFFFFF0];
	_ =	sdelay $0x2  }
0x70: {  	v4 =	vmov s25;
	v11 =	vld [tilespmem:s21+$0xFFFFFFE0];
	v8 =	vshra.s32 v5, $0x18;
	v5 =	vshrl.u32 v5, $0xC  }
0x71: {  	v9 =	vld [tilespmem:s21+$0x0];
	v10 =	vshrl.u32 v7, $0xC;
	vm0 =	veq.s32 v8, v4;
	v5 =	vand.u32 $0xFF0, v5  }
0x72: {  	v8 =	vshrl.u32 v6, $0xC;
	v6 =	vshra.s32 v6, $0x18;
	v12 =	vor.u32 v0, v5  }
0x73: {  	v7 =	vshra.s32 v7, $0x18;
	v8 =	vand.u32 $0xFF0, v8;
	v5 =	vld [tilespmem:s21+$0x20];
	vm1 =	veq.s32 v6, v4  }
0x74: {  	v13 =	vand.u32 $0xFF0, v10;
	vm2 =	veq.s32 v7, v4;
	v6 =	vld [tilespmem:s21+$0xFFFFFFD0];
	v8 =	vor.u32 v0, v8  }
0x75: {  	v7 =	vor.u32 v0, v13  }
0x76: {  	v14 =	vshrl.u32 v9, $0xC;
	v10 =	vshrl.u32 v11, $0xC;
	v13 =	vshra.s32 v9, $0x18;
	v9 =	vld [tilespmem:s21+$0x10]  }
0x77: {  	s22 =	simm.s32 $0x100C0;
	v11 =	vshra.s32 v11, $0x18;
	s21 =	simm.s32 $0x0;
	[tilespmem:v12+s16+$0x0] =	vst.idx.add.s32.msk vm0, v3;
	vm0 =	veq.s32 v13, v4;
	v12 =	vand.u32 $0xFF0, v14  }
.LBB2_10:
0x78: {  	v13 =	vld [tilespmem:s22+$0xFFFFFFF0];
	s21 =	sadd.s32 $0x80, s21;
	vm5 =	veq.s32 v11, v4;
	v10 =	vand.u32 $0xFF0, v10;
	v11 =	vor.u32 v0, v12  }
0x79: {  	v12 =	vshra.s32 v6, $0x18;
	p0 =	slt.u32 s21, $0x7F80;
	v10 =	vor.u32 v0, v10;
	[tilespmem:v8+s16+$0x0] =	vst.idx.add.s32.msk vm1, v3;
	v8 =	vshra.s32 v5, $0x18  }
0x7a: {  	vm4 =	veq.s32 v12, v4;
	v5 =	vshrl.u32 v5, $0xC;
	vm3 =	veq.s32 v8, v4;
	[tilespmem:v7+s16+$0x0] =	vst.idx.add.s32.msk vm2, v3  }
0x7b: {  	v6 =	vshrl.u32 v6, $0xC;
	v5 =	vand.u32 $0xFF0, v5;
	v7 =	vld [tilespmem:s22+$0xFFFFFFC0];
	v8 =	vshrl.u32 v9, $0xC  }
0x7c: {  	v6 =	vand.u32 $0xFF0, v6;
	v9 =	vshra.s32 v9, $0x18;
	v14 =	vor.u32 v0, v5;
	v12 =	vld [tilespmem:s22+$0x30]  }
0x7d: {  	vm6 =	veq.s32 v9, v4;
	v8 =	vand.u32 $0xFF0, v8;
	v15 =	vshrl.u32 v13, $0xC;
	v5 =	vld [tilespmem:s22+$0x20]  }
0x7e: {  	v16 =	vor.u32 v0, v6;
	v17 =	vor.u32 v0, v8;
	v9 =	vld [tilespmem:s22+$0xFFFFFFE0]  }
0x7f: {  	[tilespmem:v10+s16+$0x0] =	vst.idx.add.s32.msk vm5, v3  }
0x80: {  	v6 =	vshra.s32 v7, $0x18;
	v7 =	vshrl.u32 v7, $0xC;
	[tilespmem:v11+s16+$0x0] =	vst.idx.add.s32.msk vm0, v3  }
0x81: {  	vm0 =	veq.s32 v6, v4;
	v6 =	vand.u32 $0xFF0, v7;
	v7 =	vshra.s32 v13, $0x18;
	v13 =	vld [tilespmem:s22+$0x0]  }
0x82: {  	v8 =	vand.u32 $0xFF0, v15;
	v10 =	vshrl.u32 v12, $0xC;
	v18 =	vor.u32 v0, v6;
	v6 =	vld [tilespmem:s22+$0xFFFFFFD0]  }
.Ltmp4:
0x83: {  	vm1 =	veq.s32 v7, v4;
	v7 =	vshra.s32 v12, $0x18;
	v11 =	vand.u32 $0xFF0, v10;
	[tilespmem:v16+s16+$0x0] =	vst.idx.add.s32.msk vm4, v3;
	(pc) =	sbr.rel @p0 .LBB2_10-.Ltmp4, $4  }
0x84: {  	v8 =	vor.u32 v0, v8;
	vm2 =	veq.s32 v7, v4;
	[tilespmem:v14+s16+$0x0] =	vst.idx.add.s32.msk vm3, v3  }
0x85: {  	v10 =	vshrl.u32 v9, $0xC;
	v7 =	vor.u32 v0, v11;
	[tilespmem:v17+s16+$0x0] =	vst.idx.add.s32.msk vm6, v3  }
0x86: {  	v11 =	vshra.s32 v9, $0x18;
	v12 =	vshra.s32 v13, $0x18;
	v13 =	vshrl.u32 v13, $0xC;
	v9 =	vld [tilespmem:s22+$0x10]  }
0x87: {  	s22 =	sadd.s32 $0x80, s22;
	[tilespmem:v18+s16+$0x0] =	vst.idx.add.s32.msk vm0, v3;
	vm0 =	veq.s32 v12, v4;
	v12 =	vand.u32 $0xFF0, v13  }
0x88: {  	vm3 =	veq.s32 v11, v4;
	v10 =	vand.u32 $0xFF0, v10;
	v59 =	vshra.s32 v6, $0x18  }
0x89: {  	v12 =	vor.u32 v0, v12;
	v60 =	vshra.s32 v5, $0x18;
	v61 =	vshrl.u32 v6, $0xC  }
0x8a: {  	v5 =	vshrl.u32 v5, $0xC;
	vm4 =	veq.s32 v59, v4;
	v10 =	vor.u32 v0, v10  }
0x8b: {  	vm5 =	veq.s32 v60, v4;
	v6 =	vand.u32 $0xFF0, v61;
	v5 =	vand.u32 $0xFF0, v5  }
0x8c: {  	v6 =	vor.u32 v0, v6;
	v62 =	vshrl.u32 v9, $0xC;
	v63 =	vshra.s32 v9, $0x18  }
0x8d: {  	[tilespmem:v8+s16+$0x0] =	vst.idx.add.s32.msk vm1, v3;
	v5 =	vor.u32 v0, v5;
	vm15 =	veq.s32 v63, v4;
	v4 =	vand.u32 $0xFF0, v62  }
0x8e: {  	[tilespmem:v7+s16+$0x0] =	vst.idx.add.s32.msk vm2, v3;
	v4 =	vor.u32 v0, v4  }
0x8f: {  	[tilespmem:v12+s16+$0x0] =	vst.idx.add.s32.msk vm0, v3  }
0x90: {  	[tilespmem:v10+s16+$0x0] =	vst.idx.add.s32.msk vm3, v3  }
0x91: {  	[tilespmem:v6+s16+$0x0] =	vst.idx.add.s32.msk vm4, v3  }
0x92: {  	s20 =	ssub.s32 $0x1999, s20;
	[tilespmem:v5+s16+$0x0] =	vst.idx.add.s32.msk vm5, v3  }
0x93: {  	s25 =	simm.s32 $0x0;
	s21 =	simm.s32 $0x100;
	s24 =	simm.s32 $0x18FF0;
	[tilespmem:v4+s16+$0x0] =	vst.idx.add.s32.msk vm15, v3  }
.LBB2_12:
0x94: {  	v4 =	vld [tilespmem:s24+$0x0];
	_ =	sdelay $0x4  }
0x95: {  	(xrf0) =	vadd.scan.msk.s32 $0xffff, v4;
	_ =	sdelay $0x5  }
0x96: {  	v4, _, _ =	vpop (xrf0)  }
0x97: {  	(v2sf) =	vpush v4, $0xF;
	_ =	sdelay $0xe  }
0x98: {  	s23 =	spop (v2sf)  }
0x99: {  	s22 =	smov.u32 s25;
	s25 =	sadd.s32 s25, s23  }
0x9a: {  	p0 =	slt.s32 s25, s20  }
.Ltmp5:
0x9b: {  	_ = 	snop;
	(pc) =	sbr.rel @p0 .LBB2_12-.Ltmp5, $3  }
0x9c: {  	_ =	sdelay $0x1  }
0x9d: {  	s21 =	sadd.s32 $0xFFFFFFFF, s21  }
0x9e: {  	s24 =	sadd.s32 $0xFFFFFFF0, s24;
	s26 =	simm.s32 $0xFFFFFF80;
	s23 =	simm.s32 $0x18040  }
0x9f: {  	[tilespmem:s23+$0xFFFFFFC0] =	vst v1  }
0xa0: {  	[tilespmem:s23+$0x30] =	vst v1  }
0xa1: {  	[tilespmem:s23+$0x20] =	vst v1  }
0xa2: {  	[tilespmem:s23+$0x10] =	vst v1  }
0xa3: {  	[tilespmem:s23+$0x0] =	vst v1  }
0xa4: {  	[tilespmem:s23+$0xFFFFFFF0] =	vst v1  }
0xa5: {  	s24 =	sadd.s32 $0x80, s26;
	[tilespmem:s23+$0xFFFFFFE0] =	vst v1  }
.LBB2_14:
0xa6: {  	s24 =	sadd.s32 $0x80, s24;
	[tilespmem:s23+$0xFFFFFFD0] =	vst v1;
	s23 =	sadd.s32 $0x80, s23  }
0xa7: {  	[tilespmem:s23+$0xFFFFFFC0] =	vst v1;
	p0 =	slt.u32 s24, $0xF80  }
0xa8: {  	[tilespmem:s23+$0x30] =	vst v1  }
.Ltmp6:
0xa9: {  	[tilespmem:s23+$0x20] =	vst v1;
	(pc) =	sbr.rel @p0 .LBB2_14-.Ltmp6, $4  }
0xaa: {  	[tilespmem:s23+$0x10] =	vst v1  }
0xab: {  	[tilespmem:s23+$0x0] =	vst v1  }
0xac: {  	[tilespmem:s23+$0xFFFFFFF0] =	vst v1  }
0xad: {  	[tilespmem:s23+$0xFFFFFFE0] =	vst v1  }
0xae: {  	[tilespmem:s23+$0xFFFFFFD0] =	vst v1;
	s31 =	simm.s32 $0x10040  }
0xaf: {  	v5 =	vld [tilespmem:s31+$0xFFFFFFC0]  }
0xb0: {  	v7 =	vld [tilespmem:s31+$0x30]  }
0xb1: {  	v6 =	vld [tilespmem:s31+$0xFFFFFFF0];
	_ =	sdelay $0x1  }
0xb2: {  	s21 =	sor.u32 s19, s21  }
0xb3: {  	v4 =	vmov s21;
	v11 =	vld [tilespmem:s31+$0xFFFFFFE0];
	v8 =	vshra.s32 v5, $0x10;
	v5 =	vshrl.u32 v5, $0x4  }
0xb4: {  	v9 =	vld [tilespmem:s31+$0x0];
	v10 =	vshrl.u32 v7, $0x4;
	vm0 =	veq.s32 v8, v4;
	v5 =	vand.u32 $0xFF0, v5  }
0xb5: {  	v8 =	vshrl.u32 v6, $0x4;
	v6 =	vshra.s32 v6, $0x10;
	v12 =	vor.u32 v0, v5  }
0xb6: {  	v7 =	vshra.s32 v7, $0x10;
	v8 =	vand.u32 $0xFF0, v8;
	v5 =	vld [tilespmem:s31+$0x20];
	vm1 =	veq.s32 v6, v4  }
0xb7: {  	v13 =	vand.u32 $0xFF0, v10;
	vm2 =	veq.s32 v7, v4;
	v6 =	vld [tilespmem:s31+$0xFFFFFFD0];
	v8 =	vor.u32 v0, v8  }
0xb8: {  	v7 =	vor.u32 v0, v13  }
0xb9: {  	v14 =	vshrl.u32 v9, $0x4;
	v10 =	vshrl.u32 v11, $0x4;
	v13 =	vshra.s32 v9, $0x10;
	v9 =	vld [tilespmem:s31+$0x10]  }
0xba: {  	s19 =	simm.s32 $0x0;
	s23 =	simm.s32 $0x100C0;
	v11 =	vshra.s32 v11, $0x10;
	[tilespmem:v12+s16+$0x0] =	vst.idx.add.s32.msk vm0, v3;
	vm0 =	veq.s32 v13, v4;
	v12 =	vand.u32 $0xFF0, v14  }
.LBB2_16:
0xbb: {  	v13 =	vld [tilespmem:s23+$0xFFFFFFF0];
	s19 =	sadd.s32 $0x80, s19;
	vm5 =	veq.s32 v11, v4;
	v10 =	vand.u32 $0xFF0, v10;
	v11 =	vor.u32 v0, v12  }
0xbc: {  	v12 =	vshra.s32 v6, $0x10;
	p0 =	slt.u32 s19, $0x7F80;
	v10 =	vor.u32 v0, v10;
	[tilespmem:v8+s16+$0x0] =	vst.idx.add.s32.msk vm1, v3;
	v8 =	vshra.s32 v5, $0x10  }
0xbd: {  	vm4 =	veq.s32 v12, v4;
	v5 =	vshrl.u32 v5, $0x4;
	vm3 =	veq.s32 v8, v4;
	[tilespmem:v7+s16+$0x0] =	vst.idx.add.s32.msk vm2, v3  }
0xbe: {  	v6 =	vshrl.u32 v6, $0x4;
	v5 =	vand.u32 $0xFF0, v5;
	v7 =	vld [tilespmem:s23+$0xFFFFFFC0];
	v8 =	vshrl.u32 v9, $0x4  }
0xbf: {  	v6 =	vand.u32 $0xFF0, v6;
	v9 =	vshra.s32 v9, $0x10;
	v14 =	vor.u32 v0, v5;
	v12 =	vld [tilespmem:s23+$0x30]  }
0xc0: {  	vm6 =	veq.s32 v9, v4;
	v8 =	vand.u32 $0xFF0, v8;
	v15 =	vshrl.u32 v13, $0x4;
	v5 =	vld [tilespmem:s23+$0x20]  }
0xc1: {  	v16 =	vor.u32 v0, v6;
	v17 =	vor.u32 v0, v8;
	v9 =	vld [tilespmem:s23+$0xFFFFFFE0]  }
0xc2: {  	[tilespmem:v10+s16+$0x0] =	vst.idx.add.s32.msk vm5, v3  }
0xc3: {  	v6 =	vshra.s32 v7, $0x10;
	v7 =	vshrl.u32 v7, $0x4;
	[tilespmem:v11+s16+$0x0] =	vst.idx.add.s32.msk vm0, v3  }
0xc4: {  	vm0 =	veq.s32 v6, v4;
	v6 =	vand.u32 $0xFF0, v7;
	v7 =	vshra.s32 v13, $0x10;
	v13 =	vld [tilespmem:s23+$0x0]  }
0xc5: {  	v8 =	vand.u32 $0xFF0, v15;
	v10 =	vshrl.u32 v12, $0x4;
	v18 =	vor.u32 v0, v6;
	v6 =	vld [tilespmem:s23+$0xFFFFFFD0]  }
.Ltmp7:
0xc6: {  	vm1 =	veq.s32 v7, v4;
	v7 =	vshra.s32 v12, $0x10;
	v11 =	vand.u32 $0xFF0, v10;
	[tilespmem:v16+s16+$0x0] =	vst.idx.add.s32.msk vm4, v3;
	(pc) =	sbr.rel @p0 .LBB2_16-.Ltmp7, $4  }
0xc7: {  	v8 =	vor.u32 v0, v8;
	vm2 =	veq.s32 v7, v4;
	[tilespmem:v14+s16+$0x0] =	vst.idx.add.s32.msk vm3, v3  }
0xc8: {  	v10 =	vshrl.u32 v9, $0x4;
	v7 =	vor.u32 v0, v11;
	[tilespmem:v17+s16+$0x0] =	vst.idx.add.s32.msk vm6, v3  }
0xc9: {  	v11 =	vshra.s32 v9, $0x10;
	v12 =	vshra.s32 v13, $0x10;
	v13 =	vshrl.u32 v13, $0x4;
	v9 =	vld [tilespmem:s23+$0x10]  }
0xca: {  	s23 =	sadd.s32 $0x80, s23;
	[tilespmem:v18+s16+$0x0] =	vst.idx.add.s32.msk vm0, v3;
	vm0 =	veq.s32 v12, v4;
	v12 =	vand.u32 $0xFF0, v13  }
0xcb: {  	vm3 =	veq.s32 v11, v4;
	v10 =	vand.u32 $0xFF0, v10;
	v59 =	vshra.s32 v6, $0x10  }
0xcc: {  	v12 =	vor.u32 v0, v12;
	v60 =	vshra.s32 v5, $0x10;
	v61 =	vshrl.u32 v6, $0x4  }
0xcd: {  	v5 =	vshrl.u32 v5, $0x4;
	vm4 =	veq.s32 v59, v4;
	v10 =	vor.u32 v0, v10  }
0xce: {  	vm5 =	veq.s32 v60, v4;
	v6 =	vand.u32 $0xFF0, v61;
	v5 =	vand.u32 $0xFF0, v5  }
0xcf: {  	v6 =	vor.u32 v0, v6;
	v62 =	vshrl.u32 v9, $0x4;
	v63 =	vshra.s32 v9, $0x10  }
0xd0: {  	[tilespmem:v8+s16+$0x0] =	vst.idx.add.s32.msk vm1, v3;
	v5 =	vor.u32 v0, v5;
	vm15 =	veq.s32 v63, v4;
	v4 =	vand.u32 $0xFF0, v62  }
0xd1: {  	[tilespmem:v7+s16+$0x0] =	vst.idx.add.s32.msk vm2, v3;
	v4 =	vor.u32 v0, v4  }
0xd2: {  	[tilespmem:v12+s16+$0x0] =	vst.idx.add.s32.msk vm0, v3  }
0xd3: {  	[tilespmem:v10+s16+$0x0] =	vst.idx.add.s32.msk vm3, v3  }
0xd4: {  	[tilespmem:v6+s16+$0x0] =	vst.idx.add.s32.msk vm4, v3  }
0xd5: {  	s19 =	ssub.s32 s20, s22;
	[tilespmem:v5+s16+$0x0] =	vst.idx.add.s32.msk vm5, v3  }
0xd6: {  	s25 =	simm.s32 $0x0;
	s22 =	simm.s32 $0x100;
	s24 =	simm.s32 $0x18FF0;
	[tilespmem:v4+s16+$0x0] =	vst.idx.add.s32.msk vm15, v3  }
.LBB2_18:
0xd7: {  	v4 =	vld [tilespmem:s24+$0x0];
	_ =	sdelay $0x4  }
0xd8: {  	(xrf0) =	vadd.scan.msk.s32 $0xffff, v4;
	_ =	sdelay $0x5  }
0xd9: {  	v4, _, _ =	vpop (xrf0)  }
0xda: {  	(v2sf) =	vpush v4, $0xF;
	_ =	sdelay $0xe  }
0xdb: {  	s23 =	spop (v2sf)  }
0xdc: {  	s20 =	smov.u32 s25;
	s25 =	sadd.s32 s25, s23  }
0xdd: {  	p0 =	slt.s32 s25, s19  }
.Ltmp8:
0xde: {  	_ = 	snop;
	(pc) =	sbr.rel @p0 .LBB2_18-.Ltmp8, $3  }
0xdf: {  	_ =	sdelay $0x1  }
0xe0: {  	s22 =	sadd.s32 $0xFFFFFFFF, s22  }
0xe1: {  	s24 =	sadd.s32 $0xFFFFFFF0, s24;
	s26 =	simm.s32 $0xFFFFFF80;
	s23 =	simm.s32 $0x18040  }
0xe2: {  	[tilespmem:s23+$0xFFFFFFC0] =	vst v1  }
0xe3: {  	[tilespmem:s23+$0x30] =	vst v1  }
0xe4: {  	[tilespmem:s23+$0x20] =	vst v1  }
0xe5: {  	[tilespmem:s23+$0x10] =	vst v1  }
0xe6: {  	[tilespmem:s23+$0x0] =	vst v1  }
0xe7: {  	[tilespmem:s23+$0xFFFFFFF0] =	vst v1  }
0xe8: {  	s24 =	sadd.s32 $0x80, s26;
	[tilespmem:s23+$0xFFFFFFE0] =	vst v1  }
.LBB2_20:
0xe9: {  	s24 =	sadd.s32 $0x80, s24;
	[tilespmem:s23+$0xFFFFFFD0] =	vst v1;
	s23 =	sadd.s32 $0x80, s23  }
0xea: {  	[tilespmem:s23+$0xFFFFFFC0] =	vst v1;
	p0 =	slt.u32 s24, $0xF80  }
0xeb: {  	[tilespmem:s23+$0x30] =	vst v1  }
.Ltmp9:
0xec: {  	[tilespmem:s23+$0x20] =	vst v1;
	(pc) =	sbr.rel @p0 .LBB2_20-.Ltmp9, $4  }
0xed: {  	[tilespmem:s23+$0x10] =	vst v1  }
0xee: {  	[tilespmem:s23+$0x0] =	vst v1  }
0xef: {  	[tilespmem:s23+$0xFFFFFFF0] =	vst v1  }
0xf0: {  	[tilespmem:s23+$0xFFFFFFE0] =	vst v1  }
0xf1: {  	[tilespmem:s23+$0xFFFFFFD0] =	vst v1;
	s31 =	simm.s32 $0x10040  }
0xf2: {  	v5 =	vld [tilespmem:s31+$0x30]  }
0xf3: {  	v6 =	vld [tilespmem:s31+$0xFFFFFFD0]  }
0xf4: {  	v7 =	vld [tilespmem:s31+$0xFFFFFFE0]  }
0xf5: {  	v8 =	vld [tilespmem:s31+$0xFFFFFFF0]  }
0xf6: {  	s21 =	sshll.u32 s21, $0x8;
	v13 =	vld [tilespmem:s31+$0xFFFFFFC0]  }
0xf7: {  	s21 =	sor.u32 s21, s22  }
0xf8: {  	v10 =	vld [tilespmem:s31+$0x0];
	v4 =	vmov s21;
	v9 =	vshra.s32 v5, $0x8;
	v5 =	vshll.u32 v5, $0x4  }
0xf9: {  	v12 =	vld [tilespmem:s31+$0x10];
	v11 =	vshll.u32 v6, $0x4;
	v16 =	vshra.s32 v6, $0x8;
	v6 =	vshll.u32 v7, $0x4  }
0xfa: {  	v18 =	vshra.s32 v7, $0x8;
	v7 =	vshll.u32 v8, $0x4;
	v8 =	vshra.s32 v8, $0x8  }
0xfb: {  	v14 =	vld [tilespmem:s31+$0x20];
	v20 =	vshra.s32 v13, $0x8;
	v15 =	vshll.u32 v13, $0x4;
	vm1 =	veq.s32 v9, v4  }
0xfc: {  	v5 =	vor.u32 v0, v5;
	v17 =	vor.u32 v0, v11;
	v19 =	vor.u32 v0, v6  }
0xfd: {  	v6 =	vshll.u32 v10, $0x4;
	v9 =	vor.u32 v0, v7;
	v5 =	vand.u32 $0xFFF, v5  }
0xfe: {  	v10 =	vshra.s32 v10, $0x8;
	v7 =	vshll.u32 v12, $0x4;
	v12 =	vshra.s32 v12, $0x8  }
0xff: {  	vm2 =	veq.s32 v20, v4;
	vm0 =	veq.s32 v16, v4;
	v11 =	vor.u32 v0, v6  }
0x100: {  	v6 =	vshll.u32 v14, $0x4;
	v13 =	vor.u32 v0, v7;
	v7 =	vor.u32 v0, v15  }
0x101: {  	v15 =	vshra.s32 v14, $0x8;
	v14 =	vor.u32 v0, v6;
	v6 =	vand.u32 $0xFFF, v7  }
0x102: {  	s23 =	simm.s32 $0x100C0;
	s22 =	simm.s32 $0x0;
	v7 =	vand.u32 $0xFFF, v17;
	[tilespmem:v5+s16+$0x0] =	vst.idx.add.s32.msk vm1, v3;
	vm1 =	veq.s32 v18, v4;
	v5 =	vand.u32 $0xFFF, v19  }
.LBB2_22:
0x103: {  	v16 =	vld [tilespmem:s23+$0x30];
	s22 =	sadd.s32 $0x80, s22;
	vm6 =	veq.s32 v8, v4;
	v17 =	vand.u32 $0xFFF, v9;
	vm4 =	veq.s32 v10, v4  }
0x104: {  	v18 =	vand.u32 $0xFFF, v11;
	vm5 =	veq.s32 v12, v4;
	v19 =	vand.u32 $0xFFF, v13;
	v8 =	vld [tilespmem:s23+$0xFFFFFFD0];
	p0 =	slt.u32 s22, $0x7F80  }
0x105: {  	vm3 =	veq.s32 v15, v4;
	v20 =	vand.u32 $0xFFF, v14;
	v9 =	vld [tilespmem:s23+$0xFFFFFFE0]  }
0x106: {  	v10 =	vld [tilespmem:s23+$0xFFFFFFF0]  }
0x107: {  	v11 =	vld [tilespmem:s23+$0x0]  }
0x108: {  	v12 =	vld [tilespmem:s23+$0x10];
	v13 =	vshra.s32 v16, $0x8;
	v14 =	vshll.u32 v16, $0x4  }
0x109: {  	v15 =	vshll.u32 v8, $0x4;
	v16 =	vld [tilespmem:s23+$0x20];
	vm7 =	veq.s32 v13, v4;
	v13 =	vor.u32 v0, v14  }
0x10a: {  	v21 =	vshra.s32 v8, $0x8;
	v14 =	vld [tilespmem:s23+$0xFFFFFFC0];
	v8 =	vshll.u32 v9, $0x4;
	v22 =	vand.u32 $0xFFF, v13  }
0x10b: {  	v23 =	vor.u32 v0, v15;
	v24 =	vshra.s32 v9, $0x8;
	v9 =	vshll.u32 v10, $0x4;
	[tilespmem:v6+s16+$0x0] =	vst.idx.add.s32.msk vm2, v3  }
0x10c: {  	v25 =	vor.u32 v0, v8;
	v8 =	vshra.s32 v10, $0x8;
	v6 =	vshll.u32 v11, $0x4;
	[tilespmem:v7+s16+$0x0] =	vst.idx.add.s32.msk vm0, v3  }
0x10d: {  	v9 =	vor.u32 v0, v9;
	v10 =	vshra.s32 v11, $0x8;
	v7 =	vshll.u32 v12, $0x4;
	[tilespmem:v5+s16+$0x0] =	vst.idx.add.s32.msk vm1, v3  }
.Ltmp10:
0x10e: {  	v11 =	vor.u32 v0, v6;
	v12 =	vshra.s32 v12, $0x8;
	v5 =	vshll.u32 v16, $0x4;
	[tilespmem:v17+s16+$0x0] =	vst.idx.add.s32.msk vm6, v3;
	(pc) =	sbr.rel @p0 .LBB2_22-.Ltmp10, $4  }
0x10f: {  	v13 =	vor.u32 v0, v7;
	v6 =	vshra.s32 v14, $0x8;
	v14 =	vshll.u32 v14, $0x4;
	[tilespmem:v22+s16+$0x0] =	vst.idx.add.s32.msk vm7, v3  }
0x110: {  	v15 =	vshra.s32 v16, $0x8;
	v7 =	vor.u32 v0, v14;
	v14 =	vor.u32 v0, v5;
	[tilespmem:v18+s16+$0x0] =	vst.idx.add.s32.msk vm4, v3  }
0x111: {  	vm0 =	veq.s32 v21, v4;
	vm2 =	veq.s32 v6, v4;
	v6 =	vand.u32 $0xFFF, v7;
	[tilespmem:v19+s16+$0x0] =	vst.idx.add.s32.msk vm5, v3  }
0x112: {  	s23 =	sadd.s32 $0x80, s23;
	vm1 =	veq.s32 v24, v4;
	v5 =	vand.u32 $0xFFF, v25;
	v7 =	vand.u32 $0xFFF, v23;
	[tilespmem:v20+s16+$0x0] =	vst.idx.add.s32.msk vm3, v3  }
0x113: {  	_ =	sdelay $0x1  }
0x114: {  	vm3 =	veq.s32 v8, v4  }
0x115: {  	v61 =	vand.u32 $0xFFF, v9;
	vm4 =	veq.s32 v10, v4  }
0x116: {  	v62 =	vand.u32 $0xFFF, v11;
	vm5 =	veq.s32 v12, v4  }
0x117: {  	v63 =	vand.u32 $0xFFF, v13;
	vm6 =	veq.s32 v15, v4;
	[tilespmem:v6+s16+$0x0] =	vst.idx.add.s32.msk vm2, v3  }
0x118: {  	v4 =	vand.u32 $0xFFF, v14;
	[tilespmem:v7+s16+$0x0] =	vst.idx.add.s32.msk vm0, v3  }
0x119: {  	[tilespmem:v5+s16+$0x0] =	vst.idx.add.s32.msk vm1, v3  }
0x11a: {  	[tilespmem:v61+s16+$0x0] =	vst.idx.add.s32.msk vm3, v3  }
0x11b: {  	[tilespmem:v62+s16+$0x0] =	vst.idx.add.s32.msk vm4, v3  }
0x11c: {  	s19 =	ssub.s32 s19, s20;
	[tilespmem:v63+s16+$0x0] =	vst.idx.add.s32.msk vm5, v3  }
0x11d: {  	s20 =	simm.s32 $0x0;
	s22 =	simm.s32 $0x100;
	s23 =	simm.s32 $0x18FF0;
	[tilespmem:v4+s16+$0x0] =	vst.idx.add.s32.msk vm6, v3  }
.LBB2_24:
0x11e: {  	v4 =	vld [tilespmem:s23+$0x0];
	_ =	sdelay $0x4  }
0x11f: {  	(xrf0) =	vadd.scan.msk.s32 $0xffff, v4;
	_ =	sdelay $0x5  }
0x120: {  	v4, _, _ =	vpop (xrf0)  }
0x121: {  	(v2sf) =	vpush v4, $0xF;
	_ =	sdelay $0xe  }
0x122: {  	s24 =	spop (v2sf)  }
0x123: {  	s20 =	sadd.s32 s20, s24  }
0x124: {  	p0 =	slt.s32 s20, s19  }
.Ltmp11:
0x125: {  	_ = 	snop;
	(pc) =	sbr.rel @p0 .LBB2_24-.Ltmp11, $2  }
0x126: {  	_ =	sdelay $0x2  }
0x127: {  	s22 =	sadd.s32 $0xFFFFFFFF, s22;
	s23 =	sadd.s32 $0xFFFFFFF0, s23  }
0x128: {  	s19 =	simm.s32 $0x40  }
0x129: {  	s20 =	simm.s32 $0x10040;
	v11 =	vld [tilespmem:s19+$0x30]  }
0x12a: {  	v12 =	vld [tilespmem:s20+$0x30]  }
0x12b: {  	v10 =	vld [tilespmem:s19+$0xFFFFFFD0]  }
0x12c: {  	v9 =	vld [tilespmem:s19+$0xFFFFFFE0]  }
0x12d: {  	v8 =	vld [tilespmem:s19+$0xFFFFFFF0]  }
0x12e: {  	v7 =	vld [tilespmem:s19+$0x0]  }
0x12f: {  	v6 =	vld [tilespmem:s19+$0x10]  }
0x130: {  	v5 =	vld [tilespmem:s19+$0x20]  }
0x131: {  	v20 =	vld [tilespmem:s19+$0xFFFFFFC0]  }
0x132: {  	v17 =	vld [tilespmem:s20+$0xFFFFFFC0]  }
0x133: {  	s21 =	sshll.u32 s21, $0x8;
	v23 =	vld [tilespmem:s20+$0xFFFFFFD0]  }
0x134: {  	s21 =	sor.u32 s21, s22;
	v21 =	vld [tilespmem:s20+$0xFFFFFFE0];
	v13 =	vsub.f32 $1.000000000e+00, v11;
	v16 =	vsub.f32 $1.000000000e+00, v10  }
0x135: {  	v18 =	vld [tilespmem:s20+$0xFFFFFFF0];
	v4 =	vmov s21;
	v15 =	vsub.f32 $1.000000000e+00, v9;
	v14 =	vsub.f32 $1.000000000e+00, v8  }
0x136: {  	v19 =	vld [tilespmem:s20+$0x0];
	vm0 =	vlt.s32 v12, v4;
	v22 =	vsub.f32 $1.000000000e+00, v20;
	v12 =	vsub.f32 $1.000000000e+00, v6  }
0x137: {  	v11 =	vsel vm0, v11, v13;
	v13 =	vsub.f32 $1.000000000e+00, v7;
	vm0 =	vlt.s32 v17, v4;
	v17 =	vld [tilespmem:s20+$0x10]  }
0x138: {  	s22 =	simm.s32 $0xC0;
	s21 =	simm.s32 $0x0;
	[tilespmem:s19+$0x30] =	vst v11;
	v11 =	vsub.f32 $1.000000000e+00, v5;
	v22 =	vsel vm0, v20, v22;
	vm0 =	vlt.s32 v23, v4;
	v20 =	vld [tilespmem:s20+$0x20]  }
.LBB2_26:
0x139: {  	v23 =	vld [tilespmem:s22+$0x30];
	s21 =	sadd.s32 $0x80, s21;
	[tilespmem:s19+$0xFFFFFFC0] =	vst v22;
	v10 =	vsel vm0, v10, v16;
	vm0 =	vlt.s32 v21, v4;
	s20 =	sadd.s32 $0x80, s20  }
0x13a: {  	v16 =	vld [tilespmem:s20+$0x30];
	p0 =	slt.u32 s21, $0x7F80;
	[tilespmem:s19+$0xFFFFFFD0] =	vst v10;
	v9 =	vsel vm0, v9, v15;
	vm0 =	vlt.s32 v18, v4  }
0x13b: {  	v10 =	vld [tilespmem:s22+$0xFFFFFFD0];
	[tilespmem:s19+$0xFFFFFFE0] =	vst v9;
	v8 =	vsel vm0, v8, v14;
	vm0 =	vlt.s32 v19, v4  }
0x13c: {  	v9 =	vld [tilespmem:s22+$0xFFFFFFE0];
	[tilespmem:s19+$0xFFFFFFF0] =	vst v8;
	v7 =	vsel vm0, v7, v13;
	vm0 =	vlt.s32 v17, v4  }
0x13d: {  	v8 =	vld [tilespmem:s22+$0xFFFFFFF0];
	[tilespmem:s19+$0x0] =	vst v7;
	v6 =	vsel vm0, v6, v12;
	vm0 =	vlt.s32 v20, v4  }
0x13e: {  	v7 =	vld [tilespmem:s22+$0x0];
	v12 =	vsub.f32 $1.000000000e+00, v23;
	[tilespmem:s19+$0x10] =	vst v6;
	v5 =	vsel vm0, v5, v11  }
0x13f: {  	v6 =	vld [tilespmem:s22+$0x10];
	vm0 =	vlt.s32 v16, v4;
	[tilespmem:s19+$0x20] =	vst v5;
	s19 =	smov.u32 s22  }
0x140: {  	v16 =	vsub.f32 $1.000000000e+00, v10;
	v5 =	vld [tilespmem:s22+$0x20];
	v11 =	vsel vm0, v23, v12  }
0x141: {  	v20 =	vld [tilespmem:s22+$0xFFFFFFC0];
	v15 =	vsub.f32 $1.000000000e+00, v9;
	[tilespmem:s22+$0x30] =	vst v11  }
0x142: {  	v17 =	vld [tilespmem:s20+$0xFFFFFFC0];
	v14 =	vsub.f32 $1.000000000e+00, v8  }
0x143: {  	v23 =	vld [tilespmem:s20+$0xFFFFFFD0];
	v13 =	vsub.f32 $1.000000000e+00, v7  }
.Ltmp12:
0x144: {  	v21 =	vld [tilespmem:s20+$0xFFFFFFE0];
	v12 =	vsub.f32 $1.000000000e+00, v6;
	(pc) =	sbr.rel @p0 .LBB2_26-.Ltmp12, $4  }
0x145: {  	v18 =	vld [tilespmem:s20+$0xFFFFFFF0];
	v11 =	vsub.f32 $1.000000000e+00, v5  }
0x146: {  	v22 =	vsub.f32 $1.000000000e+00, v20;
	v19 =	vld [tilespmem:s20+$0x0]  }
0x147: {  	vm0 =	vlt.s32 v17, v4;
	v17 =	vld [tilespmem:s20+$0x10]  }
0x148: {  	s22 =	sadd.s32 $0x80, s22;
	v22 =	vsel vm0, v20, v22;
	vm0 =	vlt.s32 v23, v4;
	v20 =	vld [tilespmem:s20+$0x20]  }
0x149: {  	[tilespmem:s19+$0xFFFFFFC0] =	vst v22;
	v10 =	vsel vm0, v10, v16;
	vm11 =	vlt.s32 v21, v4  }
0x14a: {  	[tilespmem:s19+$0xFFFFFFD0] =	vst v10;
	v9 =	vsel vm11, v9, v15;
	vm12 =	vlt.s32 v18, v4  }
0x14b: {  	[tilespmem:s19+$0xFFFFFFE0] =	vst v9;
	v8 =	vsel vm12, v8, v14;
	vm13 =	vlt.s32 v19, v4  }
0x14c: {  	[tilespmem:s19+$0xFFFFFFF0] =	vst v8;
	v7 =	vsel vm13, v7, v13;
	vm14 =	vlt.s32 v17, v4  }
0x14d: {  	[tilespmem:s19+$0x0] =	vst v7;
	v6 =	vsel vm14, v6, v12;
	vm15 =	vlt.s32 v20, v4  }
0x14e: {  	[tilespmem:s19+$0x10] =	vst v6;
	v4 =	vsel vm15, v5, v11  }
0x14f: {  	[tilespmem:s19+$0x20] =	vst v4  }
0x150: {  	[hbm4b:s5+s12] =	stream.strided.scatter [tilespmem:s2], [sflag:$0x2], $0x8000, s13, s12, $0x38;
	[tilespmem:$0x19000] =	vst v63  }
0x151: {  	_ =	swait.ge [sflag:s14], $0x8000  }
0x152: {  	[sflag:s14] =	ssyncset.done $0x0  }
0x153: {  	[sflag:s14] =	ssyncadd.s32 $0xFFFF8000  }
0x154: {  	_ =	swait.ge [sflag:s17], $0x8000  }
0x155: {  	[sflag:s17] =	ssyncset.done $0x0  }
0x156: {  	s21 =	simm.s32 $0x18040;
	[sflag:s17] =	ssyncadd.s32 $0xFFFF8000  }
0x157: {  	[tilespmem:s2], [sflag:$0x1] =	stream.strided.gather [hbm4b:s6+s12], $0x8000, s13, s12, $0x38;
	[tilespmem:$0x19000] =	vst v63  }
0x158: {  	[tilespmem:s21+$0xFFFFFFC0] =	vst v1  }
0x159: {  	[tilespmem:s21+$0x30] =	vst v1  }
0x15a: {  	[tilespmem:s21+$0x20] =	vst v1  }
0x15b: {  	[tilespmem:s21+$0x10] =	vst v1  }
0x15c: {  	[tilespmem:s21+$0x0] =	vst v1  }
0x15d: {  	[tilespmem:s21+$0xFFFFFFF0] =	vst v1  }
0x15e: {  	s22 =	simm.s32 $0x0;
	[tilespmem:s21+$0xFFFFFFE0] =	vst v1  }
.LBB2_28:
0x15f: {  	s22 =	sadd.s32 $0x80, s22;
	[tilespmem:s21+$0xFFFFFFD0] =	vst v1;
	s21 =	sadd.s32 $0x80, s21;
	s19 =	simm.s32 $0x8040  }
0x160: {  	[tilespmem:s21+$0xFFFFFFC0] =	vst v1;
	p0 =	slt.u32 s22, $0xF80  }
0x161: {  	[tilespmem:s21+$0x30] =	vst v1  }
.Ltmp13:
0x162: {  	[tilespmem:s21+$0x20] =	vst v1;
	(pc) =	sbr.rel @p0 .LBB2_28-.Ltmp13, $4  }
0x163: {  	[tilespmem:s21+$0x10] =	vst v1  }
0x164: {  	[tilespmem:s21+$0x0] =	vst v1  }
0x165: {  	[tilespmem:s21+$0xFFFFFFF0] =	vst v1  }
0x166: {  	s20 =	simm.s32 $0x10040;
	[tilespmem:s21+$0xFFFFFFE0] =	vst v1  }
0x167: {  	[tilespmem:s21+$0xFFFFFFD0] =	vst v1  }
0x168: {  	v4 =	vld [tilespmem:s19+$0x10]  }
0x169: {  	v6 =	vld [tilespmem:s19+$0xFFFFFFE0]  }
0x16a: {  	v7 =	vld [tilespmem:s19+$0xFFFFFFC0];
	_ =	sdelay $0x1  }
0x16b: {  	v9 =	vld [tilespmem:s19+$0x0]  }
0x16c: {  	v8 =	vshra.s32 v4, $0x1F  }
0x16d: {  	v10 =	vshra.s32 v6, $0x1F;
	v8 =	vand.u32 $0x7FFFFFFF, v8  }
0x16e: {  	v14 =	vld [tilespmem:s19+$0xFFFFFFD0];
	v10 =	vand.u32 $0x7FFFFFFF, v10;
	v13 =	vxor.u32 v4, v8;
	v8 =	vshra.s32 v7, $0x1F  }
0x16f: {  	v5 =	vld [tilespmem:s19+$0xFFFFFFF0];
	v4 =	vxor.u32 v6, v10;
	v10 =	vand.u32 $0x7FFFFFFF, v8  }
0x170: {  	v11 =	vxor.u32 v7, v10;
	v7 =	vshra.s32 v9, $0x1F  }
0x171: {  	v6 =	vshra.s32 v13, $0x14;
	v17 =	vand.u32 $0x7FFFFFFF, v7  }
0x172: {  	[tilespmem:s20+$0x10] =	vst v13;
	v6 =	vand.u32 $0xFFFFFFF0, v6;
	v13 =	vxor.u32 v9, v17;
	v9 =	vld [tilespmem:s19+$0x20]  }
0x173: {  	v10 =	vshra.s32 v11, $0x14;
	v12 =	vadd.s32 v2, v6  }
0x174: {  	v15 =	vshra.s32 v14, $0x1F;
	v16 =	vshra.s32 v5, $0x1F;
	v7 =	vld [tilespmem:s19+$0x30];
	v6 =	vand.u32 $0xFFFFFFF0, v10  }
0x175: {  	v8 =	vshra.s32 v4, $0x14;
	v10 =	vadd.s32 v2, v6;
	v6 =	vand.u32 $0x7FFFFFFF, v15  }
0x176: {  	s21 =	simm.s32 $0x0;
	s22 =	simm.s32 $0x80C0;
	s23 =	simm.s32 $0x10040;
	v15 =	vshra.s32 v13, $0x14;
	v6 =	vxor.u32 v14, v6;
	v14 =	vand.u32 $0x7FFFFFFF, v16  }
.LBB2_30:
0x177: {  	v16 =	vld [tilespmem:s22+$0x10];
	s21 =	sadd.s32 $0x80, s21;
	[tilespmem:s20+$0xFFFFFFC0] =	vst v11;
	v8 =	vand.u32 $0xFFFFFFF0, v8;
	v11 =	vand.u32 $0xFFFFFFF0, v15;
	v15 =	vshra.s32 v9, $0x1F;
	s23 =	sadd.s32 $0x80, s23  }
0x178: {  	p0 =	slt.u32 s21, $0x7F80;
	v8 =	vadd.s32 v2, v8;
	v17 =	vadd.s32 v2, v11;
	[tilespmem:v12+s16+$0x0] =	vst.idx.add.s32.msk $0xffff, v3;
	v11 =	vand.u32 $0x7FFFFFFF, v15  }
0x179: {  	v14 =	vxor.u32 v5, v14;
	v12 =	vld [tilespmem:s22+$0xFFFFFFE0];
	[tilespmem:s20+$0x0] =	vst v13;
	v5 =	vxor.u32 v9, v11;
	v9 =	vshra.s32 v7, $0x1F  }
0x17a: {  	[tilespmem:v10+s16+$0x0] =	vst.idx.add.s32.msk $0xffff, v3;
	v10 =	vshra.s32 v14, $0x14;
	v11 =	vshra.s32 v5, $0x14;
	v9 =	vand.u32 $0x7FFFFFFF, v9  }
0x17b: {  	v15 =	vshra.s32 v6, $0x14;
	v13 =	vld [tilespmem:s22+$0xFFFFFFC0];
	v10 =	vand.u32 $0xFFFFFFF0, v10;
	[tilespmem:s20+$0x20] =	vst v5;
	v7 =	vxor.u32 v7, v9  }
0x17c: {  	v5 =	vld [tilespmem:s22+$0xFFFFFFF0];
	v9 =	vshra.s32 v16, $0x1F;
	v10 =	vadd.s32 v2, v10;
	[tilespmem:s20+$0x30] =	vst v7;
	v7 =	vshra.s32 v7, $0x14  }
0x17d: {  	v15 =	vand.u32 $0xFFFFFFF0, v15;
	v18 =	vld [tilespmem:s22+$0x0];
	v9 =	vand.u32 $0x7FFFFFFF, v9;
	[tilespmem:s20+$0xFFFFFFE0] =	vst v4;
	v19 =	vand.u32 $0xFFFFFFF0, v7  }
0x17e: {  	v20 =	vld [tilespmem:s22+$0xFFFFFFD0];
	v4 =	vshra.s32 v12, $0x1F;
	v7 =	vxor.u32 v16, v9;
	[tilespmem:s20+$0xFFFFFFF0] =	vst v14;
	v9 =	vand.u32 $0xFFFFFFF0, v11  }
0x17f: {  	v4 =	vand.u32 $0x7FFFFFFF, v4;
	[tilespmem:s23+$0x10] =	vst v7;
	v14 =	vshra.s32 v7, $0x14;
	v7 =	vld [tilespmem:s22+$0x30];
	v16 =	vadd.s32 v2, v9  }
0x180: {  	v15 =	vadd.s32 v2, v15;
	v9 =	vshra.s32 v13, $0x1F;
	v4 =	vxor.u32 v12, v4;
	[tilespmem:v8+s16+$0x0] =	vst.idx.add.s32.msk $0xffff, v3  }
0x181: {  	v19 =	vadd.s32 v2, v19;
	v9 =	vand.u32 $0x7FFFFFFF, v9;
	v8 =	vshra.s32 v4, $0x14;
	[tilespmem:v10+s16+$0x0] =	vst.idx.add.s32.msk $0xffff, v3  }
.Ltmp14:
0x182: {  	v12 =	vand.u32 $0xFFFFFFF0, v14;
	v11 =	vxor.u32 v13, v9;
	v10 =	vshra.s32 v18, $0x1F;
	v9 =	vld [tilespmem:s22+$0x20];
	[tilespmem:s20+$0xFFFFFFD0] =	vst v6;
	s20 =	smov.u32 s23;
	(pc) =	sbr.rel @p0 .LBB2_30-.Ltmp14, $4  }
0x183: {  	v12 =	vadd.s32 v2, v12;
	v6 =	vshra.s32 v11, $0x14;
	v13 =	vshra.s32 v20, $0x1F;
	[tilespmem:v17+s16+$0x0] =	vst.idx.add.s32.msk $0xffff, v3  }
0x184: {  	v14 =	vshra.s32 v5, $0x1F;
	v17 =	vand.u32 $0x7FFFFFFF, v10;
	v6 =	vand.u32 $0xFFFFFFF0, v6;
	[tilespmem:v16+s16+$0x0] =	vst.idx.add.s32.msk $0xffff, v3  }
0x185: {  	s25 =	simm.s32 $0x18FF0;
	v10 =	vadd.s32 v2, v6;
	v6 =	vand.u32 $0x7FFFFFFF, v13;
	v13 =	vxor.u32 v18, v17;
	[tilespmem:v15+s16+$0x0] =	vst.idx.add.s32.msk $0xffff, v3  }
0x186: {  	s19 =	simm.s32 $0x8000;
	s24 =	simm.s32 $0x80;
	v14 =	vand.u32 $0x7FFFFFFF, v14;
	s22 =	sadd.s32 $0x80, s22;
	v6 =	vxor.u32 v20, v6;
	v15 =	vshra.s32 v13, $0x14;
	[tilespmem:v19+s16+$0x0] =	vst.idx.add.s32.msk $0xffff, v3  }
0x187: {  	_ =	sdelay $0x2  }
0x188: {  	[tilespmem:s20+$0xFFFFFFC0] =	vst v11  }
0x189: {  	v8 =	vand.u32 $0xFFFFFFF0, v8;
	v52 =	vshra.s32 v9, $0x1F;
	[tilespmem:v12+s16+$0x0] =	vst.idx.add.s32.msk $0xffff, v3  }
0x18a: {  	v5 =	vxor.u32 v5, v14;
	[tilespmem:s20+$0x0] =	vst v13;
	v53 =	vshra.s32 v7, $0x1F;
	v60 =	vand.u32 $0xFFFFFFF0, v15  }
0x18b: {  	v61 =	vshra.s32 v6, $0x14;
	[tilespmem:s20+$0xFFFFFFE0] =	vst v4;
	v8 =	vadd.s32 v2, v8;
	v11 =	vand.u32 $0x7FFFFFFF, v52  }
0x18c: {  	[tilespmem:s20+$0xFFFFFFD0] =	vst v6;
	v54 =	vshra.s32 v5, $0x14;
	v56 =	vand.u32 $0x7FFFFFFF, v53;
	v62 =	vand.u32 $0xFFFFFFF0, v61  }
0x18d: {  	[tilespmem:v10+s16+$0x0] =	vst.idx.add.s32.msk $0xffff, v3;
	v55 =	vxor.u32 v9, v11;
	v57 =	vand.u32 $0xFFFFFFF0, v54;
	v11 =	vadd.s32 v2, v60  }
0x18e: {  	[tilespmem:s20+$0xFFFFFFF0] =	vst v5;
	v58 =	vxor.u32 v7, v56;
	v63 =	vadd.s32 v2, v62;
	v9 =	vshra.s32 v55, $0x14  }
0x18f: {  	[tilespmem:s20+$0x20] =	vst v55;
	v59 =	vadd.s32 v2, v57;
	v7 =	vshra.s32 v58, $0x14;
	v4 =	vand.u32 $0xFFFFFFF0, v9  }
0x190: {  	[tilespmem:s20+$0x30] =	vst v58;
	v5 =	vand.u32 $0xFFFFFFF0, v7;
	v4 =	vadd.s32 v2, v4  }
0x191: {  	v5 =	vadd.s32 v2, v5;
	[tilespmem:v8+s16+$0x0] =	vst.idx.add.s32.msk $0xffff, v3  }
0x192: {  	[tilespmem:v11+s16+$0x0] =	vst.idx.add.s32.msk $0xffff, v3  }
0x193: {  	[tilespmem:v63+s16+$0x0] =	vst.idx.add.s32.msk $0xffff, v3  }
0x194: {  	[tilespmem:v59+s16+$0x0] =	vst.idx.add.s32.msk $0xffff, v3  }
0x195: {  	[tilespmem:v4+s16+$0x0] =	vst.idx.add.s32.msk $0xffff, v3  }
0x196: {  	s22 =	simm.s32 $0x0;
	[tilespmem:v5+s16+$0x0] =	vst.idx.add.s32.msk $0xffff, v3  }
.LBB2_32:
0x197: {  	v4 =	vld [tilespmem:s25+$0x0];
	_ =	sdelay $0x4  }
0x198: {  	(xrf0) =	vadd.scan.msk.s32 $0xffff, v4;
	_ =	sdelay $0x5  }
0x199: {  	v4, _, _ =	vpop (xrf0)  }
0x19a: {  	(v2sf) =	vpush v4, $0xF;
	_ =	sdelay $0xe  }
0x19b: {  	s21 =	spop (v2sf)  }
0x19c: {  	s20 =	smov.u32 s22;
	s22 =	sadd.s32 s22, s21  }
0x19d: {  	p0 =	slt.s32 s22, $0x1999  }
.Ltmp15:
0x19e: {  	_ = 	snop;
	(pc) =	sbr.rel @p0 .LBB2_32-.Ltmp15, $3  }
0x19f: {  	_ =	sdelay $0x1  }
0x1a0: {  	s19 =	sadd.s32 $0xFFFFFF00, s19;
	s24 =	sadd.s32 $0xFFFFFFFF, s24  }
0x1a1: {  	s25 =	sadd.s32 $0xFFFFFFF0, s25;
	s23 =	simm.s32 $0xFFFFFF80;
	s21 =	simm.s32 $0x18040  }
0x1a2: {  	[tilespmem:s21+$0xFFFFFFC0] =	vst v1  }
0x1a3: {  	[tilespmem:s21+$0x30] =	vst v1  }
0x1a4: {  	[tilespmem:s21+$0x20] =	vst v1  }
0x1a5: {  	[tilespmem:s21+$0x10] =	vst v1  }
0x1a6: {  	[tilespmem:s21+$0x0] =	vst v1  }
0x1a7: {  	[tilespmem:s21+$0xFFFFFFF0] =	vst v1  }
0x1a8: {  	s22 =	sadd.s32 $0x80, s23;
	[tilespmem:s21+$0xFFFFFFE0] =	vst v1  }
.LBB2_34:
0x1a9: {  	s22 =	sadd.s32 $0x80, s22;
	[tilespmem:s21+$0xFFFFFFD0] =	vst v1;
	s21 =	sadd.s32 $0x80, s21  }
0x1aa: {  	[tilespmem:s21+$0xFFFFFFC0] =	vst v1;
	p0 =	slt.u32 s22, $0xF80  }
0x1ab: {  	[tilespmem:s21+$0x30] =	vst v1  }
.Ltmp16:
0x1ac: {  	[tilespmem:s21+$0x20] =	vst v1;
	(pc) =	sbr.rel @p0 .LBB2_34-.Ltmp16, $4  }
0x1ad: {  	[tilespmem:s21+$0x10] =	vst v1  }
0x1ae: {  	[tilespmem:s21+$0x0] =	vst v1  }
0x1af: {  	[tilespmem:s21+$0xFFFFFFF0] =	vst v1  }
0x1b0: {  	[tilespmem:s21+$0xFFFFFFE0] =	vst v1  }
0x1b1: {  	[tilespmem:s21+$0xFFFFFFD0] =	vst v1;
	s31 =	simm.s32 $0x10040  }
0x1b2: {  	v5 =	vld [tilespmem:s31+$0xFFFFFFC0]  }
0x1b3: {  	v7 =	vld [tilespmem:s31+$0x30]  }
0x1b4: {  	v6 =	vld [tilespmem:s31+$0xFFFFFFF0];
	_ =	sdelay $0x2  }
0x1b5: {  	v4 =	vmov s24;
	v11 =	vld [tilespmem:s31+$0xFFFFFFE0];
	v8 =	vshra.s32 v5, $0x18;
	v5 =	vshrl.u32 v5, $0xC  }
0x1b6: {  	v9 =	vld [tilespmem:s31+$0x0];
	v10 =	vshrl.u32 v7, $0xC;
	vm0 =	veq.s32 v8, v4;
	v5 =	vand.u32 $0xFF0, v5  }
0x1b7: {  	v8 =	vshrl.u32 v6, $0xC;
	v6 =	vshra.s32 v6, $0x18;
	v12 =	vor.u32 v0, v5  }
0x1b8: {  	v7 =	vshra.s32 v7, $0x18;
	v8 =	vand.u32 $0xFF0, v8;
	v5 =	vld [tilespmem:s31+$0x20];
	vm1 =	veq.s32 v6, v4  }
0x1b9: {  	v13 =	vand.u32 $0xFF0, v10;
	vm2 =	veq.s32 v7, v4;
	v6 =	vld [tilespmem:s31+$0xFFFFFFD0];
	v8 =	vor.u32 v0, v8  }
0x1ba: {  	v7 =	vor.u32 v0, v13  }
0x1bb: {  	v14 =	vshrl.u32 v9, $0xC;
	v10 =	vshrl.u32 v11, $0xC;
	v13 =	vshra.s32 v9, $0x18;
	v9 =	vld [tilespmem:s31+$0x10]  }
0x1bc: {  	s21 =	simm.s32 $0x0;
	s22 =	simm.s32 $0x100C0;
	v11 =	vshra.s32 v11, $0x18;
	[tilespmem:v12+s16+$0x0] =	vst.idx.add.s32.msk vm0, v3;
	vm0 =	veq.s32 v13, v4;
	v12 =	vand.u32 $0xFF0, v14  }
.LBB2_36:
0x1bd: {  	v13 =	vld [tilespmem:s22+$0xFFFFFFF0];
	s21 =	sadd.s32 $0x80, s21;
	vm5 =	veq.s32 v11, v4;
	v10 =	vand.u32 $0xFF0, v10;
	v11 =	vor.u32 v0, v12  }
0x1be: {  	v12 =	vshra.s32 v6, $0x18;
	p0 =	slt.u32 s21, $0x7F80;
	v10 =	vor.u32 v0, v10;
	[tilespmem:v8+s16+$0x0] =	vst.idx.add.s32.msk vm1, v3;
	v8 =	vshra.s32 v5, $0x18  }
0x1bf: {  	vm4 =	veq.s32 v12, v4;
	v5 =	vshrl.u32 v5, $0xC;
	vm3 =	veq.s32 v8, v4;
	[tilespmem:v7+s16+$0x0] =	vst.idx.add.s32.msk vm2, v3  }
0x1c0: {  	v6 =	vshrl.u32 v6, $0xC;
	v5 =	vand.u32 $0xFF0, v5;
	v7 =	vld [tilespmem:s22+$0xFFFFFFC0];
	v8 =	vshrl.u32 v9, $0xC  }
0x1c1: {  	v6 =	vand.u32 $0xFF0, v6;
	v9 =	vshra.s32 v9, $0x18;
	v14 =	vor.u32 v0, v5;
	v12 =	vld [tilespmem:s22+$0x30]  }
0x1c2: {  	vm6 =	veq.s32 v9, v4;
	v8 =	vand.u32 $0xFF0, v8;
	v15 =	vshrl.u32 v13, $0xC;
	v5 =	vld [tilespmem:s22+$0x20]  }
0x1c3: {  	v16 =	vor.u32 v0, v6;
	v17 =	vor.u32 v0, v8;
	v9 =	vld [tilespmem:s22+$0xFFFFFFE0]  }
0x1c4: {  	[tilespmem:v10+s16+$0x0] =	vst.idx.add.s32.msk vm5, v3  }
0x1c5: {  	v6 =	vshra.s32 v7, $0x18;
	v7 =	vshrl.u32 v7, $0xC;
	[tilespmem:v11+s16+$0x0] =	vst.idx.add.s32.msk vm0, v3  }
0x1c6: {  	vm0 =	veq.s32 v6, v4;
	v6 =	vand.u32 $0xFF0, v7;
	v7 =	vshra.s32 v13, $0x18;
	v13 =	vld [tilespmem:s22+$0x0]  }
0x1c7: {  	v8 =	vand.u32 $0xFF0, v15;
	v10 =	vshrl.u32 v12, $0xC;
	v18 =	vor.u32 v0, v6;
	v6 =	vld [tilespmem:s22+$0xFFFFFFD0]  }
.Ltmp17:
0x1c8: {  	vm1 =	veq.s32 v7, v4;
	v7 =	vshra.s32 v12, $0x18;
	v11 =	vand.u32 $0xFF0, v10;
	[tilespmem:v16+s16+$0x0] =	vst.idx.add.s32.msk vm4, v3;
	(pc) =	sbr.rel @p0 .LBB2_36-.Ltmp17, $4  }
0x1c9: {  	v8 =	vor.u32 v0, v8;
	vm2 =	veq.s32 v7, v4;
	[tilespmem:v14+s16+$0x0] =	vst.idx.add.s32.msk vm3, v3  }
0x1ca: {  	v10 =	vshrl.u32 v9, $0xC;
	v7 =	vor.u32 v0, v11;
	[tilespmem:v17+s16+$0x0] =	vst.idx.add.s32.msk vm6, v3  }
0x1cb: {  	v11 =	vshra.s32 v9, $0x18;
	v12 =	vshra.s32 v13, $0x18;
	v13 =	vshrl.u32 v13, $0xC;
	v9 =	vld [tilespmem:s22+$0x10]  }
0x1cc: {  	s22 =	sadd.s32 $0x80, s22;
	[tilespmem:v18+s16+$0x0] =	vst.idx.add.s32.msk vm0, v3;
	vm0 =	veq.s32 v12, v4;
	v12 =	vand.u32 $0xFF0, v13  }
0x1cd: {  	vm3 =	veq.s32 v11, v4;
	v10 =	vand.u32 $0xFF0, v10;
	v59 =	vshra.s32 v6, $0x18  }
0x1ce: {  	v12 =	vor.u32 v0, v12;
	v60 =	vshra.s32 v5, $0x18;
	v61 =	vshrl.u32 v6, $0xC  }
0x1cf: {  	v5 =	vshrl.u32 v5, $0xC;
	vm4 =	veq.s32 v59, v4;
	v10 =	vor.u32 v0, v10  }
0x1d0: {  	vm5 =	veq.s32 v60, v4;
	v6 =	vand.u32 $0xFF0, v61;
	v5 =	vand.u32 $0xFF0, v5  }
0x1d1: {  	v6 =	vor.u32 v0, v6;
	v62 =	vshrl.u32 v9, $0xC;
	v63 =	vshra.s32 v9, $0x18  }
0x1d2: {  	[tilespmem:v8+s16+$0x0] =	vst.idx.add.s32.msk vm1, v3;
	v5 =	vor.u32 v0, v5;
	vm15 =	veq.s32 v63, v4;
	v4 =	vand.u32 $0xFF0, v62  }
0x1d3: {  	[tilespmem:v7+s16+$0x0] =	vst.idx.add.s32.msk vm2, v3;
	v4 =	vor.u32 v0, v4  }
0x1d4: {  	[tilespmem:v12+s16+$0x0] =	vst.idx.add.s32.msk vm0, v3  }
0x1d5: {  	[tilespmem:v10+s16+$0x0] =	vst.idx.add.s32.msk vm3, v3  }
0x1d6: {  	[tilespmem:v6+s16+$0x0] =	vst.idx.add.s32.msk vm4, v3  }
0x1d7: {  	s20 =	ssub.s32 $0x1999, s20;
	[tilespmem:v5+s16+$0x0] =	vst.idx.add.s32.msk vm5, v3  }
0x1d8: {  	s25 =	simm.s32 $0x0;
	s21 =	simm.s32 $0x100;
	s24 =	simm.s32 $0x18FF0;
	[tilespmem:v4+s16+$0x0] =	vst.idx.add.s32.msk vm15, v3  }
.LBB2_38:
0x1d9: {  	v4 =	vld [tilespmem:s24+$0x0];
	_ =	sdelay $0x4  }
0x1da: {  	(xrf0) =	vadd.scan.msk.s32 $0xffff, v4;
	_ =	sdelay $0x5  }
0x1db: {  	v4, _, _ =	vpop (xrf0)  }
0x1dc: {  	(v2sf) =	vpush v4, $0xF;
	_ =	sdelay $0xe  }
0x1dd: {  	s23 =	spop (v2sf)  }
0x1de: {  	s22 =	smov.u32 s25;
	s25 =	sadd.s32 s25, s23  }
0x1df: {  	p0 =	slt.s32 s25, s20  }
.Ltmp18:
0x1e0: {  	_ = 	snop;
	(pc) =	sbr.rel @p0 .LBB2_38-.Ltmp18, $3  }
0x1e1: {  	_ =	sdelay $0x1  }
0x1e2: {  	s21 =	sadd.s32 $0xFFFFFFFF, s21  }
0x1e3: {  	s24 =	sadd.s32 $0xFFFFFFF0, s24;
	s26 =	simm.s32 $0xFFFFFF80;
	s23 =	simm.s32 $0x18040  }
0x1e4: {  	[tilespmem:s23+$0xFFFFFFC0] =	vst v1  }
0x1e5: {  	[tilespmem:s23+$0x30] =	vst v1  }
0x1e6: {  	[tilespmem:s23+$0x20] =	vst v1  }
0x1e7: {  	[tilespmem:s23+$0x10] =	vst v1  }
0x1e8: {  	[tilespmem:s23+$0x0] =	vst v1  }
0x1e9: {  	[tilespmem:s23+$0xFFFFFFF0] =	vst v1  }
0x1ea: {  	s24 =	sadd.s32 $0x80, s26;
	[tilespmem:s23+$0xFFFFFFE0] =	vst v1  }
.LBB2_40:
0x1eb: {  	s24 =	sadd.s32 $0x80, s24;
	[tilespmem:s23+$0xFFFFFFD0] =	vst v1;
	s23 =	sadd.s32 $0x80, s23  }
0x1ec: {  	[tilespmem:s23+$0xFFFFFFC0] =	vst v1;
	p0 =	slt.u32 s24, $0xF80  }
0x1ed: {  	[tilespmem:s23+$0x30] =	vst v1  }
.Ltmp19:
0x1ee: {  	[tilespmem:s23+$0x20] =	vst v1;
	(pc) =	sbr.rel @p0 .LBB2_40-.Ltmp19, $4  }
0x1ef: {  	[tilespmem:s23+$0x10] =	vst v1  }
0x1f0: {  	[tilespmem:s23+$0x0] =	vst v1  }
0x1f1: {  	[tilespmem:s23+$0xFFFFFFF0] =	vst v1  }
0x1f2: {  	[tilespmem:s23+$0xFFFFFFE0] =	vst v1  }
0x1f3: {  	[tilespmem:s23+$0xFFFFFFD0] =	vst v1;
	s31 =	simm.s32 $0x10040  }
0x1f4: {  	v5 =	vld [tilespmem:s31+$0xFFFFFFC0]  }
0x1f5: {  	v7 =	vld [tilespmem:s31+$0x30]  }
0x1f6: {  	v6 =	vld [tilespmem:s31+$0xFFFFFFF0];
	_ =	sdelay $0x1  }
0x1f7: {  	s21 =	sor.u32 s19, s21  }
0x1f8: {  	v4 =	vmov s21;
	v11 =	vld [tilespmem:s31+$0xFFFFFFE0];
	v8 =	vshra.s32 v5, $0x10;
	v5 =	vshrl.u32 v5, $0x4  }
0x1f9: {  	v9 =	vld [tilespmem:s31+$0x0];
	v10 =	vshrl.u32 v7, $0x4;
	vm0 =	veq.s32 v8, v4;
	v5 =	vand.u32 $0xFF0, v5  }
0x1fa: {  	v8 =	vshrl.u32 v6, $0x4;
	v6 =	vshra.s32 v6, $0x10;
	v12 =	vor.u32 v0, v5  }
0x1fb: {  	v7 =	vshra.s32 v7, $0x10;
	v8 =	vand.u32 $0xFF0, v8;
	v5 =	vld [tilespmem:s31+$0x20];
	vm1 =	veq.s32 v6, v4  }
0x1fc: {  	v13 =	vand.u32 $0xFF0, v10;
	vm2 =	veq.s32 v7, v4;
	v6 =	vld [tilespmem:s31+$0xFFFFFFD0];
	v8 =	vor.u32 v0, v8  }
0x1fd: {  	v7 =	vor.u32 v0, v13  }
0x1fe: {  	v14 =	vshrl.u32 v9, $0x4;
	v10 =	vshrl.u32 v11, $0x4;
	v13 =	vshra.s32 v9, $0x10;
	v9 =	vld [tilespmem:s31+$0x10]  }
0x1ff: {  	s19 =	simm.s32 $0x0;
	s23 =	simm.s32 $0x100C0;
	v11 =	vshra.s32 v11, $0x10;
	[tilespmem:v12+s16+$0x0] =	vst.idx.add.s32.msk vm0, v3;
	vm0 =	veq.s32 v13, v4;
	v12 =	vand.u32 $0xFF0, v14  }
.LBB2_42:
0x200: {  	v13 =	vld [tilespmem:s23+$0xFFFFFFF0];
	s19 =	sadd.s32 $0x80, s19;
	vm5 =	veq.s32 v11, v4;
	v10 =	vand.u32 $0xFF0, v10;
	v11 =	vor.u32 v0, v12  }
0x201: {  	v12 =	vshra.s32 v6, $0x10;
	p0 =	slt.u32 s19, $0x7F80;
	v10 =	vor.u32 v0, v10;
	[tilespmem:v8+s16+$0x0] =	vst.idx.add.s32.msk vm1, v3;
	v8 =	vshra.s32 v5, $0x10  }
0x202: {  	vm4 =	veq.s32 v12, v4;
	v5 =	vshrl.u32 v5, $0x4;
	vm3 =	veq.s32 v8, v4;
	[tilespmem:v7+s16+$0x0] =	vst.idx.add.s32.msk vm2, v3  }
0x203: {  	v6 =	vshrl.u32 v6, $0x4;
	v5 =	vand.u32 $0xFF0, v5;
	v7 =	vld [tilespmem:s23+$0xFFFFFFC0];
	v8 =	vshrl.u32 v9, $0x4  }
0x204: {  	v6 =	vand.u32 $0xFF0, v6;
	v9 =	vshra.s32 v9, $0x10;
	v14 =	vor.u32 v0, v5;
	v12 =	vld [tilespmem:s23+$0x30]  }
0x205: {  	vm6 =	veq.s32 v9, v4;
	v8 =	vand.u32 $0xFF0, v8;
	v15 =	vshrl.u32 v13, $0x4;
	v5 =	vld [tilespmem:s23+$0x20]  }
0x206: {  	v16 =	vor.u32 v0, v6;
	v17 =	vor.u32 v0, v8;
	v9 =	vld [tilespmem:s23+$0xFFFFFFE0]  }
0x207: {  	[tilespmem:v10+s16+$0x0] =	vst.idx.add.s32.msk vm5, v3  }
0x208: {  	v6 =	vshra.s32 v7, $0x10;
	v7 =	vshrl.u32 v7, $0x4;
	[tilespmem:v11+s16+$0x0] =	vst.idx.add.s32.msk vm0, v3  }
0x209: {  	vm0 =	veq.s32 v6, v4;
	v6 =	vand.u32 $0xFF0, v7;
	v7 =	vshra.s32 v13, $0x10;
	v13 =	vld [tilespmem:s23+$0x0]  }
0x20a: {  	v8 =	vand.u32 $0xFF0, v15;
	v10 =	vshrl.u32 v12, $0x4;
	v18 =	vor.u32 v0, v6;
	v6 =	vld [tilespmem:s23+$0xFFFFFFD0]  }
.Ltmp20:
0x20b: {  	vm1 =	veq.s32 v7, v4;
	v7 =	vshra.s32 v12, $0x10;
	v11 =	vand.u32 $0xFF0, v10;
	[tilespmem:v16+s16+$0x0] =	vst.idx.add.s32.msk vm4, v3;
	(pc) =	sbr.rel @p0 .LBB2_42-.Ltmp20, $4  }
0x20c: {  	v8 =	vor.u32 v0, v8;
	vm2 =	veq.s32 v7, v4;
	[tilespmem:v14+s16+$0x0] =	vst.idx.add.s32.msk vm3, v3  }
0x20d: {  	v10 =	vshrl.u32 v9, $0x4;
	v7 =	vor.u32 v0, v11;
	[tilespmem:v17+s16+$0x0] =	vst.idx.add.s32.msk vm6, v3  }
0x20e: {  	v11 =	vshra.s32 v9, $0x10;
	v12 =	vshra.s32 v13, $0x10;
	v13 =	vshrl.u32 v13, $0x4;
	v9 =	vld [tilespmem:s23+$0x10]  }
0x20f: {  	s23 =	sadd.s32 $0x80, s23;
	[tilespmem:v18+s16+$0x0] =	vst.idx.add.s32.msk vm0, v3;
	vm0 =	veq.s32 v12, v4;
	v12 =	vand.u32 $0xFF0, v13  }
0x210: {  	vm3 =	veq.s32 v11, v4;
	v10 =	vand.u32 $0xFF0, v10;
	v59 =	vshra.s32 v6, $0x10  }
0x211: {  	v12 =	vor.u32 v0, v12;
	v60 =	vshra.s32 v5, $0x10;
	v61 =	vshrl.u32 v6, $0x4  }
0x212: {  	v5 =	vshrl.u32 v5, $0x4;
	vm4 =	veq.s32 v59, v4;
	v10 =	vor.u32 v0, v10  }
0x213: {  	vm5 =	veq.s32 v60, v4;
	v6 =	vand.u32 $0xFF0, v61;
	v5 =	vand.u32 $0xFF0, v5  }
0x214: {  	v6 =	vor.u32 v0, v6;
	v62 =	vshrl.u32 v9, $0x4;
	v63 =	vshra.s32 v9, $0x10  }
0x215: {  	[tilespmem:v8+s16+$0x0] =	vst.idx.add.s32.msk vm1, v3;
	v5 =	vor.u32 v0, v5;
	vm15 =	veq.s32 v63, v4;
	v4 =	vand.u32 $0xFF0, v62  }
0x216: {  	[tilespmem:v7+s16+$0x0] =	vst.idx.add.s32.msk vm2, v3;
	v4 =	vor.u32 v0, v4  }
0x217: {  	[tilespmem:v12+s16+$0x0] =	vst.idx.add.s32.msk vm0, v3  }
0x218: {  	[tilespmem:v10+s16+$0x0] =	vst.idx.add.s32.msk vm3, v3  }
0x219: {  	[tilespmem:v6+s16+$0x0] =	vst.idx.add.s32.msk vm4, v3  }
0x21a: {  	s19 =	ssub.s32 s20, s22;
	[tilespmem:v5+s16+$0x0] =	vst.idx.add.s32.msk vm5, v3  }
0x21b: {  	s25 =	simm.s32 $0x0;
	s22 =	simm.s32 $0x100;
	s24 =	simm.s32 $0x18FF0;
	[tilespmem:v4+s16+$0x0] =	vst.idx.add.s32.msk vm15, v3  }
.LBB2_44:
0x21c: {  	v4 =	vld [tilespmem:s24+$0x0];
	_ =	sdelay $0x4  }
0x21d: {  	(xrf0) =	vadd.scan.msk.s32 $0xffff, v4;
	_ =	sdelay $0x5  }
0x21e: {  	v4, _, _ =	vpop (xrf0)  }
0x21f: {  	(v2sf) =	vpush v4, $0xF;
	_ =	sdelay $0xe  }
0x220: {  	s23 =	spop (v2sf)  }
0x221: {  	s20 =	smov.u32 s25;
	s25 =	sadd.s32 s25, s23  }
0x222: {  	p0 =	slt.s32 s25, s19  }
.Ltmp21:
0x223: {  	_ = 	snop;
	(pc) =	sbr.rel @p0 .LBB2_44-.Ltmp21, $3  }
0x224: {  	_ =	sdelay $0x1  }
0x225: {  	s22 =	sadd.s32 $0xFFFFFFFF, s22  }
0x226: {  	s24 =	sadd.s32 $0xFFFFFFF0, s24;
	s26 =	simm.s32 $0xFFFFFF80;
	s23 =	simm.s32 $0x18040  }
0x227: {  	[tilespmem:s23+$0xFFFFFFC0] =	vst v1  }
0x228: {  	[tilespmem:s23+$0x30] =	vst v1  }
0x229: {  	[tilespmem:s23+$0x20] =	vst v1  }
0x22a: {  	[tilespmem:s23+$0x10] =	vst v1  }
0x22b: {  	[tilespmem:s23+$0x0] =	vst v1  }
0x22c: {  	[tilespmem:s23+$0xFFFFFFF0] =	vst v1  }
0x22d: {  	s24 =	sadd.s32 $0x80, s26;
	[tilespmem:s23+$0xFFFFFFE0] =	vst v1  }
.LBB2_46:
0x22e: {  	s24 =	sadd.s32 $0x80, s24;
	[tilespmem:s23+$0xFFFFFFD0] =	vst v1;
	s23 =	sadd.s32 $0x80, s23  }
0x22f: {  	[tilespmem:s23+$0xFFFFFFC0] =	vst v1;
	p0 =	slt.u32 s24, $0xF80  }
0x230: {  	[tilespmem:s23+$0x30] =	vst v1  }
.Ltmp22:
0x231: {  	[tilespmem:s23+$0x20] =	vst v1;
	(pc) =	sbr.rel @p0 .LBB2_46-.Ltmp22, $4  }
0x232: {  	[tilespmem:s23+$0x10] =	vst v1  }
0x233: {  	[tilespmem:s23+$0x0] =	vst v1  }
0x234: {  	[tilespmem:s23+$0xFFFFFFF0] =	vst v1  }
0x235: {  	[tilespmem:s23+$0xFFFFFFE0] =	vst v1  }
0x236: {  	[tilespmem:s23+$0xFFFFFFD0] =	vst v1;
	s31 =	simm.s32 $0x10040  }
0x237: {  	v5 =	vld [tilespmem:s31+$0x30]  }
0x238: {  	v6 =	vld [tilespmem:s31+$0xFFFFFFD0]  }
0x239: {  	v7 =	vld [tilespmem:s31+$0xFFFFFFE0]  }
0x23a: {  	v8 =	vld [tilespmem:s31+$0xFFFFFFF0]  }
0x23b: {  	s21 =	sshll.u32 s21, $0x8;
	v13 =	vld [tilespmem:s31+$0xFFFFFFC0]  }
0x23c: {  	s21 =	sor.u32 s21, s22  }
0x23d: {  	v10 =	vld [tilespmem:s31+$0x0];
	v4 =	vmov s21;
	v9 =	vshra.s32 v5, $0x8;
	v5 =	vshll.u32 v5, $0x4  }
0x23e: {  	v12 =	vld [tilespmem:s31+$0x10];
	v11 =	vshll.u32 v6, $0x4;
	v16 =	vshra.s32 v6, $0x8;
	v6 =	vshll.u32 v7, $0x4  }
0x23f: {  	v18 =	vshra.s32 v7, $0x8;
	v7 =	vshll.u32 v8, $0x4;
	v8 =	vshra.s32 v8, $0x8  }
0x240: {  	v14 =	vld [tilespmem:s31+$0x20];
	v20 =	vshra.s32 v13, $0x8;
	v15 =	vshll.u32 v13, $0x4;
	vm1 =	veq.s32 v9, v4  }
0x241: {  	v5 =	vor.u32 v0, v5;
	v17 =	vor.u32 v0, v11;
	v19 =	vor.u32 v0, v6  }
0x242: {  	v6 =	vshll.u32 v10, $0x4;
	v9 =	vor.u32 v0, v7;
	v5 =	vand.u32 $0xFFF, v5  }
0x243: {  	v10 =	vshra.s32 v10, $0x8;
	v7 =	vshll.u32 v12, $0x4;
	v12 =	vshra.s32 v12, $0x8  }
0x244: {  	vm2 =	veq.s32 v20, v4;
	vm0 =	veq.s32 v16, v4;
	v11 =	vor.u32 v0, v6  }
0x245: {  	v6 =	vshll.u32 v14, $0x4;
	v13 =	vor.u32 v0, v7;
	v7 =	vor.u32 v0, v15  }
0x246: {  	v15 =	vshra.s32 v14, $0x8;
	v14 =	vor.u32 v0, v6;
	v6 =	vand.u32 $0xFFF, v7  }
0x247: {  	s23 =	simm.s32 $0x100C0;
	s22 =	simm.s32 $0x0;
	v7 =	vand.u32 $0xFFF, v17;
	[tilespmem:v5+s16+$0x0] =	vst.idx.add.s32.msk vm1, v3;
	vm1 =	veq.s32 v18, v4;
	v5 =	vand.u32 $0xFFF, v19  }
.LBB2_48:
0x248: {  	v16 =	vld [tilespmem:s23+$0x30];
	s22 =	sadd.s32 $0x80, s22;
	vm6 =	veq.s32 v8, v4;
	v17 =	vand.u32 $0xFFF, v9;
	vm4 =	veq.s32 v10, v4  }
0x249: {  	v18 =	vand.u32 $0xFFF, v11;
	vm5 =	veq.s32 v12, v4;
	v19 =	vand.u32 $0xFFF, v13;
	v8 =	vld [tilespmem:s23+$0xFFFFFFD0];
	p0 =	slt.u32 s22, $0x7F80  }
0x24a: {  	vm3 =	veq.s32 v15, v4;
	v20 =	vand.u32 $0xFFF, v14;
	v9 =	vld [tilespmem:s23+$0xFFFFFFE0]  }
0x24b: {  	v10 =	vld [tilespmem:s23+$0xFFFFFFF0]  }
0x24c: {  	v11 =	vld [tilespmem:s23+$0x0]  }
0x24d: {  	v12 =	vld [tilespmem:s23+$0x10];
	v13 =	vshra.s32 v16, $0x8;
	v14 =	vshll.u32 v16, $0x4  }
0x24e: {  	v15 =	vshll.u32 v8, $0x4;
	v16 =	vld [tilespmem:s23+$0x20];
	vm7 =	veq.s32 v13, v4;
	v13 =	vor.u32 v0, v14  }
0x24f: {  	v21 =	vshra.s32 v8, $0x8;
	v14 =	vld [tilespmem:s23+$0xFFFFFFC0];
	v8 =	vshll.u32 v9, $0x4;
	v22 =	vand.u32 $0xFFF, v13  }
0x250: {  	v23 =	vor.u32 v0, v15;
	v24 =	vshra.s32 v9, $0x8;
	v9 =	vshll.u32 v10, $0x4;
	[tilespmem:v6+s16+$0x0] =	vst.idx.add.s32.msk vm2, v3  }
0x251: {  	v25 =	vor.u32 v0, v8;
	v8 =	vshra.s32 v10, $0x8;
	v6 =	vshll.u32 v11, $0x4;
	[tilespmem:v7+s16+$0x0] =	vst.idx.add.s32.msk vm0, v3  }
0x252: {  	v9 =	vor.u32 v0, v9;
	v10 =	vshra.s32 v11, $0x8;
	v7 =	vshll.u32 v12, $0x4;
	[tilespmem:v5+s16+$0x0] =	vst.idx.add.s32.msk vm1, v3  }
.Ltmp23:
0x253: {  	v11 =	vor.u32 v0, v6;
	v12 =	vshra.s32 v12, $0x8;
	v5 =	vshll.u32 v16, $0x4;
	[tilespmem:v17+s16+$0x0] =	vst.idx.add.s32.msk vm6, v3;
	(pc) =	sbr.rel @p0 .LBB2_48-.Ltmp23, $4  }
0x254: {  	v13 =	vor.u32 v0, v7;
	v6 =	vshra.s32 v14, $0x8;
	v14 =	vshll.u32 v14, $0x4;
	[tilespmem:v22+s16+$0x0] =	vst.idx.add.s32.msk vm7, v3  }
0x255: {  	v15 =	vshra.s32 v16, $0x8;
	v7 =	vor.u32 v0, v14;
	v14 =	vor.u32 v0, v5;
	[tilespmem:v18+s16+$0x0] =	vst.idx.add.s32.msk vm4, v3  }
0x256: {  	vm0 =	veq.s32 v21, v4;
	vm2 =	veq.s32 v6, v4;
	v6 =	vand.u32 $0xFFF, v7;
	[tilespmem:v19+s16+$0x0] =	vst.idx.add.s32.msk vm5, v3  }
0x257: {  	s23 =	sadd.s32 $0x80, s23;
	vm1 =	veq.s32 v24, v4;
	v5 =	vand.u32 $0xFFF, v25;
	v7 =	vand.u32 $0xFFF, v23;
	[tilespmem:v20+s16+$0x0] =	vst.idx.add.s32.msk vm3, v3  }
0x258: {  	_ =	sdelay $0x1  }
0x259: {  	vm3 =	veq.s32 v8, v4  }
0x25a: {  	v61 =	vand.u32 $0xFFF, v9;
	vm4 =	veq.s32 v10, v4  }
0x25b: {  	v62 =	vand.u32 $0xFFF, v11;
	vm5 =	veq.s32 v12, v4  }
0x25c: {  	v63 =	vand.u32 $0xFFF, v13;
	vm6 =	veq.s32 v15, v4;
	[tilespmem:v6+s16+$0x0] =	vst.idx.add.s32.msk vm2, v3  }
0x25d: {  	v4 =	vand.u32 $0xFFF, v14;
	[tilespmem:v7+s16+$0x0] =	vst.idx.add.s32.msk vm0, v3  }
0x25e: {  	[tilespmem:v5+s16+$0x0] =	vst.idx.add.s32.msk vm1, v3  }
0x25f: {  	[tilespmem:v61+s16+$0x0] =	vst.idx.add.s32.msk vm3, v3  }
0x260: {  	[tilespmem:v62+s16+$0x0] =	vst.idx.add.s32.msk vm4, v3  }
0x261: {  	s19 =	ssub.s32 s19, s20;
	[tilespmem:v63+s16+$0x0] =	vst.idx.add.s32.msk vm5, v3  }
0x262: {  	s20 =	simm.s32 $0x0;
	s22 =	simm.s32 $0x100;
	s23 =	simm.s32 $0x18FF0;
	[tilespmem:v4+s16+$0x0] =	vst.idx.add.s32.msk vm6, v3  }
.LBB2_50:
0x263: {  	v4 =	vld [tilespmem:s23+$0x0];
	_ =	sdelay $0x4  }
0x264: {  	(xrf0) =	vadd.scan.msk.s32 $0xffff, v4;
	_ =	sdelay $0x5  }
0x265: {  	v4, _, _ =	vpop (xrf0)  }
0x266: {  	(v2sf) =	vpush v4, $0xF;
	_ =	sdelay $0xe  }
0x267: {  	s24 =	spop (v2sf)  }
0x268: {  	s20 =	sadd.s32 s20, s24  }
0x269: {  	p0 =	slt.s32 s20, s19  }
.Ltmp24:
0x26a: {  	_ = 	snop;
	(pc) =	sbr.rel @p0 .LBB2_50-.Ltmp24, $2  }
0x26b: {  	_ =	sdelay $0x2  }
0x26c: {  	s22 =	sadd.s32 $0xFFFFFFFF, s22;
	s23 =	sadd.s32 $0xFFFFFFF0, s23  }
0x26d: {  	s19 =	simm.s32 $0x8040  }
0x26e: {  	s20 =	simm.s32 $0x10040;
	v11 =	vld [tilespmem:s19+$0x30]  }
0x26f: {  	v12 =	vld [tilespmem:s20+$0x30]  }
0x270: {  	v10 =	vld [tilespmem:s19+$0xFFFFFFD0]  }
0x271: {  	v9 =	vld [tilespmem:s19+$0xFFFFFFE0]  }
0x272: {  	v8 =	vld [tilespmem:s19+$0xFFFFFFF0]  }
0x273: {  	v7 =	vld [tilespmem:s19+$0x0]  }
0x274: {  	v6 =	vld [tilespmem:s19+$0x10]  }
0x275: {  	v5 =	vld [tilespmem:s19+$0x20]  }
0x276: {  	v20 =	vld [tilespmem:s19+$0xFFFFFFC0]  }
0x277: {  	v17 =	vld [tilespmem:s20+$0xFFFFFFC0]  }
0x278: {  	s21 =	sshll.u32 s21, $0x8;
	v23 =	vld [tilespmem:s20+$0xFFFFFFD0]  }
0x279: {  	s21 =	sor.u32 s21, s22;
	v21 =	vld [tilespmem:s20+$0xFFFFFFE0];
	v13 =	vsub.f32 $1.000000000e+00, v11;
	v16 =	vsub.f32 $1.000000000e+00, v10  }
0x27a: {  	v18 =	vld [tilespmem:s20+$0xFFFFFFF0];
	v4 =	vmov s21;
	v15 =	vsub.f32 $1.000000000e+00, v9;
	v14 =	vsub.f32 $1.000000000e+00, v8  }
0x27b: {  	v19 =	vld [tilespmem:s20+$0x0];
	vm0 =	vlt.s32 v12, v4;
	v22 =	vsub.f32 $1.000000000e+00, v20;
	v12 =	vsub.f32 $1.000000000e+00, v6  }
0x27c: {  	v11 =	vsel vm0, v11, v13;
	v13 =	vsub.f32 $1.000000000e+00, v7;
	vm0 =	vlt.s32 v17, v4;
	v17 =	vld [tilespmem:s20+$0x10]  }
0x27d: {  	s22 =	simm.s32 $0x80C0;
	s21 =	simm.s32 $0x0;
	[tilespmem:s19+$0x30] =	vst v11;
	v11 =	vsub.f32 $1.000000000e+00, v5;
	v22 =	vsel vm0, v20, v22;
	vm0 =	vlt.s32 v23, v4;
	v20 =	vld [tilespmem:s20+$0x20]  }
.LBB2_52:
0x27e: {  	v23 =	vld [tilespmem:s22+$0x30];
	s21 =	sadd.s32 $0x80, s21;
	[tilespmem:s19+$0xFFFFFFC0] =	vst v22;
	v10 =	vsel vm0, v10, v16;
	vm0 =	vlt.s32 v21, v4;
	s20 =	sadd.s32 $0x80, s20  }
0x27f: {  	v16 =	vld [tilespmem:s20+$0x30];
	p0 =	slt.u32 s21, $0x7F80;
	[tilespmem:s19+$0xFFFFFFD0] =	vst v10;
	v9 =	vsel vm0, v9, v15;
	vm0 =	vlt.s32 v18, v4  }
0x280: {  	v10 =	vld [tilespmem:s22+$0xFFFFFFD0];
	[tilespmem:s19+$0xFFFFFFE0] =	vst v9;
	v8 =	vsel vm0, v8, v14;
	vm0 =	vlt.s32 v19, v4  }
0x281: {  	v9 =	vld [tilespmem:s22+$0xFFFFFFE0];
	[tilespmem:s19+$0xFFFFFFF0] =	vst v8;
	v7 =	vsel vm0, v7, v13;
	vm0 =	vlt.s32 v17, v4  }
0x282: {  	v8 =	vld [tilespmem:s22+$0xFFFFFFF0];
	[tilespmem:s19+$0x0] =	vst v7;
	v6 =	vsel vm0, v6, v12;
	vm0 =	vlt.s32 v20, v4  }
0x283: {  	v7 =	vld [tilespmem:s22+$0x0];
	v12 =	vsub.f32 $1.000000000e+00, v23;
	[tilespmem:s19+$0x10] =	vst v6;
	v5 =	vsel vm0, v5, v11  }
0x284: {  	v6 =	vld [tilespmem:s22+$0x10];
	vm0 =	vlt.s32 v16, v4;
	[tilespmem:s19+$0x20] =	vst v5;
	s19 =	smov.u32 s22  }
0x285: {  	v16 =	vsub.f32 $1.000000000e+00, v10;
	v5 =	vld [tilespmem:s22+$0x20];
	v11 =	vsel vm0, v23, v12  }
0x286: {  	v20 =	vld [tilespmem:s22+$0xFFFFFFC0];
	v15 =	vsub.f32 $1.000000000e+00, v9;
	[tilespmem:s22+$0x30] =	vst v11  }
0x287: {  	v17 =	vld [tilespmem:s20+$0xFFFFFFC0];
	v14 =	vsub.f32 $1.000000000e+00, v8  }
0x288: {  	v23 =	vld [tilespmem:s20+$0xFFFFFFD0];
	v13 =	vsub.f32 $1.000000000e+00, v7  }
.Ltmp25:
0x289: {  	v21 =	vld [tilespmem:s20+$0xFFFFFFE0];
	v12 =	vsub.f32 $1.000000000e+00, v6;
	(pc) =	sbr.rel @p0 .LBB2_52-.Ltmp25, $4  }
0x28a: {  	v18 =	vld [tilespmem:s20+$0xFFFFFFF0];
	v11 =	vsub.f32 $1.000000000e+00, v5  }
0x28b: {  	v22 =	vsub.f32 $1.000000000e+00, v20;
	v19 =	vld [tilespmem:s20+$0x0]  }
0x28c: {  	vm0 =	vlt.s32 v17, v4;
	v17 =	vld [tilespmem:s20+$0x10]  }
0x28d: {  	s22 =	sadd.s32 $0x80, s22;
	v22 =	vsel vm0, v20, v22;
	vm0 =	vlt.s32 v23, v4;
	v20 =	vld [tilespmem:s20+$0x20]  }
0x28e: {  	[tilespmem:s19+$0xFFFFFFC0] =	vst v22;
	v10 =	vsel vm0, v10, v16;
	vm11 =	vlt.s32 v21, v4  }
0x28f: {  	[tilespmem:s19+$0xFFFFFFD0] =	vst v10;
	v9 =	vsel vm11, v9, v15;
	vm12 =	vlt.s32 v18, v4  }
0x290: {  	[tilespmem:s19+$0xFFFFFFE0] =	vst v9;
	v8 =	vsel vm12, v8, v14;
	vm13 =	vlt.s32 v19, v4  }
0x291: {  	[tilespmem:s19+$0xFFFFFFF0] =	vst v8;
	v7 =	vsel vm13, v7, v13;
	vm14 =	vlt.s32 v17, v4  }
0x292: {  	[tilespmem:s19+$0x0] =	vst v7;
	v6 =	vsel vm14, v6, v12;
	vm15 =	vlt.s32 v20, v4  }
0x293: {  	[tilespmem:s19+$0x10] =	vst v6;
	v4 =	vsel vm15, v5, v11  }
0x294: {  	[tilespmem:s19+$0x20] =	vst v4  }
0x295: {  	[hbm4b:s7+s12] =	stream.strided.scatter [tilespmem:s15], [sflag:$0x2], $0x8000, s13, s12, $0x38;
	[tilespmem:$0x19000] =	vst v63  }
0x296: {  	_ =	swait.ge [sflag:s14], $0x8000  }
0x297: {  	[sflag:s14] =	ssyncset.done $0x0  }
0x298: {  	[sflag:s14] =	ssyncadd.s32 $0xFFFF8000  }
0x299: {  	_ =	swait.ge [sflag:s17], $0x8000  }
0x29a: {  	[sflag:s17] =	ssyncset.done $0x0  }
0x29b: {  	s19 =	simm.s32 $0x18040;
	[sflag:s17] =	ssyncadd.s32 $0xFFFF8000  }
0x29c: {  	[tilespmem:s15], [sflag:$0x1] =	stream.strided.gather [hbm4b:s8+s12], $0x8000, s13, s12, $0x38;
	[tilespmem:$0x19000] =	vst v63  }
0x29d: {  	[tilespmem:s19+$0xFFFFFFC0] =	vst v1  }
0x29e: {  	[tilespmem:s19+$0x30] =	vst v1  }
0x29f: {  	[tilespmem:s19+$0x20] =	vst v1  }
0x2a0: {  	[tilespmem:s19+$0x10] =	vst v1  }
0x2a1: {  	[tilespmem:s19+$0x0] =	vst v1  }
0x2a2: {  	[tilespmem:s19+$0xFFFFFFF0] =	vst v1  }
0x2a3: {  	s21 =	simm.s32 $0x0;
	[tilespmem:s19+$0xFFFFFFE0] =	vst v1  }
.LBB2_54:
0x2a4: {  	s21 =	sadd.s32 $0x80, s21;
	[tilespmem:s19+$0xFFFFFFD0] =	vst v1;
	s19 =	sadd.s32 $0x80, s19  }
0x2a5: {  	[tilespmem:s19+$0xFFFFFFC0] =	vst v1;
	p0 =	slt.u32 s21, $0xF80  }
0x2a6: {  	[tilespmem:s19+$0x30] =	vst v1  }
.Ltmp26:
0x2a7: {  	[tilespmem:s19+$0x20] =	vst v1;
	(pc) =	sbr.rel @p0 .LBB2_54-.Ltmp26, $4  }
0x2a8: {  	[tilespmem:s19+$0x10] =	vst v1  }
0x2a9: {  	[tilespmem:s19+$0x0] =	vst v1  }
0x2aa: {  	[tilespmem:s19+$0xFFFFFFF0] =	vst v1  }
0x2ab: {  	s20 =	simm.s32 $0x10040;
	[tilespmem:s19+$0xFFFFFFE0] =	vst v1  }
0x2ac: {  	[tilespmem:s19+$0xFFFFFFD0] =	vst v1;
	s31 =	simm.s32 $0x40  }
0x2ad: {  	v4 =	vld [tilespmem:s31+$0x10]  }
0x2ae: {  	v6 =	vld [tilespmem:s31+$0xFFFFFFE0]  }
0x2af: {  	v7 =	vld [tilespmem:s31+$0xFFFFFFC0];
	_ =	sdelay $0x1  }
0x2b0: {  	v9 =	vld [tilespmem:s31+$0x0]  }
0x2b1: {  	v8 =	vshra.s32 v4, $0x1F  }
0x2b2: {  	v10 =	vshra.s32 v6, $0x1F;
	v8 =	vand.u32 $0x7FFFFFFF, v8  }
0x2b3: {  	v14 =	vld [tilespmem:s31+$0xFFFFFFD0];
	v10 =	vand.u32 $0x7FFFFFFF, v10;
	v13 =	vxor.u32 v4, v8;
	v8 =	vshra.s32 v7, $0x1F  }
0x2b4: {  	v5 =	vld [tilespmem:s31+$0xFFFFFFF0];
	v4 =	vxor.u32 v6, v10;
	v10 =	vand.u32 $0x7FFFFFFF, v8  }
0x2b5: {  	v11 =	vxor.u32 v7, v10;
	v7 =	vshra.s32 v9, $0x1F  }
0x2b6: {  	v6 =	vshra.s32 v13, $0x14;
	v17 =	vand.u32 $0x7FFFFFFF, v7  }
0x2b7: {  	[tilespmem:s20+$0x10] =	vst v13;
	v6 =	vand.u32 $0xFFFFFFF0, v6;
	v13 =	vxor.u32 v9, v17;
	v9 =	vld [tilespmem:s31+$0x20]  }
0x2b8: {  	v10 =	vshra.s32 v11, $0x14;
	v12 =	vadd.s32 v2, v6  }
0x2b9: {  	v15 =	vshra.s32 v14, $0x1F;
	v16 =	vshra.s32 v5, $0x1F;
	v7 =	vld [tilespmem:s31+$0x30];
	v6 =	vand.u32 $0xFFFFFFF0, v10  }
0x2ba: {  	v8 =	vshra.s32 v4, $0x14;
	v10 =	vadd.s32 v2, v6;
	v6 =	vand.u32 $0x7FFFFFFF, v15  }
0x2bb: {  	s21 =	simm.s32 $0x0;
	s22 =	simm.s32 $0xC0;
	s23 =	simm.s32 $0x10040;
	v15 =	vshra.s32 v13, $0x14;
	v6 =	vxor.u32 v14, v6;
	v14 =	vand.u32 $0x7FFFFFFF, v16  }
.LBB2_56:
0x2bc: {  	v16 =	vld [tilespmem:s22+$0x10];
	s21 =	sadd.s32 $0x80, s21;
	[tilespmem:s20+$0xFFFFFFC0] =	vst v11;
	v8 =	vand.u32 $0xFFFFFFF0, v8;
	v11 =	vand.u32 $0xFFFFFFF0, v15;
	v15 =	vshra.s32 v9, $0x1F;
	s23 =	sadd.s32 $0x80, s23  }
0x2bd: {  	p0 =	slt.u32 s21, $0x7F80;
	v8 =	vadd.s32 v2, v8;
	v17 =	vadd.s32 v2, v11;
	[tilespmem:v12+s16+$0x0] =	vst.idx.add.s32.msk $0xffff, v3;
	v11 =	vand.u32 $0x7FFFFFFF, v15  }
0x2be: {  	v14 =	vxor.u32 v5, v14;
	v12 =	vld [tilespmem:s22+$0xFFFFFFE0];
	[tilespmem:s20+$0x0] =	vst v13;
	v5 =	vxor.u32 v9, v11;
	v9 =	vshra.s32 v7, $0x1F  }
0x2bf: {  	[tilespmem:v10+s16+$0x0] =	vst.idx.add.s32.msk $0xffff, v3;
	v10 =	vshra.s32 v14, $0x14;
	v11 =	vshra.s32 v5, $0x14;
	v9 =	vand.u32 $0x7FFFFFFF, v9  }
0x2c0: {  	v15 =	vshra.s32 v6, $0x14;
	v13 =	vld [tilespmem:s22+$0xFFFFFFC0];
	v10 =	vand.u32 $0xFFFFFFF0, v10;
	[tilespmem:s20+$0x20] =	vst v5;
	v7 =	vxor.u32 v7, v9  }
0x2c1: {  	v5 =	vld [tilespmem:s22+$0xFFFFFFF0];
	v9 =	vshra.s32 v16, $0x1F;
	v10 =	vadd.s32 v2, v10;
	[tilespmem:s20+$0x30] =	vst v7;
	v7 =	vshra.s32 v7, $0x14  }
0x2c2: {  	v15 =	vand.u32 $0xFFFFFFF0, v15;
	v18 =	vld [tilespmem:s22+$0x0];
	v9 =	vand.u32 $0x7FFFFFFF, v9;
	[tilespmem:s20+$0xFFFFFFE0] =	vst v4;
	v19 =	vand.u32 $0xFFFFFFF0, v7  }
0x2c3: {  	v20 =	vld [tilespmem:s22+$0xFFFFFFD0];
	v4 =	vshra.s32 v12, $0x1F;
	v7 =	vxor.u32 v16, v9;
	[tilespmem:s20+$0xFFFFFFF0] =	vst v14;
	v9 =	vand.u32 $0xFFFFFFF0, v11  }
0x2c4: {  	v4 =	vand.u32 $0x7FFFFFFF, v4;
	[tilespmem:s23+$0x10] =	vst v7;
	v14 =	vshra.s32 v7, $0x14;
	v7 =	vld [tilespmem:s22+$0x30];
	v16 =	vadd.s32 v2, v9  }
0x2c5: {  	v15 =	vadd.s32 v2, v15;
	v9 =	vshra.s32 v13, $0x1F;
	v4 =	vxor.u32 v12, v4;
	[tilespmem:v8+s16+$0x0] =	vst.idx.add.s32.msk $0xffff, v3  }
0x2c6: {  	v19 =	vadd.s32 v2, v19;
	v9 =	vand.u32 $0x7FFFFFFF, v9;
	v8 =	vshra.s32 v4, $0x14;
	[tilespmem:v10+s16+$0x0] =	vst.idx.add.s32.msk $0xffff, v3  }
.Ltmp27:
0x2c7: {  	v12 =	vand.u32 $0xFFFFFFF0, v14;
	v11 =	vxor.u32 v13, v9;
	v10 =	vshra.s32 v18, $0x1F;
	v9 =	vld [tilespmem:s22+$0x20];
	[tilespmem:s20+$0xFFFFFFD0] =	vst v6;
	s20 =	smov.u32 s23;
	(pc) =	sbr.rel @p0 .LBB2_56-.Ltmp27, $4  }
0x2c8: {  	v12 =	vadd.s32 v2, v12;
	v6 =	vshra.s32 v11, $0x14;
	v13 =	vshra.s32 v20, $0x1F;
	[tilespmem:v17+s16+$0x0] =	vst.idx.add.s32.msk $0xffff, v3  }
0x2c9: {  	v14 =	vshra.s32 v5, $0x1F;
	v17 =	vand.u32 $0x7FFFFFFF, v10;
	v6 =	vand.u32 $0xFFFFFFF0, v6;
	[tilespmem:v16+s16+$0x0] =	vst.idx.add.s32.msk $0xffff, v3  }
0x2ca: {  	s25 =	simm.s32 $0x18FF0;
	v10 =	vadd.s32 v2, v6;
	v6 =	vand.u32 $0x7FFFFFFF, v13;
	v13 =	vxor.u32 v18, v17;
	[tilespmem:v15+s16+$0x0] =	vst.idx.add.s32.msk $0xffff, v3  }
0x2cb: {  	s19 =	simm.s32 $0x8000;
	s24 =	simm.s32 $0x80;
	v14 =	vand.u32 $0x7FFFFFFF, v14;
	s22 =	sadd.s32 $0x80, s22;
	v6 =	vxor.u32 v20, v6;
	v15 =	vshra.s32 v13, $0x14;
	[tilespmem:v19+s16+$0x0] =	vst.idx.add.s32.msk $0xffff, v3  }
0x2cc: {  	_ =	sdelay $0x2  }
0x2cd: {  	[tilespmem:s20+$0xFFFFFFC0] =	vst v11  }
0x2ce: {  	v8 =	vand.u32 $0xFFFFFFF0, v8;
	v52 =	vshra.s32 v9, $0x1F;
	[tilespmem:v12+s16+$0x0] =	vst.idx.add.s32.msk $0xffff, v3  }
0x2cf: {  	v5 =	vxor.u32 v5, v14;
	[tilespmem:s20+$0x0] =	vst v13;
	v53 =	vshra.s32 v7, $0x1F;
	v60 =	vand.u32 $0xFFFFFFF0, v15  }
0x2d0: {  	v61 =	vshra.s32 v6, $0x14;
	[tilespmem:s20+$0xFFFFFFE0] =	vst v4;
	v8 =	vadd.s32 v2, v8;
	v11 =	vand.u32 $0x7FFFFFFF, v52  }
0x2d1: {  	[tilespmem:s20+$0xFFFFFFD0] =	vst v6;
	v54 =	vshra.s32 v5, $0x14;
	v56 =	vand.u32 $0x7FFFFFFF, v53;
	v62 =	vand.u32 $0xFFFFFFF0, v61  }
0x2d2: {  	[tilespmem:v10+s16+$0x0] =	vst.idx.add.s32.msk $0xffff, v3;
	v55 =	vxor.u32 v9, v11;
	v57 =	vand.u32 $0xFFFFFFF0, v54;
	v11 =	vadd.s32 v2, v60  }
0x2d3: {  	[tilespmem:s20+$0xFFFFFFF0] =	vst v5;
	v58 =	vxor.u32 v7, v56;
	v63 =	vadd.s32 v2, v62;
	v9 =	vshra.s32 v55, $0x14  }
0x2d4: {  	[tilespmem:s20+$0x20] =	vst v55;
	v59 =	vadd.s32 v2, v57;
	v7 =	vshra.s32 v58, $0x14;
	v4 =	vand.u32 $0xFFFFFFF0, v9  }
0x2d5: {  	[tilespmem:s20+$0x30] =	vst v58;
	v5 =	vand.u32 $0xFFFFFFF0, v7;
	v4 =	vadd.s32 v2, v4  }
0x2d6: {  	v5 =	vadd.s32 v2, v5;
	[tilespmem:v8+s16+$0x0] =	vst.idx.add.s32.msk $0xffff, v3  }
0x2d7: {  	[tilespmem:v11+s16+$0x0] =	vst.idx.add.s32.msk $0xffff, v3  }
0x2d8: {  	[tilespmem:v63+s16+$0x0] =	vst.idx.add.s32.msk $0xffff, v3  }
0x2d9: {  	[tilespmem:v59+s16+$0x0] =	vst.idx.add.s32.msk $0xffff, v3  }
0x2da: {  	[tilespmem:v4+s16+$0x0] =	vst.idx.add.s32.msk $0xffff, v3  }
0x2db: {  	s22 =	simm.s32 $0x0;
	[tilespmem:v5+s16+$0x0] =	vst.idx.add.s32.msk $0xffff, v3  }
.LBB2_58:
0x2dc: {  	v4 =	vld [tilespmem:s25+$0x0];
	_ =	sdelay $0x4  }
0x2dd: {  	(xrf0) =	vadd.scan.msk.s32 $0xffff, v4;
	_ =	sdelay $0x5  }
0x2de: {  	v4, _, _ =	vpop (xrf0)  }
0x2df: {  	(v2sf) =	vpush v4, $0xF;
	_ =	sdelay $0xe  }
0x2e0: {  	s21 =	spop (v2sf)  }
0x2e1: {  	s20 =	smov.u32 s22;
	s22 =	sadd.s32 s22, s21  }
0x2e2: {  	p0 =	slt.s32 s22, $0x1999  }
.Ltmp28:
0x2e3: {  	_ = 	snop;
	(pc) =	sbr.rel @p0 .LBB2_58-.Ltmp28, $3  }
0x2e4: {  	_ =	sdelay $0x1  }
0x2e5: {  	s19 =	sadd.s32 $0xFFFFFF00, s19;
	s24 =	sadd.s32 $0xFFFFFFFF, s24  }
0x2e6: {  	s25 =	sadd.s32 $0xFFFFFFF0, s25;
	s23 =	simm.s32 $0xFFFFFF80;
	s21 =	simm.s32 $0x18040  }
0x2e7: {  	[tilespmem:s21+$0xFFFFFFC0] =	vst v1  }
0x2e8: {  	[tilespmem:s21+$0x30] =	vst v1  }
0x2e9: {  	[tilespmem:s21+$0x20] =	vst v1  }
0x2ea: {  	[tilespmem:s21+$0x10] =	vst v1  }
0x2eb: {  	[tilespmem:s21+$0x0] =	vst v1  }
0x2ec: {  	[tilespmem:s21+$0xFFFFFFF0] =	vst v1  }
0x2ed: {  	s22 =	sadd.s32 $0x80, s23;
	[tilespmem:s21+$0xFFFFFFE0] =	vst v1  }
.LBB2_60:
0x2ee: {  	s22 =	sadd.s32 $0x80, s22;
	[tilespmem:s21+$0xFFFFFFD0] =	vst v1;
	s21 =	sadd.s32 $0x80, s21  }
0x2ef: {  	[tilespmem:s21+$0xFFFFFFC0] =	vst v1;
	p0 =	slt.u32 s22, $0xF80  }
0x2f0: {  	[tilespmem:s21+$0x30] =	vst v1  }
.Ltmp29:
0x2f1: {  	[tilespmem:s21+$0x20] =	vst v1;
	(pc) =	sbr.rel @p0 .LBB2_60-.Ltmp29, $4  }
0x2f2: {  	[tilespmem:s21+$0x10] =	vst v1  }
0x2f3: {  	[tilespmem:s21+$0x0] =	vst v1  }
0x2f4: {  	[tilespmem:s21+$0xFFFFFFF0] =	vst v1  }
0x2f5: {  	[tilespmem:s21+$0xFFFFFFE0] =	vst v1  }
0x2f6: {  	[tilespmem:s21+$0xFFFFFFD0] =	vst v1;
	s31 =	simm.s32 $0x10040  }
0x2f7: {  	v5 =	vld [tilespmem:s31+$0xFFFFFFC0]  }
0x2f8: {  	v7 =	vld [tilespmem:s31+$0x30]  }
0x2f9: {  	v6 =	vld [tilespmem:s31+$0xFFFFFFF0];
	_ =	sdelay $0x2  }
0x2fa: {  	v4 =	vmov s24;
	v11 =	vld [tilespmem:s31+$0xFFFFFFE0];
	v8 =	vshra.s32 v5, $0x18;
	v5 =	vshrl.u32 v5, $0xC  }
0x2fb: {  	v9 =	vld [tilespmem:s31+$0x0];
	v10 =	vshrl.u32 v7, $0xC;
	vm0 =	veq.s32 v8, v4;
	v5 =	vand.u32 $0xFF0, v5  }
0x2fc: {  	v8 =	vshrl.u32 v6, $0xC;
	v6 =	vshra.s32 v6, $0x18;
	v12 =	vor.u32 v0, v5  }
0x2fd: {  	v7 =	vshra.s32 v7, $0x18;
	v8 =	vand.u32 $0xFF0, v8;
	v5 =	vld [tilespmem:s31+$0x20];
	vm1 =	veq.s32 v6, v4  }
0x2fe: {  	v13 =	vand.u32 $0xFF0, v10;
	vm2 =	veq.s32 v7, v4;
	v6 =	vld [tilespmem:s31+$0xFFFFFFD0];
	v8 =	vor.u32 v0, v8  }
0x2ff: {  	v7 =	vor.u32 v0, v13  }
0x300: {  	v14 =	vshrl.u32 v9, $0xC;
	v10 =	vshrl.u32 v11, $0xC;
	v13 =	vshra.s32 v9, $0x18;
	v9 =	vld [tilespmem:s31+$0x10]  }
0x301: {  	s21 =	simm.s32 $0x0;
	s22 =	simm.s32 $0x100C0;
	v11 =	vshra.s32 v11, $0x18;
	[tilespmem:v12+s16+$0x0] =	vst.idx.add.s32.msk vm0, v3;
	vm0 =	veq.s32 v13, v4;
	v12 =	vand.u32 $0xFF0, v14  }
.LBB2_62:
0x302: {  	v13 =	vld [tilespmem:s22+$0xFFFFFFF0];
	s21 =	sadd.s32 $0x80, s21;
	vm5 =	veq.s32 v11, v4;
	v10 =	vand.u32 $0xFF0, v10;
	v11 =	vor.u32 v0, v12  }
0x303: {  	v12 =	vshra.s32 v6, $0x18;
	p0 =	slt.u32 s21, $0x7F80;
	v10 =	vor.u32 v0, v10;
	[tilespmem:v8+s16+$0x0] =	vst.idx.add.s32.msk vm1, v3;
	v8 =	vshra.s32 v5, $0x18  }
0x304: {  	vm4 =	veq.s32 v12, v4;
	v5 =	vshrl.u32 v5, $0xC;
	vm3 =	veq.s32 v8, v4;
	[tilespmem:v7+s16+$0x0] =	vst.idx.add.s32.msk vm2, v3  }
0x305: {  	v6 =	vshrl.u32 v6, $0xC;
	v5 =	vand.u32 $0xFF0, v5;
	v7 =	vld [tilespmem:s22+$0xFFFFFFC0];
	v8 =	vshrl.u32 v9, $0xC  }
0x306: {  	v6 =	vand.u32 $0xFF0, v6;
	v9 =	vshra.s32 v9, $0x18;
	v14 =	vor.u32 v0, v5;
	v12 =	vld [tilespmem:s22+$0x30]  }
0x307: {  	vm6 =	veq.s32 v9, v4;
	v8 =	vand.u32 $0xFF0, v8;
	v15 =	vshrl.u32 v13, $0xC;
	v5 =	vld [tilespmem:s22+$0x20]  }
0x308: {  	v16 =	vor.u32 v0, v6;
	v17 =	vor.u32 v0, v8;
	v9 =	vld [tilespmem:s22+$0xFFFFFFE0]  }
0x309: {  	[tilespmem:v10+s16+$0x0] =	vst.idx.add.s32.msk vm5, v3  }
0x30a: {  	v6 =	vshra.s32 v7, $0x18;
	v7 =	vshrl.u32 v7, $0xC;
	[tilespmem:v11+s16+$0x0] =	vst.idx.add.s32.msk vm0, v3  }
0x30b: {  	vm0 =	veq.s32 v6, v4;
	v6 =	vand.u32 $0xFF0, v7;
	v7 =	vshra.s32 v13, $0x18;
	v13 =	vld [tilespmem:s22+$0x0]  }
0x30c: {  	v8 =	vand.u32 $0xFF0, v15;
	v10 =	vshrl.u32 v12, $0xC;
	v18 =	vor.u32 v0, v6;
	v6 =	vld [tilespmem:s22+$0xFFFFFFD0]  }
.Ltmp30:
0x30d: {  	vm1 =	veq.s32 v7, v4;
	v7 =	vshra.s32 v12, $0x18;
	v11 =	vand.u32 $0xFF0, v10;
	[tilespmem:v16+s16+$0x0] =	vst.idx.add.s32.msk vm4, v3;
	(pc) =	sbr.rel @p0 .LBB2_62-.Ltmp30, $4  }
0x30e: {  	v8 =	vor.u32 v0, v8;
	vm2 =	veq.s32 v7, v4;
	[tilespmem:v14+s16+$0x0] =	vst.idx.add.s32.msk vm3, v3  }
0x30f: {  	v10 =	vshrl.u32 v9, $0xC;
	v7 =	vor.u32 v0, v11;
	[tilespmem:v17+s16+$0x0] =	vst.idx.add.s32.msk vm6, v3  }
0x310: {  	v11 =	vshra.s32 v9, $0x18;
	v12 =	vshra.s32 v13, $0x18;
	v13 =	vshrl.u32 v13, $0xC;
	v9 =	vld [tilespmem:s22+$0x10]  }
0x311: {  	s22 =	sadd.s32 $0x80, s22;
	[tilespmem:v18+s16+$0x0] =	vst.idx.add.s32.msk vm0, v3;
	vm0 =	veq.s32 v12, v4;
	v12 =	vand.u32 $0xFF0, v13  }
0x312: {  	vm3 =	veq.s32 v11, v4;
	v10 =	vand.u32 $0xFF0, v10;
	v59 =	vshra.s32 v6, $0x18  }
0x313: {  	v12 =	vor.u32 v0, v12;
	v60 =	vshra.s32 v5, $0x18;
	v61 =	vshrl.u32 v6, $0xC  }
0x314: {  	v5 =	vshrl.u32 v5, $0xC;
	vm4 =	veq.s32 v59, v4;
	v10 =	vor.u32 v0, v10  }
0x315: {  	vm5 =	veq.s32 v60, v4;
	v6 =	vand.u32 $0xFF0, v61;
	v5 =	vand.u32 $0xFF0, v5  }
0x316: {  	v6 =	vor.u32 v0, v6;
	v62 =	vshrl.u32 v9, $0xC;
	v63 =	vshra.s32 v9, $0x18  }
0x317: {  	[tilespmem:v8+s16+$0x0] =	vst.idx.add.s32.msk vm1, v3;
	v5 =	vor.u32 v0, v5;
	vm15 =	veq.s32 v63, v4;
	v4 =	vand.u32 $0xFF0, v62  }
0x318: {  	[tilespmem:v7+s16+$0x0] =	vst.idx.add.s32.msk vm2, v3;
	v4 =	vor.u32 v0, v4  }
0x319: {  	[tilespmem:v12+s16+$0x0] =	vst.idx.add.s32.msk vm0, v3  }
0x31a: {  	[tilespmem:v10+s16+$0x0] =	vst.idx.add.s32.msk vm3, v3  }
0x31b: {  	[tilespmem:v6+s16+$0x0] =	vst.idx.add.s32.msk vm4, v3  }
0x31c: {  	s20 =	ssub.s32 $0x1999, s20;
	[tilespmem:v5+s16+$0x0] =	vst.idx.add.s32.msk vm5, v3  }
0x31d: {  	s25 =	simm.s32 $0x0;
	s21 =	simm.s32 $0x100;
	s24 =	simm.s32 $0x18FF0;
	[tilespmem:v4+s16+$0x0] =	vst.idx.add.s32.msk vm15, v3  }
.LBB2_64:
0x31e: {  	v4 =	vld [tilespmem:s24+$0x0];
	_ =	sdelay $0x4  }
0x31f: {  	(xrf0) =	vadd.scan.msk.s32 $0xffff, v4;
	_ =	sdelay $0x5  }
0x320: {  	v4, _, _ =	vpop (xrf0)  }
0x321: {  	(v2sf) =	vpush v4, $0xF;
	_ =	sdelay $0xe  }
0x322: {  	s23 =	spop (v2sf)  }
0x323: {  	s22 =	smov.u32 s25;
	s25 =	sadd.s32 s25, s23  }
0x324: {  	p0 =	slt.s32 s25, s20  }
.Ltmp31:
0x325: {  	_ = 	snop;
	(pc) =	sbr.rel @p0 .LBB2_64-.Ltmp31, $3  }
0x326: {  	_ =	sdelay $0x1  }
0x327: {  	s21 =	sadd.s32 $0xFFFFFFFF, s21  }
0x328: {  	s24 =	sadd.s32 $0xFFFFFFF0, s24;
	s26 =	simm.s32 $0xFFFFFF80;
	s23 =	simm.s32 $0x18040  }
0x329: {  	[tilespmem:s23+$0xFFFFFFC0] =	vst v1  }
0x32a: {  	[tilespmem:s23+$0x30] =	vst v1  }
0x32b: {  	[tilespmem:s23+$0x20] =	vst v1  }
0x32c: {  	[tilespmem:s23+$0x10] =	vst v1  }
0x32d: {  	[tilespmem:s23+$0x0] =	vst v1  }
0x32e: {  	[tilespmem:s23+$0xFFFFFFF0] =	vst v1  }
0x32f: {  	s24 =	sadd.s32 $0x80, s26;
	[tilespmem:s23+$0xFFFFFFE0] =	vst v1  }
.LBB2_66:
0x330: {  	s24 =	sadd.s32 $0x80, s24;
	[tilespmem:s23+$0xFFFFFFD0] =	vst v1;
	s23 =	sadd.s32 $0x80, s23  }
0x331: {  	[tilespmem:s23+$0xFFFFFFC0] =	vst v1;
	p0 =	slt.u32 s24, $0xF80  }
0x332: {  	[tilespmem:s23+$0x30] =	vst v1  }
.Ltmp32:
0x333: {  	[tilespmem:s23+$0x20] =	vst v1;
	(pc) =	sbr.rel @p0 .LBB2_66-.Ltmp32, $4  }
0x334: {  	[tilespmem:s23+$0x10] =	vst v1  }
0x335: {  	[tilespmem:s23+$0x0] =	vst v1  }
0x336: {  	[tilespmem:s23+$0xFFFFFFF0] =	vst v1  }
0x337: {  	[tilespmem:s23+$0xFFFFFFE0] =	vst v1  }
0x338: {  	[tilespmem:s23+$0xFFFFFFD0] =	vst v1;
	s31 =	simm.s32 $0x10040  }
0x339: {  	v5 =	vld [tilespmem:s31+$0xFFFFFFC0]  }
0x33a: {  	v7 =	vld [tilespmem:s31+$0x30]  }
0x33b: {  	v6 =	vld [tilespmem:s31+$0xFFFFFFF0];
	_ =	sdelay $0x1  }
0x33c: {  	s21 =	sor.u32 s19, s21  }
0x33d: {  	v4 =	vmov s21;
	v11 =	vld [tilespmem:s31+$0xFFFFFFE0];
	v8 =	vshra.s32 v5, $0x10;
	v5 =	vshrl.u32 v5, $0x4  }
0x33e: {  	v9 =	vld [tilespmem:s31+$0x0];
	v10 =	vshrl.u32 v7, $0x4;
	vm0 =	veq.s32 v8, v4;
	v5 =	vand.u32 $0xFF0, v5  }
0x33f: {  	v8 =	vshrl.u32 v6, $0x4;
	v6 =	vshra.s32 v6, $0x10;
	v12 =	vor.u32 v0, v5  }
0x340: {  	v7 =	vshra.s32 v7, $0x10;
	v8 =	vand.u32 $0xFF0, v8;
	v5 =	vld [tilespmem:s31+$0x20];
	vm1 =	veq.s32 v6, v4  }
0x341: {  	v13 =	vand.u32 $0xFF0, v10;
	vm2 =	veq.s32 v7, v4;
	v6 =	vld [tilespmem:s31+$0xFFFFFFD0];
	v8 =	vor.u32 v0, v8  }
0x342: {  	v7 =	vor.u32 v0, v13  }
0x343: {  	v14 =	vshrl.u32 v9, $0x4;
	v10 =	vshrl.u32 v11, $0x4;
	v13 =	vshra.s32 v9, $0x10;
	v9 =	vld [tilespmem:s31+$0x10]  }
0x344: {  	s19 =	simm.s32 $0x0;
	s23 =	simm.s32 $0x100C0;
	v11 =	vshra.s32 v11, $0x10;
	[tilespmem:v12+s16+$0x0] =	vst.idx.add.s32.msk vm0, v3;
	vm0 =	veq.s32 v13, v4;
	v12 =	vand.u32 $0xFF0, v14  }
.LBB2_68:
0x345: {  	v13 =	vld [tilespmem:s23+$0xFFFFFFF0];
	s19 =	sadd.s32 $0x80, s19;
	vm5 =	veq.s32 v11, v4;
	v10 =	vand.u32 $0xFF0, v10;
	v11 =	vor.u32 v0, v12  }
0x346: {  	v12 =	vshra.s32 v6, $0x10;
	p0 =	slt.u32 s19, $0x7F80;
	v10 =	vor.u32 v0, v10;
	[tilespmem:v8+s16+$0x0] =	vst.idx.add.s32.msk vm1, v3;
	v8 =	vshra.s32 v5, $0x10  }
0x347: {  	vm4 =	veq.s32 v12, v4;
	v5 =	vshrl.u32 v5, $0x4;
	vm3 =	veq.s32 v8, v4;
	[tilespmem:v7+s16+$0x0] =	vst.idx.add.s32.msk vm2, v3  }
0x348: {  	v6 =	vshrl.u32 v6, $0x4;
	v5 =	vand.u32 $0xFF0, v5;
	v7 =	vld [tilespmem:s23+$0xFFFFFFC0];
	v8 =	vshrl.u32 v9, $0x4  }
0x349: {  	v6 =	vand.u32 $0xFF0, v6;
	v9 =	vshra.s32 v9, $0x10;
	v14 =	vor.u32 v0, v5;
	v12 =	vld [tilespmem:s23+$0x30]  }
0x34a: {  	vm6 =	veq.s32 v9, v4;
	v8 =	vand.u32 $0xFF0, v8;
	v15 =	vshrl.u32 v13, $0x4;
	v5 =	vld [tilespmem:s23+$0x20]  }
0x34b: {  	v16 =	vor.u32 v0, v6;
	v17 =	vor.u32 v0, v8;
	v9 =	vld [tilespmem:s23+$0xFFFFFFE0]  }
0x34c: {  	[tilespmem:v10+s16+$0x0] =	vst.idx.add.s32.msk vm5, v3  }
0x34d: {  	v6 =	vshra.s32 v7, $0x10;
	v7 =	vshrl.u32 v7, $0x4;
	[tilespmem:v11+s16+$0x0] =	vst.idx.add.s32.msk vm0, v3  }
0x34e: {  	vm0 =	veq.s32 v6, v4;
	v6 =	vand.u32 $0xFF0, v7;
	v7 =	vshra.s32 v13, $0x10;
	v13 =	vld [tilespmem:s23+$0x0]  }
0x34f: {  	v8 =	vand.u32 $0xFF0, v15;
	v10 =	vshrl.u32 v12, $0x4;
	v18 =	vor.u32 v0, v6;
	v6 =	vld [tilespmem:s23+$0xFFFFFFD0]  }
.Ltmp33:
0x350: {  	vm1 =	veq.s32 v7, v4;
	v7 =	vshra.s32 v12, $0x10;
	v11 =	vand.u32 $0xFF0, v10;
	[tilespmem:v16+s16+$0x0] =	vst.idx.add.s32.msk vm4, v3;
	(pc) =	sbr.rel @p0 .LBB2_68-.Ltmp33, $4  }
0x351: {  	v8 =	vor.u32 v0, v8;
	vm2 =	veq.s32 v7, v4;
	[tilespmem:v14+s16+$0x0] =	vst.idx.add.s32.msk vm3, v3  }
0x352: {  	v10 =	vshrl.u32 v9, $0x4;
	v7 =	vor.u32 v0, v11;
	[tilespmem:v17+s16+$0x0] =	vst.idx.add.s32.msk vm6, v3  }
0x353: {  	v11 =	vshra.s32 v9, $0x10;
	v12 =	vshra.s32 v13, $0x10;
	v13 =	vshrl.u32 v13, $0x4;
	v9 =	vld [tilespmem:s23+$0x10]  }
0x354: {  	s23 =	sadd.s32 $0x80, s23;
	[tilespmem:v18+s16+$0x0] =	vst.idx.add.s32.msk vm0, v3;
	vm0 =	veq.s32 v12, v4;
	v12 =	vand.u32 $0xFF0, v13  }
0x355: {  	vm3 =	veq.s32 v11, v4;
	v10 =	vand.u32 $0xFF0, v10;
	v59 =	vshra.s32 v6, $0x10  }
0x356: {  	v12 =	vor.u32 v0, v12;
	v60 =	vshra.s32 v5, $0x10;
	v61 =	vshrl.u32 v6, $0x4  }
0x357: {  	v5 =	vshrl.u32 v5, $0x4;
	vm4 =	veq.s32 v59, v4;
	v10 =	vor.u32 v0, v10  }
0x358: {  	vm5 =	veq.s32 v60, v4;
	v6 =	vand.u32 $0xFF0, v61;
	v5 =	vand.u32 $0xFF0, v5  }
0x359: {  	v6 =	vor.u32 v0, v6;
	v62 =	vshrl.u32 v9, $0x4;
	v63 =	vshra.s32 v9, $0x10  }
0x35a: {  	[tilespmem:v8+s16+$0x0] =	vst.idx.add.s32.msk vm1, v3;
	v5 =	vor.u32 v0, v5;
	vm15 =	veq.s32 v63, v4;
	v4 =	vand.u32 $0xFF0, v62  }
0x35b: {  	[tilespmem:v7+s16+$0x0] =	vst.idx.add.s32.msk vm2, v3;
	v4 =	vor.u32 v0, v4  }
0x35c: {  	[tilespmem:v12+s16+$0x0] =	vst.idx.add.s32.msk vm0, v3  }
0x35d: {  	[tilespmem:v10+s16+$0x0] =	vst.idx.add.s32.msk vm3, v3  }
0x35e: {  	[tilespmem:v6+s16+$0x0] =	vst.idx.add.s32.msk vm4, v3  }
0x35f: {  	s19 =	ssub.s32 s20, s22;
	[tilespmem:v5+s16+$0x0] =	vst.idx.add.s32.msk vm5, v3  }
0x360: {  	s25 =	simm.s32 $0x0;
	s22 =	simm.s32 $0x100;
	s24 =	simm.s32 $0x18FF0;
	[tilespmem:v4+s16+$0x0] =	vst.idx.add.s32.msk vm15, v3  }
.LBB2_70:
0x361: {  	v4 =	vld [tilespmem:s24+$0x0];
	_ =	sdelay $0x4  }
0x362: {  	(xrf0) =	vadd.scan.msk.s32 $0xffff, v4;
	_ =	sdelay $0x5  }
0x363: {  	v4, _, _ =	vpop (xrf0)  }
0x364: {  	(v2sf) =	vpush v4, $0xF;
	_ =	sdelay $0xe  }
0x365: {  	s23 =	spop (v2sf)  }
0x366: {  	s20 =	smov.u32 s25;
	s25 =	sadd.s32 s25, s23  }
0x367: {  	p0 =	slt.s32 s25, s19  }
.Ltmp34:
0x368: {  	_ = 	snop;
	(pc) =	sbr.rel @p0 .LBB2_70-.Ltmp34, $3  }
0x369: {  	_ =	sdelay $0x1  }
0x36a: {  	s22 =	sadd.s32 $0xFFFFFFFF, s22  }
0x36b: {  	s24 =	sadd.s32 $0xFFFFFFF0, s24;
	s26 =	simm.s32 $0xFFFFFF80;
	s23 =	simm.s32 $0x18040  }
0x36c: {  	[tilespmem:s23+$0xFFFFFFC0] =	vst v1  }
0x36d: {  	[tilespmem:s23+$0x30] =	vst v1  }
0x36e: {  	[tilespmem:s23+$0x20] =	vst v1  }
0x36f: {  	[tilespmem:s23+$0x10] =	vst v1  }
0x370: {  	[tilespmem:s23+$0x0] =	vst v1  }
0x371: {  	[tilespmem:s23+$0xFFFFFFF0] =	vst v1  }
0x372: {  	s24 =	sadd.s32 $0x80, s26;
	[tilespmem:s23+$0xFFFFFFE0] =	vst v1  }
.LBB2_72:
0x373: {  	s24 =	sadd.s32 $0x80, s24;
	[tilespmem:s23+$0xFFFFFFD0] =	vst v1;
	s23 =	sadd.s32 $0x80, s23  }
0x374: {  	[tilespmem:s23+$0xFFFFFFC0] =	vst v1;
	p0 =	slt.u32 s24, $0xF80  }
0x375: {  	[tilespmem:s23+$0x30] =	vst v1  }
.Ltmp35:
0x376: {  	[tilespmem:s23+$0x20] =	vst v1;
	(pc) =	sbr.rel @p0 .LBB2_72-.Ltmp35, $4  }
0x377: {  	[tilespmem:s23+$0x10] =	vst v1  }
0x378: {  	[tilespmem:s23+$0x0] =	vst v1  }
0x379: {  	[tilespmem:s23+$0xFFFFFFF0] =	vst v1  }
0x37a: {  	[tilespmem:s23+$0xFFFFFFE0] =	vst v1  }
0x37b: {  	[tilespmem:s23+$0xFFFFFFD0] =	vst v1;
	s31 =	simm.s32 $0x10040  }
0x37c: {  	v5 =	vld [tilespmem:s31+$0x30]  }
0x37d: {  	v6 =	vld [tilespmem:s31+$0xFFFFFFD0]  }
0x37e: {  	v7 =	vld [tilespmem:s31+$0xFFFFFFE0]  }
0x37f: {  	v8 =	vld [tilespmem:s31+$0xFFFFFFF0]  }
0x380: {  	s21 =	sshll.u32 s21, $0x8;
	v13 =	vld [tilespmem:s31+$0xFFFFFFC0]  }
0x381: {  	s21 =	sor.u32 s21, s22  }
0x382: {  	v10 =	vld [tilespmem:s31+$0x0];
	v4 =	vmov s21;
	v9 =	vshra.s32 v5, $0x8;
	v5 =	vshll.u32 v5, $0x4  }
0x383: {  	v12 =	vld [tilespmem:s31+$0x10];
	v11 =	vshll.u32 v6, $0x4;
	v16 =	vshra.s32 v6, $0x8;
	v6 =	vshll.u32 v7, $0x4  }
0x384: {  	v18 =	vshra.s32 v7, $0x8;
	v7 =	vshll.u32 v8, $0x4;
	v8 =	vshra.s32 v8, $0x8  }
0x385: {  	v14 =	vld [tilespmem:s31+$0x20];
	v20 =	vshra.s32 v13, $0x8;
	v15 =	vshll.u32 v13, $0x4;
	vm1 =	veq.s32 v9, v4  }
0x386: {  	v5 =	vor.u32 v0, v5;
	v17 =	vor.u32 v0, v11;
	v19 =	vor.u32 v0, v6  }
0x387: {  	v6 =	vshll.u32 v10, $0x4;
	v9 =	vor.u32 v0, v7;
	v5 =	vand.u32 $0xFFF, v5  }
0x388: {  	v10 =	vshra.s32 v10, $0x8;
	v7 =	vshll.u32 v12, $0x4;
	v12 =	vshra.s32 v12, $0x8  }
0x389: {  	vm2 =	veq.s32 v20, v4;
	vm0 =	veq.s32 v16, v4;
	v11 =	vor.u32 v0, v6  }
0x38a: {  	v6 =	vshll.u32 v14, $0x4;
	v13 =	vor.u32 v0, v7;
	v7 =	vor.u32 v0, v15  }
0x38b: {  	v15 =	vshra.s32 v14, $0x8;
	v14 =	vor.u32 v0, v6;
	v6 =	vand.u32 $0xFFF, v7  }
0x38c: {  	s23 =	simm.s32 $0x100C0;
	s22 =	simm.s32 $0x0;
	v7 =	vand.u32 $0xFFF, v17;
	[tilespmem:v5+s16+$0x0] =	vst.idx.add.s32.msk vm1, v3;
	vm1 =	veq.s32 v18, v4;
	v5 =	vand.u32 $0xFFF, v19  }
.LBB2_74:
0x38d: {  	v16 =	vld [tilespmem:s23+$0x30];
	s22 =	sadd.s32 $0x80, s22;
	vm6 =	veq.s32 v8, v4;
	v17 =	vand.u32 $0xFFF, v9;
	vm4 =	veq.s32 v10, v4  }
0x38e: {  	v18 =	vand.u32 $0xFFF, v11;
	vm5 =	veq.s32 v12, v4;
	v19 =	vand.u32 $0xFFF, v13;
	v8 =	vld [tilespmem:s23+$0xFFFFFFD0];
	p0 =	slt.u32 s22, $0x7F80  }
0x38f: {  	vm3 =	veq.s32 v15, v4;
	v20 =	vand.u32 $0xFFF, v14;
	v9 =	vld [tilespmem:s23+$0xFFFFFFE0]  }
0x390: {  	v10 =	vld [tilespmem:s23+$0xFFFFFFF0]  }
0x391: {  	v11 =	vld [tilespmem:s23+$0x0]  }
0x392: {  	v12 =	vld [tilespmem:s23+$0x10];
	v13 =	vshra.s32 v16, $0x8;
	v14 =	vshll.u32 v16, $0x4  }
0x393: {  	v15 =	vshll.u32 v8, $0x4;
	v16 =	vld [tilespmem:s23+$0x20];
	vm7 =	veq.s32 v13, v4;
	v13 =	vor.u32 v0, v14  }
0x394: {  	v21 =	vshra.s32 v8, $0x8;
	v14 =	vld [tilespmem:s23+$0xFFFFFFC0];
	v8 =	vshll.u32 v9, $0x4;
	v22 =	vand.u32 $0xFFF, v13  }
0x395: {  	v23 =	vor.u32 v0, v15;
	v24 =	vshra.s32 v9, $0x8;
	v9 =	vshll.u32 v10, $0x4;
	[tilespmem:v6+s16+$0x0] =	vst.idx.add.s32.msk vm2, v3  }
0x396: {  	v25 =	vor.u32 v0, v8;
	v8 =	vshra.s32 v10, $0x8;
	v6 =	vshll.u32 v11, $0x4;
	[tilespmem:v7+s16+$0x0] =	vst.idx.add.s32.msk vm0, v3  }
0x397: {  	v9 =	vor.u32 v0, v9;
	v10 =	vshra.s32 v11, $0x8;
	v7 =	vshll.u32 v12, $0x4;
	[tilespmem:v5+s16+$0x0] =	vst.idx.add.s32.msk vm1, v3  }
.Ltmp36:
0x398: {  	v11 =	vor.u32 v0, v6;
	v12 =	vshra.s32 v12, $0x8;
	v5 =	vshll.u32 v16, $0x4;
	[tilespmem:v17+s16+$0x0] =	vst.idx.add.s32.msk vm6, v3;
	(pc) =	sbr.rel @p0 .LBB2_74-.Ltmp36, $4  }
0x399: {  	v13 =	vor.u32 v0, v7;
	v6 =	vshra.s32 v14, $0x8;
	v14 =	vshll.u32 v14, $0x4;
	[tilespmem:v22+s16+$0x0] =	vst.idx.add.s32.msk vm7, v3  }
0x39a: {  	v15 =	vshra.s32 v16, $0x8;
	v7 =	vor.u32 v0, v14;
	v14 =	vor.u32 v0, v5;
	[tilespmem:v18+s16+$0x0] =	vst.idx.add.s32.msk vm4, v3  }
0x39b: {  	vm0 =	veq.s32 v21, v4;
	vm2 =	veq.s32 v6, v4;
	v6 =	vand.u32 $0xFFF, v7;
	[tilespmem:v19+s16+$0x0] =	vst.idx.add.s32.msk vm5, v3  }
0x39c: {  	s23 =	sadd.s32 $0x80, s23;
	vm1 =	veq.s32 v24, v4;
	v5 =	vand.u32 $0xFFF, v25;
	v7 =	vand.u32 $0xFFF, v23;
	[tilespmem:v20+s16+$0x0] =	vst.idx.add.s32.msk vm3, v3  }
0x39d: {  	_ =	sdelay $0x1  }
0x39e: {  	vm3 =	veq.s32 v8, v4  }
0x39f: {  	v61 =	vand.u32 $0xFFF, v9;
	vm4 =	veq.s32 v10, v4  }
0x3a0: {  	v62 =	vand.u32 $0xFFF, v11;
	vm5 =	veq.s32 v12, v4  }
0x3a1: {  	v63 =	vand.u32 $0xFFF, v13;
	vm6 =	veq.s32 v15, v4;
	[tilespmem:v6+s16+$0x0] =	vst.idx.add.s32.msk vm2, v3  }
0x3a2: {  	v4 =	vand.u32 $0xFFF, v14;
	[tilespmem:v7+s16+$0x0] =	vst.idx.add.s32.msk vm0, v3  }
0x3a3: {  	[tilespmem:v5+s16+$0x0] =	vst.idx.add.s32.msk vm1, v3  }
0x3a4: {  	[tilespmem:v61+s16+$0x0] =	vst.idx.add.s32.msk vm3, v3  }
0x3a5: {  	[tilespmem:v62+s16+$0x0] =	vst.idx.add.s32.msk vm4, v3  }
0x3a6: {  	s19 =	ssub.s32 s19, s20;
	[tilespmem:v63+s16+$0x0] =	vst.idx.add.s32.msk vm5, v3  }
0x3a7: {  	s20 =	simm.s32 $0x0;
	s22 =	simm.s32 $0x100;
	s23 =	simm.s32 $0x18FF0;
	[tilespmem:v4+s16+$0x0] =	vst.idx.add.s32.msk vm6, v3  }
.LBB2_76:
0x3a8: {  	v4 =	vld [tilespmem:s23+$0x0];
	_ =	sdelay $0x4  }
0x3a9: {  	(xrf0) =	vadd.scan.msk.s32 $0xffff, v4;
	_ =	sdelay $0x5  }
0x3aa: {  	v4, _, _ =	vpop (xrf0)  }
0x3ab: {  	(v2sf) =	vpush v4, $0xF;
	_ =	sdelay $0xe  }
0x3ac: {  	s24 =	spop (v2sf)  }
0x3ad: {  	s20 =	sadd.s32 s20, s24  }
0x3ae: {  	p0 =	slt.s32 s20, s19  }
.Ltmp37:
0x3af: {  	_ = 	snop;
	(pc) =	sbr.rel @p0 .LBB2_76-.Ltmp37, $2  }
0x3b0: {  	_ =	sdelay $0x2  }
0x3b1: {  	s22 =	sadd.s32 $0xFFFFFFFF, s22;
	s23 =	sadd.s32 $0xFFFFFFF0, s23  }
0x3b2: {  	s19 =	simm.s32 $0x40  }
0x3b3: {  	s20 =	simm.s32 $0x10040;
	v11 =	vld [tilespmem:s19+$0x30]  }
0x3b4: {  	v12 =	vld [tilespmem:s20+$0x30]  }
0x3b5: {  	v10 =	vld [tilespmem:s19+$0xFFFFFFD0]  }
0x3b6: {  	v9 =	vld [tilespmem:s19+$0xFFFFFFE0]  }
0x3b7: {  	v8 =	vld [tilespmem:s19+$0xFFFFFFF0]  }
0x3b8: {  	v7 =	vld [tilespmem:s19+$0x0]  }
0x3b9: {  	v6 =	vld [tilespmem:s19+$0x10]  }
0x3ba: {  	v5 =	vld [tilespmem:s19+$0x20]  }
0x3bb: {  	v20 =	vld [tilespmem:s19+$0xFFFFFFC0]  }
0x3bc: {  	v17 =	vld [tilespmem:s20+$0xFFFFFFC0]  }
0x3bd: {  	s21 =	sshll.u32 s21, $0x8;
	v23 =	vld [tilespmem:s20+$0xFFFFFFD0]  }
0x3be: {  	s21 =	sor.u32 s21, s22;
	v21 =	vld [tilespmem:s20+$0xFFFFFFE0];
	v13 =	vsub.f32 $1.000000000e+00, v11;
	v16 =	vsub.f32 $1.000000000e+00, v10  }
0x3bf: {  	v18 =	vld [tilespmem:s20+$0xFFFFFFF0];
	v4 =	vmov s21;
	v15 =	vsub.f32 $1.000000000e+00, v9;
	v14 =	vsub.f32 $1.000000000e+00, v8  }
0x3c0: {  	v19 =	vld [tilespmem:s20+$0x0];
	vm0 =	vlt.s32 v12, v4;
	v22 =	vsub.f32 $1.000000000e+00, v20;
	v12 =	vsub.f32 $1.000000000e+00, v6  }
0x3c1: {  	v11 =	vsel vm0, v11, v13;
	v13 =	vsub.f32 $1.000000000e+00, v7;
	vm0 =	vlt.s32 v17, v4;
	v17 =	vld [tilespmem:s20+$0x10]  }
0x3c2: {  	s22 =	simm.s32 $0xC0;
	s21 =	simm.s32 $0x0;
	[tilespmem:s19+$0x30] =	vst v11;
	v11 =	vsub.f32 $1.000000000e+00, v5;
	v22 =	vsel vm0, v20, v22;
	vm0 =	vlt.s32 v23, v4;
	v20 =	vld [tilespmem:s20+$0x20]  }
.LBB2_78:
0x3c3: {  	v23 =	vld [tilespmem:s22+$0x30];
	s21 =	sadd.s32 $0x80, s21;
	[tilespmem:s19+$0xFFFFFFC0] =	vst v22;
	v10 =	vsel vm0, v10, v16;
	vm0 =	vlt.s32 v21, v4;
	s20 =	sadd.s32 $0x80, s20  }
0x3c4: {  	v16 =	vld [tilespmem:s20+$0x30];
	p0 =	slt.u32 s21, $0x7F80;
	[tilespmem:s19+$0xFFFFFFD0] =	vst v10;
	v9 =	vsel vm0, v9, v15;
	vm0 =	vlt.s32 v18, v4  }
0x3c5: {  	v10 =	vld [tilespmem:s22+$0xFFFFFFD0];
	[tilespmem:s19+$0xFFFFFFE0] =	vst v9;
	v8 =	vsel vm0, v8, v14;
	vm0 =	vlt.s32 v19, v4  }
0x3c6: {  	v9 =	vld [tilespmem:s22+$0xFFFFFFE0];
	[tilespmem:s19+$0xFFFFFFF0] =	vst v8;
	v7 =	vsel vm0, v7, v13;
	vm0 =	vlt.s32 v17, v4  }
0x3c7: {  	v8 =	vld [tilespmem:s22+$0xFFFFFFF0];
	[tilespmem:s19+$0x0] =	vst v7;
	v6 =	vsel vm0, v6, v12;
	vm0 =	vlt.s32 v20, v4  }
0x3c8: {  	v7 =	vld [tilespmem:s22+$0x0];
	v12 =	vsub.f32 $1.000000000e+00, v23;
	[tilespmem:s19+$0x10] =	vst v6;
	v5 =	vsel vm0, v5, v11  }
0x3c9: {  	v6 =	vld [tilespmem:s22+$0x10];
	vm0 =	vlt.s32 v16, v4;
	[tilespmem:s19+$0x20] =	vst v5;
	s19 =	smov.u32 s22  }
0x3ca: {  	v16 =	vsub.f32 $1.000000000e+00, v10;
	v5 =	vld [tilespmem:s22+$0x20];
	v11 =	vsel vm0, v23, v12  }
0x3cb: {  	v20 =	vld [tilespmem:s22+$0xFFFFFFC0];
	v15 =	vsub.f32 $1.000000000e+00, v9;
	[tilespmem:s22+$0x30] =	vst v11  }
0x3cc: {  	v17 =	vld [tilespmem:s20+$0xFFFFFFC0];
	v14 =	vsub.f32 $1.000000000e+00, v8  }
0x3cd: {  	v23 =	vld [tilespmem:s20+$0xFFFFFFD0];
	v13 =	vsub.f32 $1.000000000e+00, v7  }
.Ltmp38:
0x3ce: {  	v21 =	vld [tilespmem:s20+$0xFFFFFFE0];
	v12 =	vsub.f32 $1.000000000e+00, v6;
	(pc) =	sbr.rel @p0 .LBB2_78-.Ltmp38, $4  }
0x3cf: {  	v18 =	vld [tilespmem:s20+$0xFFFFFFF0];
	v11 =	vsub.f32 $1.000000000e+00, v5  }
0x3d0: {  	v22 =	vsub.f32 $1.000000000e+00, v20;
	v19 =	vld [tilespmem:s20+$0x0]  }
0x3d1: {  	vm0 =	vlt.s32 v17, v4;
	v17 =	vld [tilespmem:s20+$0x10]  }
0x3d2: {  	s22 =	sadd.s32 $0x80, s22;
	v22 =	vsel vm0, v20, v22;
	vm0 =	vlt.s32 v23, v4;
	v20 =	vld [tilespmem:s20+$0x20]  }
0x3d3: {  	[tilespmem:s19+$0xFFFFFFC0] =	vst v22;
	v10 =	vsel vm0, v10, v16;
	vm11 =	vlt.s32 v21, v4  }
0x3d4: {  	[tilespmem:s19+$0xFFFFFFD0] =	vst v10;
	v9 =	vsel vm11, v9, v15;
	vm12 =	vlt.s32 v18, v4  }
0x3d5: {  	[tilespmem:s19+$0xFFFFFFE0] =	vst v9;
	v8 =	vsel vm12, v8, v14;
	vm13 =	vlt.s32 v19, v4  }
0x3d6: {  	[tilespmem:s19+$0xFFFFFFF0] =	vst v8;
	v7 =	vsel vm13, v7, v13;
	vm14 =	vlt.s32 v17, v4  }
0x3d7: {  	[tilespmem:s19+$0x0] =	vst v7;
	v6 =	vsel vm14, v6, v12;
	vm15 =	vlt.s32 v20, v4  }
0x3d8: {  	[tilespmem:s19+$0x10] =	vst v6;
	v4 =	vsel vm15, v5, v11  }
0x3d9: {  	[tilespmem:s19+$0x20] =	vst v4  }
0x3da: {  	[hbm4b:s9+s12] =	stream.strided.scatter [tilespmem:s2], [sflag:$0x2], $0x8000, s13, s12, $0x38;
	[tilespmem:$0x19000] =	vst v63  }
0x3db: {  	_ =	swait.ge [sflag:s14], $0x8000  }
0x3dc: {  	[sflag:s14] =	ssyncset.done $0x0  }
0x3dd: {  	s19 =	simm.s32 $0x18040;
	[sflag:s14] =	ssyncadd.s32 $0xFFFF8000  }
0x3de: {  	[tilespmem:s19+$0xFFFFFFC0] =	vst v1  }
0x3df: {  	[tilespmem:s19+$0x30] =	vst v1  }
0x3e0: {  	[tilespmem:s19+$0x20] =	vst v1  }
0x3e1: {  	[tilespmem:s19+$0x10] =	vst v1  }
0x3e2: {  	[tilespmem:s19+$0x0] =	vst v1  }
0x3e3: {  	[tilespmem:s19+$0xFFFFFFF0] =	vst v1  }
0x3e4: {  	s21 =	simm.s32 $0x0;
	[tilespmem:s19+$0xFFFFFFE0] =	vst v1  }
.LBB2_80:
0x3e5: {  	s21 =	sadd.s32 $0x80, s21;
	[tilespmem:s19+$0xFFFFFFD0] =	vst v1;
	s19 =	sadd.s32 $0x80, s19  }
0x3e6: {  	[tilespmem:s19+$0xFFFFFFC0] =	vst v1;
	p0 =	slt.u32 s21, $0xF80  }
0x3e7: {  	[tilespmem:s19+$0x30] =	vst v1  }
.Ltmp39:
0x3e8: {  	[tilespmem:s19+$0x20] =	vst v1;
	(pc) =	sbr.rel @p0 .LBB2_80-.Ltmp39, $4  }
0x3e9: {  	[tilespmem:s19+$0x10] =	vst v1  }
0x3ea: {  	[tilespmem:s19+$0x0] =	vst v1  }
0x3eb: {  	[tilespmem:s19+$0xFFFFFFF0] =	vst v1  }
0x3ec: {  	s20 =	simm.s32 $0x10040;
	[tilespmem:s19+$0xFFFFFFE0] =	vst v1  }
0x3ed: {  	[tilespmem:s19+$0xFFFFFFD0] =	vst v1;
	s31 =	simm.s32 $0x8040  }
0x3ee: {  	v4 =	vld [tilespmem:s31+$0x10]  }
0x3ef: {  	v6 =	vld [tilespmem:s31+$0xFFFFFFE0]  }
0x3f0: {  	v7 =	vld [tilespmem:s31+$0xFFFFFFC0];
	_ =	sdelay $0x1  }
0x3f1: {  	v9 =	vld [tilespmem:s31+$0x0]  }
0x3f2: {  	v8 =	vshra.s32 v4, $0x1F  }
0x3f3: {  	v10 =	vshra.s32 v6, $0x1F;
	v8 =	vand.u32 $0x7FFFFFFF, v8  }
0x3f4: {  	v14 =	vld [tilespmem:s31+$0xFFFFFFD0];
	v10 =	vand.u32 $0x7FFFFFFF, v10;
	v13 =	vxor.u32 v4, v8;
	v8 =	vshra.s32 v7, $0x1F  }
0x3f5: {  	v5 =	vld [tilespmem:s31+$0xFFFFFFF0];
	v4 =	vxor.u32 v6, v10;
	v10 =	vand.u32 $0x7FFFFFFF, v8  }
0x3f6: {  	v11 =	vxor.u32 v7, v10;
	v7 =	vshra.s32 v9, $0x1F  }
0x3f7: {  	v6 =	vshra.s32 v13, $0x14;
	v17 =	vand.u32 $0x7FFFFFFF, v7  }
0x3f8: {  	[tilespmem:s20+$0x10] =	vst v13;
	v6 =	vand.u32 $0xFFFFFFF0, v6;
	v13 =	vxor.u32 v9, v17;
	v9 =	vld [tilespmem:s31+$0x20]  }
0x3f9: {  	v10 =	vshra.s32 v11, $0x14;
	v12 =	vadd.s32 v2, v6  }
0x3fa: {  	v15 =	vshra.s32 v14, $0x1F;
	v16 =	vshra.s32 v5, $0x1F;
	v7 =	vld [tilespmem:s31+$0x30];
	v6 =	vand.u32 $0xFFFFFFF0, v10  }
0x3fb: {  	v8 =	vshra.s32 v4, $0x14;
	v10 =	vadd.s32 v2, v6;
	v6 =	vand.u32 $0x7FFFFFFF, v15  }
0x3fc: {  	s21 =	simm.s32 $0x0;
	s22 =	simm.s32 $0x80C0;
	s23 =	simm.s32 $0x10040;
	v15 =	vshra.s32 v13, $0x14;
	v6 =	vxor.u32 v14, v6;
	v14 =	vand.u32 $0x7FFFFFFF, v16  }
.LBB2_82:
0x3fd: {  	v16 =	vld [tilespmem:s22+$0x10];
	s21 =	sadd.s32 $0x80, s21;
	[tilespmem:s20+$0xFFFFFFC0] =	vst v11;
	v8 =	vand.u32 $0xFFFFFFF0, v8;
	v11 =	vand.u32 $0xFFFFFFF0, v15;
	v15 =	vshra.s32 v9, $0x1F;
	s23 =	sadd.s32 $0x80, s23  }
0x3fe: {  	p0 =	slt.u32 s21, $0x7F80;
	v8 =	vadd.s32 v2, v8;
	v17 =	vadd.s32 v2, v11;
	[tilespmem:v12+s16+$0x0] =	vst.idx.add.s32.msk $0xffff, v3;
	v11 =	vand.u32 $0x7FFFFFFF, v15  }
0x3ff: {  	v14 =	vxor.u32 v5, v14;
	v12 =	vld [tilespmem:s22+$0xFFFFFFE0];
	[tilespmem:s20+$0x0] =	vst v13;
	v5 =	vxor.u32 v9, v11;
	v9 =	vshra.s32 v7, $0x1F  }
0x400: {  	[tilespmem:v10+s16+$0x0] =	vst.idx.add.s32.msk $0xffff, v3;
	v10 =	vshra.s32 v14, $0x14;
	v11 =	vshra.s32 v5, $0x14;
	v9 =	vand.u32 $0x7FFFFFFF, v9  }
0x401: {  	v15 =	vshra.s32 v6, $0x14;
	v13 =	vld [tilespmem:s22+$0xFFFFFFC0];
	v10 =	vand.u32 $0xFFFFFFF0, v10;
	[tilespmem:s20+$0x20] =	vst v5;
	v7 =	vxor.u32 v7, v9  }
0x402: {  	v5 =	vld [tilespmem:s22+$0xFFFFFFF0];
	v9 =	vshra.s32 v16, $0x1F;
	v10 =	vadd.s32 v2, v10;
	[tilespmem:s20+$0x30] =	vst v7;
	v7 =	vshra.s32 v7, $0x14  }
0x403: {  	v15 =	vand.u32 $0xFFFFFFF0, v15;
	v18 =	vld [tilespmem:s22+$0x0];
	v9 =	vand.u32 $0x7FFFFFFF, v9;
	[tilespmem:s20+$0xFFFFFFE0] =	vst v4;
	v19 =	vand.u32 $0xFFFFFFF0, v7  }
0x404: {  	v20 =	vld [tilespmem:s22+$0xFFFFFFD0];
	v4 =	vshra.s32 v12, $0x1F;
	v7 =	vxor.u32 v16, v9;
	[tilespmem:s20+$0xFFFFFFF0] =	vst v14;
	v9 =	vand.u32 $0xFFFFFFF0, v11  }
0x405: {  	v4 =	vand.u32 $0x7FFFFFFF, v4;
	[tilespmem:s23+$0x10] =	vst v7;
	v14 =	vshra.s32 v7, $0x14;
	v7 =	vld [tilespmem:s22+$0x30];
	v16 =	vadd.s32 v2, v9  }
0x406: {  	v15 =	vadd.s32 v2, v15;
	v9 =	vshra.s32 v13, $0x1F;
	v4 =	vxor.u32 v12, v4;
	[tilespmem:v8+s16+$0x0] =	vst.idx.add.s32.msk $0xffff, v3  }
0x407: {  	v19 =	vadd.s32 v2, v19;
	v9 =	vand.u32 $0x7FFFFFFF, v9;
	v8 =	vshra.s32 v4, $0x14;
	[tilespmem:v10+s16+$0x0] =	vst.idx.add.s32.msk $0xffff, v3  }
.Ltmp40:
0x408: {  	v12 =	vand.u32 $0xFFFFFFF0, v14;
	v11 =	vxor.u32 v13, v9;
	v10 =	vshra.s32 v18, $0x1F;
	v9 =	vld [tilespmem:s22+$0x20];
	[tilespmem:s20+$0xFFFFFFD0] =	vst v6;
	s20 =	smov.u32 s23;
	(pc) =	sbr.rel @p0 .LBB2_82-.Ltmp40, $4  }
0x409: {  	v12 =	vadd.s32 v2, v12;
	v6 =	vshra.s32 v11, $0x14;
	v13 =	vshra.s32 v20, $0x1F;
	[tilespmem:v17+s16+$0x0] =	vst.idx.add.s32.msk $0xffff, v3  }
0x40a: {  	v14 =	vshra.s32 v5, $0x1F;
	v17 =	vand.u32 $0x7FFFFFFF, v10;
	v6 =	vand.u32 $0xFFFFFFF0, v6;
	[tilespmem:v16+s16+$0x0] =	vst.idx.add.s32.msk $0xffff, v3  }
0x40b: {  	s25 =	simm.s32 $0x18FF0;
	v10 =	vadd.s32 v2, v6;
	v6 =	vand.u32 $0x7FFFFFFF, v13;
	v13 =	vxor.u32 v18, v17;
	[tilespmem:v15+s16+$0x0] =	vst.idx.add.s32.msk $0xffff, v3  }
0x40c: {  	s19 =	simm.s32 $0x8000;
	s24 =	simm.s32 $0x80;
	v14 =	vand.u32 $0x7FFFFFFF, v14;
	s22 =	sadd.s32 $0x80, s22;
	v6 =	vxor.u32 v20, v6;
	v15 =	vshra.s32 v13, $0x14;
	[tilespmem:v19+s16+$0x0] =	vst.idx.add.s32.msk $0xffff, v3  }
0x40d: {  	_ =	sdelay $0x2  }
0x40e: {  	[tilespmem:s20+$0xFFFFFFC0] =	vst v11  }
0x40f: {  	v8 =	vand.u32 $0xFFFFFFF0, v8;
	v52 =	vshra.s32 v9, $0x1F;
	[tilespmem:v12+s16+$0x0] =	vst.idx.add.s32.msk $0xffff, v3  }
0x410: {  	v5 =	vxor.u32 v5, v14;
	[tilespmem:s20+$0x0] =	vst v13;
	v53 =	vshra.s32 v7, $0x1F;
	v60 =	vand.u32 $0xFFFFFFF0, v15  }
0x411: {  	v61 =	vshra.s32 v6, $0x14;
	[tilespmem:s20+$0xFFFFFFE0] =	vst v4;
	v8 =	vadd.s32 v2, v8;
	v11 =	vand.u32 $0x7FFFFFFF, v52  }
0x412: {  	[tilespmem:s20+$0xFFFFFFD0] =	vst v6;
	v54 =	vshra.s32 v5, $0x14;
	v56 =	vand.u32 $0x7FFFFFFF, v53;
	v62 =	vand.u32 $0xFFFFFFF0, v61  }
0x413: {  	[tilespmem:v10+s16+$0x0] =	vst.idx.add.s32.msk $0xffff, v3;
	v55 =	vxor.u32 v9, v11;
	v57 =	vand.u32 $0xFFFFFFF0, v54;
	v11 =	vadd.s32 v2, v60  }
0x414: {  	[tilespmem:s20+$0xFFFFFFF0] =	vst v5;
	v58 =	vxor.u32 v7, v56;
	v63 =	vadd.s32 v2, v62;
	v9 =	vshra.s32 v55, $0x14  }
0x415: {  	[tilespmem:s20+$0x20] =	vst v55;
	v59 =	vadd.s32 v2, v57;
	v7 =	vshra.s32 v58, $0x14;
	v4 =	vand.u32 $0xFFFFFFF0, v9  }
0x416: {  	[tilespmem:s20+$0x30] =	vst v58;
	v5 =	vand.u32 $0xFFFFFFF0, v7;
	v4 =	vadd.s32 v2, v4  }
0x417: {  	v5 =	vadd.s32 v2, v5;
	[tilespmem:v8+s16+$0x0] =	vst.idx.add.s32.msk $0xffff, v3  }
0x418: {  	[tilespmem:v11+s16+$0x0] =	vst.idx.add.s32.msk $0xffff, v3  }
0x419: {  	[tilespmem:v63+s16+$0x0] =	vst.idx.add.s32.msk $0xffff, v3  }
0x41a: {  	[tilespmem:v59+s16+$0x0] =	vst.idx.add.s32.msk $0xffff, v3  }
0x41b: {  	[tilespmem:v4+s16+$0x0] =	vst.idx.add.s32.msk $0xffff, v3  }
0x41c: {  	s22 =	simm.s32 $0x0;
	[tilespmem:v5+s16+$0x0] =	vst.idx.add.s32.msk $0xffff, v3  }
.LBB2_84:
0x41d: {  	v4 =	vld [tilespmem:s25+$0x0];
	_ =	sdelay $0x4  }
0x41e: {  	(xrf0) =	vadd.scan.msk.s32 $0xffff, v4;
	_ =	sdelay $0x5  }
0x41f: {  	v4, _, _ =	vpop (xrf0)  }
0x420: {  	(v2sf) =	vpush v4, $0xF;
	_ =	sdelay $0xe  }
0x421: {  	s21 =	spop (v2sf)  }
0x422: {  	s20 =	smov.u32 s22;
	s22 =	sadd.s32 s22, s21  }
0x423: {  	p0 =	slt.s32 s22, $0x1999  }
.Ltmp41:
0x424: {  	_ = 	snop;
	(pc) =	sbr.rel @p0 .LBB2_84-.Ltmp41, $3  }
0x425: {  	_ =	sdelay $0x1  }
0x426: {  	s19 =	sadd.s32 $0xFFFFFF00, s19;
	s24 =	sadd.s32 $0xFFFFFFFF, s24  }
0x427: {  	s25 =	sadd.s32 $0xFFFFFFF0, s25;
	s23 =	simm.s32 $0xFFFFFF80;
	s21 =	simm.s32 $0x18040  }
0x428: {  	[tilespmem:s21+$0xFFFFFFC0] =	vst v1  }
0x429: {  	[tilespmem:s21+$0x30] =	vst v1  }
0x42a: {  	[tilespmem:s21+$0x20] =	vst v1  }
0x42b: {  	[tilespmem:s21+$0x10] =	vst v1  }
0x42c: {  	[tilespmem:s21+$0x0] =	vst v1  }
0x42d: {  	[tilespmem:s21+$0xFFFFFFF0] =	vst v1  }
0x42e: {  	s22 =	sadd.s32 $0x80, s23;
	[tilespmem:s21+$0xFFFFFFE0] =	vst v1  }
.LBB2_86:
0x42f: {  	s22 =	sadd.s32 $0x80, s22;
	[tilespmem:s21+$0xFFFFFFD0] =	vst v1;
	s21 =	sadd.s32 $0x80, s21  }
0x430: {  	[tilespmem:s21+$0xFFFFFFC0] =	vst v1;
	p0 =	slt.u32 s22, $0xF80  }
0x431: {  	[tilespmem:s21+$0x30] =	vst v1  }
.Ltmp42:
0x432: {  	[tilespmem:s21+$0x20] =	vst v1;
	(pc) =	sbr.rel @p0 .LBB2_86-.Ltmp42, $4  }
0x433: {  	[tilespmem:s21+$0x10] =	vst v1  }
0x434: {  	[tilespmem:s21+$0x0] =	vst v1  }
0x435: {  	[tilespmem:s21+$0xFFFFFFF0] =	vst v1  }
0x436: {  	[tilespmem:s21+$0xFFFFFFE0] =	vst v1  }
0x437: {  	[tilespmem:s21+$0xFFFFFFD0] =	vst v1;
	s31 =	simm.s32 $0x10040  }
0x438: {  	v5 =	vld [tilespmem:s31+$0xFFFFFFC0]  }
0x439: {  	v7 =	vld [tilespmem:s31+$0x30]  }
0x43a: {  	v6 =	vld [tilespmem:s31+$0xFFFFFFF0];
	_ =	sdelay $0x2  }
0x43b: {  	v4 =	vmov s24;
	v11 =	vld [tilespmem:s31+$0xFFFFFFE0];
	v8 =	vshra.s32 v5, $0x18;
	v5 =	vshrl.u32 v5, $0xC  }
0x43c: {  	v9 =	vld [tilespmem:s31+$0x0];
	v10 =	vshrl.u32 v7, $0xC;
	vm0 =	veq.s32 v8, v4;
	v5 =	vand.u32 $0xFF0, v5  }
0x43d: {  	v8 =	vshrl.u32 v6, $0xC;
	v6 =	vshra.s32 v6, $0x18;
	v12 =	vor.u32 v0, v5  }
0x43e: {  	v7 =	vshra.s32 v7, $0x18;
	v8 =	vand.u32 $0xFF0, v8;
	v5 =	vld [tilespmem:s31+$0x20];
	vm1 =	veq.s32 v6, v4  }
0x43f: {  	v13 =	vand.u32 $0xFF0, v10;
	vm2 =	veq.s32 v7, v4;
	v6 =	vld [tilespmem:s31+$0xFFFFFFD0];
	v8 =	vor.u32 v0, v8  }
0x440: {  	v7 =	vor.u32 v0, v13  }
0x441: {  	v14 =	vshrl.u32 v9, $0xC;
	v10 =	vshrl.u32 v11, $0xC;
	v13 =	vshra.s32 v9, $0x18;
	v9 =	vld [tilespmem:s31+$0x10]  }
0x442: {  	s21 =	simm.s32 $0x0;
	s22 =	simm.s32 $0x100C0;
	v11 =	vshra.s32 v11, $0x18;
	[tilespmem:v12+s16+$0x0] =	vst.idx.add.s32.msk vm0, v3;
	vm0 =	veq.s32 v13, v4;
	v12 =	vand.u32 $0xFF0, v14  }
.LBB2_88:
0x443: {  	v13 =	vld [tilespmem:s22+$0xFFFFFFF0];
	s21 =	sadd.s32 $0x80, s21;
	vm5 =	veq.s32 v11, v4;
	v10 =	vand.u32 $0xFF0, v10;
	v11 =	vor.u32 v0, v12  }
0x444: {  	v12 =	vshra.s32 v6, $0x18;
	p0 =	slt.u32 s21, $0x7F80;
	v10 =	vor.u32 v0, v10;
	[tilespmem:v8+s16+$0x0] =	vst.idx.add.s32.msk vm1, v3;
	v8 =	vshra.s32 v5, $0x18  }
0x445: {  	vm4 =	veq.s32 v12, v4;
	v5 =	vshrl.u32 v5, $0xC;
	vm3 =	veq.s32 v8, v4;
	[tilespmem:v7+s16+$0x0] =	vst.idx.add.s32.msk vm2, v3  }
0x446: {  	v6 =	vshrl.u32 v6, $0xC;
	v5 =	vand.u32 $0xFF0, v5;
	v7 =	vld [tilespmem:s22+$0xFFFFFFC0];
	v8 =	vshrl.u32 v9, $0xC  }
0x447: {  	v6 =	vand.u32 $0xFF0, v6;
	v9 =	vshra.s32 v9, $0x18;
	v14 =	vor.u32 v0, v5;
	v12 =	vld [tilespmem:s22+$0x30]  }
0x448: {  	vm6 =	veq.s32 v9, v4;
	v8 =	vand.u32 $0xFF0, v8;
	v15 =	vshrl.u32 v13, $0xC;
	v5 =	vld [tilespmem:s22+$0x20]  }
0x449: {  	v16 =	vor.u32 v0, v6;
	v17 =	vor.u32 v0, v8;
	v9 =	vld [tilespmem:s22+$0xFFFFFFE0]  }
0x44a: {  	[tilespmem:v10+s16+$0x0] =	vst.idx.add.s32.msk vm5, v3  }
0x44b: {  	v6 =	vshra.s32 v7, $0x18;
	v7 =	vshrl.u32 v7, $0xC;
	[tilespmem:v11+s16+$0x0] =	vst.idx.add.s32.msk vm0, v3  }
0x44c: {  	vm0 =	veq.s32 v6, v4;
	v6 =	vand.u32 $0xFF0, v7;
	v7 =	vshra.s32 v13, $0x18;
	v13 =	vld [tilespmem:s22+$0x0]  }
0x44d: {  	v8 =	vand.u32 $0xFF0, v15;
	v10 =	vshrl.u32 v12, $0xC;
	v18 =	vor.u32 v0, v6;
	v6 =	vld [tilespmem:s22+$0xFFFFFFD0]  }
.Ltmp43:
0x44e: {  	vm1 =	veq.s32 v7, v4;
	v7 =	vshra.s32 v12, $0x18;
	v11 =	vand.u32 $0xFF0, v10;
	[tilespmem:v16+s16+$0x0] =	vst.idx.add.s32.msk vm4, v3;
	(pc) =	sbr.rel @p0 .LBB2_88-.Ltmp43, $4  }
0x44f: {  	v8 =	vor.u32 v0, v8;
	vm2 =	veq.s32 v7, v4;
	[tilespmem:v14+s16+$0x0] =	vst.idx.add.s32.msk vm3, v3  }
0x450: {  	v10 =	vshrl.u32 v9, $0xC;
	v7 =	vor.u32 v0, v11;
	[tilespmem:v17+s16+$0x0] =	vst.idx.add.s32.msk vm6, v3  }
0x451: {  	v11 =	vshra.s32 v9, $0x18;
	v12 =	vshra.s32 v13, $0x18;
	v13 =	vshrl.u32 v13, $0xC;
	v9 =	vld [tilespmem:s22+$0x10]  }
0x452: {  	s22 =	sadd.s32 $0x80, s22;
	[tilespmem:v18+s16+$0x0] =	vst.idx.add.s32.msk vm0, v3;
	vm0 =	veq.s32 v12, v4;
	v12 =	vand.u32 $0xFF0, v13  }
0x453: {  	vm3 =	veq.s32 v11, v4;
	v10 =	vand.u32 $0xFF0, v10;
	v59 =	vshra.s32 v6, $0x18  }
0x454: {  	v12 =	vor.u32 v0, v12;
	v60 =	vshra.s32 v5, $0x18;
	v61 =	vshrl.u32 v6, $0xC  }
0x455: {  	v5 =	vshrl.u32 v5, $0xC;
	vm4 =	veq.s32 v59, v4;
	v10 =	vor.u32 v0, v10  }
0x456: {  	vm5 =	veq.s32 v60, v4;
	v6 =	vand.u32 $0xFF0, v61;
	v5 =	vand.u32 $0xFF0, v5  }
0x457: {  	v6 =	vor.u32 v0, v6;
	v62 =	vshrl.u32 v9, $0xC;
	v63 =	vshra.s32 v9, $0x18  }
0x458: {  	[tilespmem:v8+s16+$0x0] =	vst.idx.add.s32.msk vm1, v3;
	v5 =	vor.u32 v0, v5;
	vm15 =	veq.s32 v63, v4;
	v4 =	vand.u32 $0xFF0, v62  }
0x459: {  	[tilespmem:v7+s16+$0x0] =	vst.idx.add.s32.msk vm2, v3;
	v4 =	vor.u32 v0, v4  }
0x45a: {  	[tilespmem:v12+s16+$0x0] =	vst.idx.add.s32.msk vm0, v3  }
0x45b: {  	[tilespmem:v10+s16+$0x0] =	vst.idx.add.s32.msk vm3, v3  }
0x45c: {  	[tilespmem:v6+s16+$0x0] =	vst.idx.add.s32.msk vm4, v3  }
0x45d: {  	s20 =	ssub.s32 $0x1999, s20;
	[tilespmem:v5+s16+$0x0] =	vst.idx.add.s32.msk vm5, v3  }
0x45e: {  	s25 =	simm.s32 $0x0;
	s21 =	simm.s32 $0x100;
	s24 =	simm.s32 $0x18FF0;
	[tilespmem:v4+s16+$0x0] =	vst.idx.add.s32.msk vm15, v3  }
.LBB2_90:
0x45f: {  	v4 =	vld [tilespmem:s24+$0x0];
	_ =	sdelay $0x4  }
0x460: {  	(xrf0) =	vadd.scan.msk.s32 $0xffff, v4;
	_ =	sdelay $0x5  }
0x461: {  	v4, _, _ =	vpop (xrf0)  }
0x462: {  	(v2sf) =	vpush v4, $0xF;
	_ =	sdelay $0xe  }
0x463: {  	s23 =	spop (v2sf)  }
0x464: {  	s22 =	smov.u32 s25;
	s25 =	sadd.s32 s25, s23  }
0x465: {  	p0 =	slt.s32 s25, s20  }
.Ltmp44:
0x466: {  	_ = 	snop;
	(pc) =	sbr.rel @p0 .LBB2_90-.Ltmp44, $3  }
0x467: {  	_ =	sdelay $0x1  }
0x468: {  	s21 =	sadd.s32 $0xFFFFFFFF, s21  }
0x469: {  	s24 =	sadd.s32 $0xFFFFFFF0, s24;
	s26 =	simm.s32 $0xFFFFFF80;
	s23 =	simm.s32 $0x18040  }
0x46a: {  	[tilespmem:s23+$0xFFFFFFC0] =	vst v1  }
0x46b: {  	[tilespmem:s23+$0x30] =	vst v1  }
0x46c: {  	[tilespmem:s23+$0x20] =	vst v1  }
0x46d: {  	[tilespmem:s23+$0x10] =	vst v1  }
0x46e: {  	[tilespmem:s23+$0x0] =	vst v1  }
0x46f: {  	[tilespmem:s23+$0xFFFFFFF0] =	vst v1  }
0x470: {  	s24 =	sadd.s32 $0x80, s26;
	[tilespmem:s23+$0xFFFFFFE0] =	vst v1  }
.LBB2_92:
0x471: {  	s24 =	sadd.s32 $0x80, s24;
	[tilespmem:s23+$0xFFFFFFD0] =	vst v1;
	s23 =	sadd.s32 $0x80, s23  }
0x472: {  	[tilespmem:s23+$0xFFFFFFC0] =	vst v1;
	p0 =	slt.u32 s24, $0xF80  }
0x473: {  	[tilespmem:s23+$0x30] =	vst v1  }
.Ltmp45:
0x474: {  	[tilespmem:s23+$0x20] =	vst v1;
	(pc) =	sbr.rel @p0 .LBB2_92-.Ltmp45, $4  }
0x475: {  	[tilespmem:s23+$0x10] =	vst v1  }
0x476: {  	[tilespmem:s23+$0x0] =	vst v1  }
0x477: {  	[tilespmem:s23+$0xFFFFFFF0] =	vst v1  }
0x478: {  	[tilespmem:s23+$0xFFFFFFE0] =	vst v1  }
0x479: {  	[tilespmem:s23+$0xFFFFFFD0] =	vst v1;
	s31 =	simm.s32 $0x10040  }
0x47a: {  	v5 =	vld [tilespmem:s31+$0xFFFFFFC0]  }
0x47b: {  	v7 =	vld [tilespmem:s31+$0x30]  }
0x47c: {  	v6 =	vld [tilespmem:s31+$0xFFFFFFF0];
	_ =	sdelay $0x1  }
0x47d: {  	s21 =	sor.u32 s19, s21  }
0x47e: {  	v4 =	vmov s21;
	v11 =	vld [tilespmem:s31+$0xFFFFFFE0];
	v8 =	vshra.s32 v5, $0x10;
	v5 =	vshrl.u32 v5, $0x4  }
0x47f: {  	v9 =	vld [tilespmem:s31+$0x0];
	v10 =	vshrl.u32 v7, $0x4;
	vm0 =	veq.s32 v8, v4;
	v5 =	vand.u32 $0xFF0, v5  }
0x480: {  	v8 =	vshrl.u32 v6, $0x4;
	v6 =	vshra.s32 v6, $0x10;
	v12 =	vor.u32 v0, v5  }
0x481: {  	v7 =	vshra.s32 v7, $0x10;
	v8 =	vand.u32 $0xFF0, v8;
	v5 =	vld [tilespmem:s31+$0x20];
	vm1 =	veq.s32 v6, v4  }
0x482: {  	v13 =	vand.u32 $0xFF0, v10;
	vm2 =	veq.s32 v7, v4;
	v6 =	vld [tilespmem:s31+$0xFFFFFFD0];
	v8 =	vor.u32 v0, v8  }
0x483: {  	v7 =	vor.u32 v0, v13  }
0x484: {  	v14 =	vshrl.u32 v9, $0x4;
	v10 =	vshrl.u32 v11, $0x4;
	v13 =	vshra.s32 v9, $0x10;
	v9 =	vld [tilespmem:s31+$0x10]  }
0x485: {  	s19 =	simm.s32 $0x0;
	s23 =	simm.s32 $0x100C0;
	v11 =	vshra.s32 v11, $0x10;
	[tilespmem:v12+s16+$0x0] =	vst.idx.add.s32.msk vm0, v3;
	vm0 =	veq.s32 v13, v4;
	v12 =	vand.u32 $0xFF0, v14  }
.LBB2_94:
0x486: {  	v13 =	vld [tilespmem:s23+$0xFFFFFFF0];
	s19 =	sadd.s32 $0x80, s19;
	vm5 =	veq.s32 v11, v4;
	v10 =	vand.u32 $0xFF0, v10;
	v11 =	vor.u32 v0, v12  }
0x487: {  	v12 =	vshra.s32 v6, $0x10;
	p0 =	slt.u32 s19, $0x7F80;
	v10 =	vor.u32 v0, v10;
	[tilespmem:v8+s16+$0x0] =	vst.idx.add.s32.msk vm1, v3;
	v8 =	vshra.s32 v5, $0x10  }
0x488: {  	vm4 =	veq.s32 v12, v4;
	v5 =	vshrl.u32 v5, $0x4;
	vm3 =	veq.s32 v8, v4;
	[tilespmem:v7+s16+$0x0] =	vst.idx.add.s32.msk vm2, v3  }
0x489: {  	v6 =	vshrl.u32 v6, $0x4;
	v5 =	vand.u32 $0xFF0, v5;
	v7 =	vld [tilespmem:s23+$0xFFFFFFC0];
	v8 =	vshrl.u32 v9, $0x4  }
0x48a: {  	v6 =	vand.u32 $0xFF0, v6;
	v9 =	vshra.s32 v9, $0x10;
	v14 =	vor.u32 v0, v5;
	v12 =	vld [tilespmem:s23+$0x30]  }
0x48b: {  	vm6 =	veq.s32 v9, v4;
	v8 =	vand.u32 $0xFF0, v8;
	v15 =	vshrl.u32 v13, $0x4;
	v5 =	vld [tilespmem:s23+$0x20]  }
0x48c: {  	v16 =	vor.u32 v0, v6;
	v17 =	vor.u32 v0, v8;
	v9 =	vld [tilespmem:s23+$0xFFFFFFE0]  }
0x48d: {  	[tilespmem:v10+s16+$0x0] =	vst.idx.add.s32.msk vm5, v3  }
0x48e: {  	v6 =	vshra.s32 v7, $0x10;
	v7 =	vshrl.u32 v7, $0x4;
	[tilespmem:v11+s16+$0x0] =	vst.idx.add.s32.msk vm0, v3  }
0x48f: {  	vm0 =	veq.s32 v6, v4;
	v6 =	vand.u32 $0xFF0, v7;
	v7 =	vshra.s32 v13, $0x10;
	v13 =	vld [tilespmem:s23+$0x0]  }
0x490: {  	v8 =	vand.u32 $0xFF0, v15;
	v10 =	vshrl.u32 v12, $0x4;
	v18 =	vor.u32 v0, v6;
	v6 =	vld [tilespmem:s23+$0xFFFFFFD0]  }
.Ltmp46:
0x491: {  	vm1 =	veq.s32 v7, v4;
	v7 =	vshra.s32 v12, $0x10;
	v11 =	vand.u32 $0xFF0, v10;
	[tilespmem:v16+s16+$0x0] =	vst.idx.add.s32.msk vm4, v3;
	(pc) =	sbr.rel @p0 .LBB2_94-.Ltmp46, $4  }
0x492: {  	v8 =	vor.u32 v0, v8;
	vm2 =	veq.s32 v7, v4;
	[tilespmem:v14+s16+$0x0] =	vst.idx.add.s32.msk vm3, v3  }
0x493: {  	v10 =	vshrl.u32 v9, $0x4;
	v7 =	vor.u32 v0, v11;
	[tilespmem:v17+s16+$0x0] =	vst.idx.add.s32.msk vm6, v3  }
0x494: {  	v11 =	vshra.s32 v9, $0x10;
	v12 =	vshra.s32 v13, $0x10;
	v13 =	vshrl.u32 v13, $0x4;
	v9 =	vld [tilespmem:s23+$0x10]  }
0x495: {  	s23 =	sadd.s32 $0x80, s23;
	[tilespmem:v18+s16+$0x0] =	vst.idx.add.s32.msk vm0, v3;
	vm0 =	veq.s32 v12, v4;
	v12 =	vand.u32 $0xFF0, v13  }
0x496: {  	vm3 =	veq.s32 v11, v4;
	v10 =	vand.u32 $0xFF0, v10;
	v59 =	vshra.s32 v6, $0x10  }
0x497: {  	v12 =	vor.u32 v0, v12;
	v60 =	vshra.s32 v5, $0x10;
	v61 =	vshrl.u32 v6, $0x4  }
0x498: {  	v5 =	vshrl.u32 v5, $0x4;
	vm4 =	veq.s32 v59, v4;
	v10 =	vor.u32 v0, v10  }
0x499: {  	vm5 =	veq.s32 v60, v4;
	v6 =	vand.u32 $0xFF0, v61;
	v5 =	vand.u32 $0xFF0, v5  }
0x49a: {  	v6 =	vor.u32 v0, v6;
	v62 =	vshrl.u32 v9, $0x4;
	v63 =	vshra.s32 v9, $0x10  }
0x49b: {  	[tilespmem:v8+s16+$0x0] =	vst.idx.add.s32.msk vm1, v3;
	v5 =	vor.u32 v0, v5;
	vm15 =	veq.s32 v63, v4;
	v4 =	vand.u32 $0xFF0, v62  }
0x49c: {  	[tilespmem:v7+s16+$0x0] =	vst.idx.add.s32.msk vm2, v3;
	v4 =	vor.u32 v0, v4  }
0x49d: {  	[tilespmem:v12+s16+$0x0] =	vst.idx.add.s32.msk vm0, v3  }
0x49e: {  	[tilespmem:v10+s16+$0x0] =	vst.idx.add.s32.msk vm3, v3  }
0x49f: {  	[tilespmem:v6+s16+$0x0] =	vst.idx.add.s32.msk vm4, v3  }
0x4a0: {  	s19 =	ssub.s32 s20, s22;
	[tilespmem:v5+s16+$0x0] =	vst.idx.add.s32.msk vm5, v3  }
0x4a1: {  	s25 =	simm.s32 $0x0;
	s22 =	simm.s32 $0x100;
	s24 =	simm.s32 $0x18FF0;
	[tilespmem:v4+s16+$0x0] =	vst.idx.add.s32.msk vm15, v3  }
.LBB2_96:
0x4a2: {  	v4 =	vld [tilespmem:s24+$0x0];
	_ =	sdelay $0x4  }
0x4a3: {  	(xrf0) =	vadd.scan.msk.s32 $0xffff, v4;
	_ =	sdelay $0x5  }
0x4a4: {  	v4, _, _ =	vpop (xrf0)  }
0x4a5: {  	(v2sf) =	vpush v4, $0xF;
	_ =	sdelay $0xe  }
0x4a6: {  	s23 =	spop (v2sf)  }
0x4a7: {  	s20 =	smov.u32 s25;
	s25 =	sadd.s32 s25, s23  }
0x4a8: {  	p0 =	slt.s32 s25, s19  }
.Ltmp47:
0x4a9: {  	_ = 	snop;
	(pc) =	sbr.rel @p0 .LBB2_96-.Ltmp47, $3  }
0x4aa: {  	_ =	sdelay $0x1  }
0x4ab: {  	s22 =	sadd.s32 $0xFFFFFFFF, s22  }
0x4ac: {  	s24 =	sadd.s32 $0xFFFFFFF0, s24;
	s26 =	simm.s32 $0xFFFFFF80;
	s23 =	simm.s32 $0x18040  }
0x4ad: {  	[tilespmem:s23+$0xFFFFFFC0] =	vst v1  }
0x4ae: {  	[tilespmem:s23+$0x30] =	vst v1  }
0x4af: {  	[tilespmem:s23+$0x20] =	vst v1  }
0x4b0: {  	[tilespmem:s23+$0x10] =	vst v1  }
0x4b1: {  	[tilespmem:s23+$0x0] =	vst v1  }
0x4b2: {  	[tilespmem:s23+$0xFFFFFFF0] =	vst v1  }
0x4b3: {  	s24 =	sadd.s32 $0x80, s26;
	[tilespmem:s23+$0xFFFFFFE0] =	vst v1  }
.LBB2_98:
0x4b4: {  	s24 =	sadd.s32 $0x80, s24;
	[tilespmem:s23+$0xFFFFFFD0] =	vst v1;
	s23 =	sadd.s32 $0x80, s23  }
0x4b5: {  	[tilespmem:s23+$0xFFFFFFC0] =	vst v1;
	p0 =	slt.u32 s24, $0xF80  }
0x4b6: {  	[tilespmem:s23+$0x30] =	vst v1  }
.Ltmp48:
0x4b7: {  	[tilespmem:s23+$0x20] =	vst v1;
	(pc) =	sbr.rel @p0 .LBB2_98-.Ltmp48, $4  }
0x4b8: {  	[tilespmem:s23+$0x10] =	vst v1  }
0x4b9: {  	[tilespmem:s23+$0x0] =	vst v1  }
0x4ba: {  	[tilespmem:s23+$0xFFFFFFF0] =	vst v1  }
0x4bb: {  	[tilespmem:s23+$0xFFFFFFE0] =	vst v1  }
0x4bc: {  	[tilespmem:s23+$0xFFFFFFD0] =	vst v1;
	s31 =	simm.s32 $0x10040  }
0x4bd: {  	v5 =	vld [tilespmem:s31+$0x30]  }
0x4be: {  	v6 =	vld [tilespmem:s31+$0xFFFFFFD0]  }
0x4bf: {  	v7 =	vld [tilespmem:s31+$0xFFFFFFE0]  }
0x4c0: {  	v8 =	vld [tilespmem:s31+$0xFFFFFFF0]  }
0x4c1: {  	s21 =	sshll.u32 s21, $0x8;
	v13 =	vld [tilespmem:s31+$0xFFFFFFC0]  }
0x4c2: {  	s21 =	sor.u32 s21, s22  }
0x4c3: {  	v10 =	vld [tilespmem:s31+$0x0];
	v4 =	vmov s21;
	v9 =	vshra.s32 v5, $0x8;
	v5 =	vshll.u32 v5, $0x4  }
0x4c4: {  	v12 =	vld [tilespmem:s31+$0x10];
	v11 =	vshll.u32 v6, $0x4;
	v16 =	vshra.s32 v6, $0x8;
	v6 =	vshll.u32 v7, $0x4  }
0x4c5: {  	v18 =	vshra.s32 v7, $0x8;
	v7 =	vshll.u32 v8, $0x4;
	v8 =	vshra.s32 v8, $0x8  }
0x4c6: {  	v14 =	vld [tilespmem:s31+$0x20];
	v20 =	vshra.s32 v13, $0x8;
	v15 =	vshll.u32 v13, $0x4;
	vm1 =	veq.s32 v9, v4  }
0x4c7: {  	v5 =	vor.u32 v0, v5;
	v17 =	vor.u32 v0, v11;
	v19 =	vor.u32 v0, v6  }
0x4c8: {  	v6 =	vshll.u32 v10, $0x4;
	v9 =	vor.u32 v0, v7;
	v5 =	vand.u32 $0xFFF, v5  }
0x4c9: {  	v10 =	vshra.s32 v10, $0x8;
	v7 =	vshll.u32 v12, $0x4;
	v12 =	vshra.s32 v12, $0x8  }
0x4ca: {  	vm2 =	veq.s32 v20, v4;
	vm0 =	veq.s32 v16, v4;
	v11 =	vor.u32 v0, v6  }
0x4cb: {  	v6 =	vshll.u32 v14, $0x4;
	v13 =	vor.u32 v0, v7;
	v7 =	vor.u32 v0, v15  }
0x4cc: {  	v15 =	vshra.s32 v14, $0x8;
	v14 =	vor.u32 v0, v6;
	v6 =	vand.u32 $0xFFF, v7  }
0x4cd: {  	s23 =	simm.s32 $0x100C0;
	s22 =	simm.s32 $0x0;
	v7 =	vand.u32 $0xFFF, v17;
	[tilespmem:v5+s16+$0x0] =	vst.idx.add.s32.msk vm1, v3;
	vm1 =	veq.s32 v18, v4;
	v5 =	vand.u32 $0xFFF, v19  }
.LBB2_100:
0x4ce: {  	v16 =	vld [tilespmem:s23+$0x30];
	s22 =	sadd.s32 $0x80, s22;
	vm6 =	veq.s32 v8, v4;
	v17 =	vand.u32 $0xFFF, v9;
	vm4 =	veq.s32 v10, v4  }
0x4cf: {  	v18 =	vand.u32 $0xFFF, v11;
	vm5 =	veq.s32 v12, v4;
	v19 =	vand.u32 $0xFFF, v13;
	v8 =	vld [tilespmem:s23+$0xFFFFFFD0];
	p0 =	slt.u32 s22, $0x7F80  }
0x4d0: {  	vm3 =	veq.s32 v15, v4;
	v20 =	vand.u32 $0xFFF, v14;
	v9 =	vld [tilespmem:s23+$0xFFFFFFE0]  }
0x4d1: {  	v10 =	vld [tilespmem:s23+$0xFFFFFFF0]  }
0x4d2: {  	v11 =	vld [tilespmem:s23+$0x0]  }
0x4d3: {  	v12 =	vld [tilespmem:s23+$0x10];
	v13 =	vshra.s32 v16, $0x8;
	v14 =	vshll.u32 v16, $0x4  }
0x4d4: {  	v15 =	vshll.u32 v8, $0x4;
	v16 =	vld [tilespmem:s23+$0x20];
	vm7 =	veq.s32 v13, v4;
	v13 =	vor.u32 v0, v14  }
0x4d5: {  	v21 =	vshra.s32 v8, $0x8;
	v14 =	vld [tilespmem:s23+$0xFFFFFFC0];
	v8 =	vshll.u32 v9, $0x4;
	v22 =	vand.u32 $0xFFF, v13  }
0x4d6: {  	v23 =	vor.u32 v0, v15;
	v24 =	vshra.s32 v9, $0x8;
	v9 =	vshll.u32 v10, $0x4;
	[tilespmem:v6+s16+$0x0] =	vst.idx.add.s32.msk vm2, v3  }
0x4d7: {  	v25 =	vor.u32 v0, v8;
	v8 =	vshra.s32 v10, $0x8;
	v6 =	vshll.u32 v11, $0x4;
	[tilespmem:v7+s16+$0x0] =	vst.idx.add.s32.msk vm0, v3  }
0x4d8: {  	v9 =	vor.u32 v0, v9;
	v10 =	vshra.s32 v11, $0x8;
	v7 =	vshll.u32 v12, $0x4;
	[tilespmem:v5+s16+$0x0] =	vst.idx.add.s32.msk vm1, v3  }
.Ltmp49:
0x4d9: {  	v11 =	vor.u32 v0, v6;
	v12 =	vshra.s32 v12, $0x8;
	v5 =	vshll.u32 v16, $0x4;
	[tilespmem:v17+s16+$0x0] =	vst.idx.add.s32.msk vm6, v3;
	(pc) =	sbr.rel @p0 .LBB2_100-.Ltmp49, $4  }
0x4da: {  	v13 =	vor.u32 v0, v7;
	v6 =	vshra.s32 v14, $0x8;
	v14 =	vshll.u32 v14, $0x4;
	[tilespmem:v22+s16+$0x0] =	vst.idx.add.s32.msk vm7, v3  }
0x4db: {  	v15 =	vshra.s32 v16, $0x8;
	v7 =	vor.u32 v0, v14;
	v14 =	vor.u32 v0, v5;
	[tilespmem:v18+s16+$0x0] =	vst.idx.add.s32.msk vm4, v3  }
0x4dc: {  	vm0 =	veq.s32 v21, v4;
	vm2 =	veq.s32 v6, v4;
	v6 =	vand.u32 $0xFFF, v7;
	[tilespmem:v19+s16+$0x0] =	vst.idx.add.s32.msk vm5, v3  }
0x4dd: {  	s23 =	sadd.s32 $0x80, s23;
	vm1 =	veq.s32 v24, v4;
	v5 =	vand.u32 $0xFFF, v25;
	v7 =	vand.u32 $0xFFF, v23;
	[tilespmem:v20+s16+$0x0] =	vst.idx.add.s32.msk vm3, v3  }
0x4de: {  	_ =	sdelay $0x1  }
0x4df: {  	vm3 =	veq.s32 v8, v4  }
0x4e0: {  	v61 =	vand.u32 $0xFFF, v9;
	vm4 =	veq.s32 v10, v4  }
0x4e1: {  	v62 =	vand.u32 $0xFFF, v11;
	vm5 =	veq.s32 v12, v4  }
0x4e2: {  	v63 =	vand.u32 $0xFFF, v13;
	vm6 =	veq.s32 v15, v4;
	[tilespmem:v6+s16+$0x0] =	vst.idx.add.s32.msk vm2, v3  }
0x4e3: {  	v4 =	vand.u32 $0xFFF, v14;
	[tilespmem:v7+s16+$0x0] =	vst.idx.add.s32.msk vm0, v3  }
0x4e4: {  	[tilespmem:v5+s16+$0x0] =	vst.idx.add.s32.msk vm1, v3  }
0x4e5: {  	[tilespmem:v61+s16+$0x0] =	vst.idx.add.s32.msk vm3, v3  }
0x4e6: {  	[tilespmem:v62+s16+$0x0] =	vst.idx.add.s32.msk vm4, v3  }
0x4e7: {  	s19 =	ssub.s32 s19, s20;
	[tilespmem:v63+s16+$0x0] =	vst.idx.add.s32.msk vm5, v3  }
0x4e8: {  	s20 =	simm.s32 $0x0;
	s22 =	simm.s32 $0x100;
	s23 =	simm.s32 $0x18FF0;
	[tilespmem:v4+s16+$0x0] =	vst.idx.add.s32.msk vm6, v3  }
.LBB2_102:
0x4e9: {  	v4 =	vld [tilespmem:s23+$0x0];
	_ =	sdelay $0x4  }
0x4ea: {  	(xrf0) =	vadd.scan.msk.s32 $0xffff, v4;
	_ =	sdelay $0x5  }
0x4eb: {  	v4, _, _ =	vpop (xrf0)  }
0x4ec: {  	(v2sf) =	vpush v4, $0xF;
	_ =	sdelay $0xe  }
0x4ed: {  	s24 =	spop (v2sf)  }
0x4ee: {  	s20 =	sadd.s32 s20, s24  }
0x4ef: {  	p0 =	slt.s32 s20, s19  }
.Ltmp50:
0x4f0: {  	_ = 	snop;
	(pc) =	sbr.rel @p0 .LBB2_102-.Ltmp50, $2  }
0x4f1: {  	_ =	sdelay $0x2  }
0x4f2: {  	s22 =	sadd.s32 $0xFFFFFFFF, s22;
	s23 =	sadd.s32 $0xFFFFFFF0, s23  }
0x4f3: {  	s19 =	simm.s32 $0x8040  }
0x4f4: {  	s20 =	simm.s32 $0x10040;
	v11 =	vld [tilespmem:s19+$0x30]  }
0x4f5: {  	v12 =	vld [tilespmem:s20+$0x30]  }
0x4f6: {  	v10 =	vld [tilespmem:s19+$0xFFFFFFD0]  }
0x4f7: {  	v9 =	vld [tilespmem:s19+$0xFFFFFFE0]  }
0x4f8: {  	v8 =	vld [tilespmem:s19+$0xFFFFFFF0]  }
0x4f9: {  	v7 =	vld [tilespmem:s19+$0x0]  }
0x4fa: {  	v6 =	vld [tilespmem:s19+$0x10]  }
0x4fb: {  	v5 =	vld [tilespmem:s19+$0x20]  }
0x4fc: {  	v20 =	vld [tilespmem:s19+$0xFFFFFFC0]  }
0x4fd: {  	v17 =	vld [tilespmem:s20+$0xFFFFFFC0]  }
0x4fe: {  	s21 =	sshll.u32 s21, $0x8;
	v23 =	vld [tilespmem:s20+$0xFFFFFFD0]  }
0x4ff: {  	s21 =	sor.u32 s21, s22;
	v21 =	vld [tilespmem:s20+$0xFFFFFFE0];
	v13 =	vsub.f32 $1.000000000e+00, v11;
	v16 =	vsub.f32 $1.000000000e+00, v10  }
0x500: {  	v18 =	vld [tilespmem:s20+$0xFFFFFFF0];
	v4 =	vmov s21;
	v15 =	vsub.f32 $1.000000000e+00, v9;
	v14 =	vsub.f32 $1.000000000e+00, v8  }
0x501: {  	v19 =	vld [tilespmem:s20+$0x0];
	vm0 =	vlt.s32 v12, v4;
	v22 =	vsub.f32 $1.000000000e+00, v20;
	v12 =	vsub.f32 $1.000000000e+00, v6  }
0x502: {  	v11 =	vsel vm0, v11, v13;
	v13 =	vsub.f32 $1.000000000e+00, v7;
	vm0 =	vlt.s32 v17, v4;
	v17 =	vld [tilespmem:s20+$0x10]  }
0x503: {  	s22 =	simm.s32 $0x80C0;
	s21 =	simm.s32 $0x0;
	[tilespmem:s19+$0x30] =	vst v11;
	v11 =	vsub.f32 $1.000000000e+00, v5;
	v22 =	vsel vm0, v20, v22;
	vm0 =	vlt.s32 v23, v4;
	v20 =	vld [tilespmem:s20+$0x20]  }
.LBB2_104:
0x504: {  	v23 =	vld [tilespmem:s22+$0x30];
	s21 =	sadd.s32 $0x80, s21;
	[tilespmem:s19+$0xFFFFFFC0] =	vst v22;
	v10 =	vsel vm0, v10, v16;
	vm0 =	vlt.s32 v21, v4;
	s20 =	sadd.s32 $0x80, s20  }
0x505: {  	v16 =	vld [tilespmem:s20+$0x30];
	p0 =	slt.u32 s21, $0x7F80;
	[tilespmem:s19+$0xFFFFFFD0] =	vst v10;
	v9 =	vsel vm0, v9, v15;
	vm0 =	vlt.s32 v18, v4  }
0x506: {  	v10 =	vld [tilespmem:s22+$0xFFFFFFD0];
	[tilespmem:s19+$0xFFFFFFE0] =	vst v9;
	v8 =	vsel vm0, v8, v14;
	vm0 =	vlt.s32 v19, v4  }
0x507: {  	v9 =	vld [tilespmem:s22+$0xFFFFFFE0];
	[tilespmem:s19+$0xFFFFFFF0] =	vst v8;
	v7 =	vsel vm0, v7, v13;
	vm0 =	vlt.s32 v17, v4  }
0x508: {  	v8 =	vld [tilespmem:s22+$0xFFFFFFF0];
	[tilespmem:s19+$0x0] =	vst v7;
	v6 =	vsel vm0, v6, v12;
	vm0 =	vlt.s32 v20, v4  }
0x509: {  	v7 =	vld [tilespmem:s22+$0x0];
	v12 =	vsub.f32 $1.000000000e+00, v23;
	[tilespmem:s19+$0x10] =	vst v6;
	v5 =	vsel vm0, v5, v11  }
0x50a: {  	v6 =	vld [tilespmem:s22+$0x10];
	vm0 =	vlt.s32 v16, v4;
	[tilespmem:s19+$0x20] =	vst v5;
	s19 =	smov.u32 s22  }
0x50b: {  	v16 =	vsub.f32 $1.000000000e+00, v10;
	v5 =	vld [tilespmem:s22+$0x20];
	v11 =	vsel vm0, v23, v12  }
0x50c: {  	v20 =	vld [tilespmem:s22+$0xFFFFFFC0];
	v15 =	vsub.f32 $1.000000000e+00, v9;
	[tilespmem:s22+$0x30] =	vst v11  }
0x50d: {  	v17 =	vld [tilespmem:s20+$0xFFFFFFC0];
	v14 =	vsub.f32 $1.000000000e+00, v8  }
0x50e: {  	v23 =	vld [tilespmem:s20+$0xFFFFFFD0];
	v13 =	vsub.f32 $1.000000000e+00, v7  }
.Ltmp51:
0x50f: {  	v21 =	vld [tilespmem:s20+$0xFFFFFFE0];
	v12 =	vsub.f32 $1.000000000e+00, v6;
	(pc) =	sbr.rel @p0 .LBB2_104-.Ltmp51, $4  }
0x510: {  	v18 =	vld [tilespmem:s20+$0xFFFFFFF0];
	v11 =	vsub.f32 $1.000000000e+00, v5  }
0x511: {  	v22 =	vsub.f32 $1.000000000e+00, v20;
	v19 =	vld [tilespmem:s20+$0x0]  }
0x512: {  	vm0 =	vlt.s32 v17, v4;
	v17 =	vld [tilespmem:s20+$0x10]  }
0x513: {  	s22 =	sadd.s32 $0x80, s22;
	v22 =	vsel vm0, v20, v22;
	vm0 =	vlt.s32 v23, v4;
	v20 =	vld [tilespmem:s20+$0x20]  }
0x514: {  	[tilespmem:s19+$0xFFFFFFC0] =	vst v22;
	v10 =	vsel vm0, v10, v16;
	vm11 =	vlt.s32 v21, v4  }
0x515: {  	[tilespmem:s19+$0xFFFFFFD0] =	vst v10;
	v9 =	vsel vm11, v9, v15;
	vm12 =	vlt.s32 v18, v4  }
0x516: {  	[tilespmem:s19+$0xFFFFFFE0] =	vst v9;
	v8 =	vsel vm12, v8, v14;
	vm13 =	vlt.s32 v19, v4  }
0x517: {  	[tilespmem:s19+$0xFFFFFFF0] =	vst v8;
	v7 =	vsel vm13, v7, v13;
	vm14 =	vlt.s32 v17, v4  }
0x518: {  	[tilespmem:s19+$0x0] =	vst v7;
	v6 =	vsel vm14, v6, v12;
	vm15 =	vlt.s32 v20, v4  }
0x519: {  	[tilespmem:s19+$0x10] =	vst v6;
	v4 =	vsel vm15, v5, v11  }
0x51a: {  	s18 =	sadd.s32 $0x1, s18;
	[tilespmem:s19+$0x20] =	vst v4  }
0x51b: {  	[hbm4b:s10+s12] =	stream.strided.scatter [tilespmem:s15], [sflag:$0x2], $0x8000, s13, s12, $0x38;
	[tilespmem:$0x19000] =	vst v63  }
0x51c: {  	p0 =	sne.s32 s18, s11;
	_ =	swait.ge [sflag:s17], $0x8000  }
.Ltmp52:
0x51d: {  	[sflag:s17] =	ssyncset.done $0x0;
	(pc) =	sbr.rel @p0 .LBB2_1-.Ltmp52, $4  }
0x51e: {  	[sflag:s17] =	ssyncadd.s32 $0xFFFF8000  }
0x51f: {  	_ =	swait.ge [sflag:s17], $0x8000  }
0x520: {  	[sflag:s17] =	ssyncset.done $0x0  }
0x521: {  	[sflag:s17] =	ssyncadd.s32 $0xFFFF8000  }
0x522: {  	_ =	sfence.sel $0x180000  }
0x523: {  	[bflag:$0x0] =	sbarrier.arrive $0xFFFF  }
0x524: {  	p0 =	sne.s32 s1, $0x0;
	_ =	strace $0x90000047  }
0x525: {  	s0 =	sadd.s32 @!p0 $0x100000, s0;
	[bflag:$0x2] =	sbarrier.arrive $0xFFFF  }
0x526: {  	[sflag:s0] =	ssyncadd.tile.s32 @!p0 $0x1;
	_ =	shalt  }
.Lfunc_end2:
_tile_overlayer_lowered:
.L_overlay_start_2:
0x527: {  	(tag) =	ssettag $0x2  }
0x528: {  	s0 =	rddreg [dreg:$0x0];
	s2 =	stileid.u32  }
0x529: {  	s1 =	rddreg [dreg:$0x1];
	p0 =	sne.s32 s2, $0x0  }
0x52a: {  	s3 =	rddreg [dreg:$0x2];
	[bflag:$0x3] =	sbarrier.arrive $0xFFFF;
	s2 =	simm.s32 @!p0 $0x1C03  }
0x52b: {  	[timem:s3], [sflag:s2] =	dma.local @!p0 [hbm:s0], s1  }
0x52c: {  	s0 =	simm.s32 @!p0 $0x3  }
0x52d: {  	_ =	swait.ge @!p0 [sflag:s0], s1  }
0x52e: {  	s1 =	ssub.s32 @!p0 $0x0, s1;
	[sflag:s0] =	ssyncset.done @!p0 $0x0  }
0x52f: {  	[sflag:s0] =	ssyncadd.s32 @!p0 s1  }
0x530: {  	[bflag:$0x3] =	sbarrier.arrive $0xFFFF  }
0x531: {  	_ =	shalt  }

</sc_bundles>
